<compile_context>
chip_gen: v7x
topology: tpu7x:2x2x1
jax: 0.10.2.dev20260603
libtpu: 0.0.44.dev20260713+nightly
codegen_flags: <defaults>
</compile_context>

<pallas_src>
import jax
import jax.numpy as jnp
from jax import lax
from jax.experimental import pallas as pl
from jax.experimental.pallas import tpu as pltpu
from jax.experimental.pallas import tpu_sc as plsc

N, NQ, NC = 64, 1000, 1000
NE = NQ * NC
K = NQ
CAP = 2048
NBINS = 16384
BIN_SHIFT = 18
CHUNK = 40000
NCHUNKS = NE // CHUNK
UNROLL = 4
NWORKERS = 32
ROWS_PER_W = N // NWORKERS
PAD_IDX = NE
RBLK = 128


def _sc_select_body(x_hbm, out_x_hbm, out_i_hbm, buf0, buf1, hist,
                    cand_v, cand_i, sem0, sem1):
    wid = lax.axis_index("s") * 2 + lax.axis_index("c")
    lanes = lax.iota(jnp.int32, 16)
    ones_i = jnp.ones((16,), jnp.int32)
    zeros_i = jnp.zeros((16,), jnp.int32)
    minint = jnp.full((16,), jnp.int32(-2147483648), jnp.int32)

    def monotone_bin(x):
        b = lax.bitcast_convert_type(x, jnp.int32)
        m = lax.shift_right_arithmetic(b, 31)
        u = lax.bitwise_xor(b, lax.bitwise_or(m, minint))
        return lax.shift_right_logical(u, BIN_SHIFT)

    def chunk_src(r, c):
        return x_hbm.at[pl.ds(r * NE + c * CHUNK, CHUNK)]

    def dma(r, c, buf, sem):
        return pltpu.make_async_copy(chunk_src(r, c), buf, sem)

    def ring_loop(r, compute, carry_init):
        dma(r, 0, buf0, sem0).start()

        def body(c, carry):
            even = lax.rem(c, 2) == 0

            def step(buf_a, sem_a, buf_b, sem_b, carry):
                @pl.when(c + 1 < NCHUNKS)
                def _():
                    dma(r, c + 1, buf_b, sem_b).start()

                dma(r, c, buf_a, sem_a).wait()
                return compute(c, buf_a, carry)

            return lax.cond(
                even,
                lambda cr: step(buf0, sem0, buf1, sem1, cr),
                lambda cr: step(buf1, sem1, buf0, sem0, cr),
                carry,
            )

        return lax.fori_loop(0, NCHUNKS, body, carry_init)

    for rr in range(ROWS_PER_W):
        r = wid * ROWS_PER_W + rr

        def zero_hist(i, _):
            hist[pl.ds(i * 16, 16)] = zeros_i
            return 0

        lax.fori_loop(0, NBINS // 16, zero_hist, 0)

        def p1_compute(c, b, _):
            def it(i, _):
                for u in range(UNROLL):
                    x = b[pl.ds(i * (16 * UNROLL) + u * 16, 16)]
                    bn = monotone_bin(x)
                    plsc.addupdate_scatter(hist, [bn], ones_i)
                return 0

            lax.fori_loop(0, CHUNK // (16 * UNROLL), it, 0)
            return 0

        ring_loop(r, p1_compute, 0)

        def scan_bins(j, carry):
            run, best = carry
            jj = NBINS // 16 - 1 - j
            v = hist[pl.ds(jj * 16, 16)]
            pre = plsc.cumsum(v)
            tot = jnp.max(pre)
            suf = (run + tot) - pre + v
            mask = suf >= K
            bvec = jnp.where(mask, jnp.broadcast_to(jj * 16, (16,)) + lanes,
                             jnp.full((16,), -1, jnp.int32))
            best = jnp.maximum(best, jnp.max(bvec))
            return (run + tot, best)

        _, b1 = lax.fori_loop(0, NBINS // 16, scan_bins,
                              (jnp.int32(0), jnp.int32(-1)))
        b_star = jnp.maximum(b1 - 1, 0)
        bsv = jnp.broadcast_to(b_star, (16,))

        def prefill(i, _):
            cand_v[pl.ds(i * 16, 16)] = jnp.full((16,), -jnp.inf, jnp.float32)
            cand_i[pl.ds(i * 16, 16)] = jnp.full((16,), PAD_IDX, jnp.int32)
            return 0

        lax.fori_loop(0, CAP // 16, prefill, 0)

        def p2_compute(c, b, off):
            def it(i, off):
                for u in range(UNROLL):
                    base = i * (16 * UNROLL) + u * 16
                    x = b[pl.ds(base, 16)]
                    bn = monotone_bin(x)
                    m = bn >= bsv
                    mi = jnp.where(m, ones_i, zeros_i)
                    pos = off + plsc.cumsum(mi) - 1
                    m2 = jnp.logical_and(m, pos < CAP)
                    plsc.store_scatter(cand_v, [pos], x, mask=m2)
                    idxv = jnp.broadcast_to(c * CHUNK + base, (16,)) + lanes
                    plsc.store_scatter(cand_i, [pos], idxv, mask=m2)
                    off = off + plsc.all_reduce_population_count(m)
                return off

            return lax.fori_loop(0, CHUNK // (16 * UNROLL), it, off)

        ring_loop(r, p2_compute, zeros_i)

        pltpu.sync_copy(cand_v, out_x_hbm.at[pl.ds(r * CAP, CAP)])
        pltpu.sync_copy(cand_i, out_i_hbm.at[pl.ds(r * CAP, CAP)])


def _sc_select(logits_flat):
    mesh = plsc.VectorSubcoreMesh(core_axis_name="c", subcore_axis_name="s")
    kern = pl.kernel(
        _sc_select_body,
        out_type=[
            jax.ShapeDtypeStruct((N * CAP,), jnp.float32),
            jax.ShapeDtypeStruct((N * CAP,), jnp.int32),
        ],
        mesh=mesh,
        scratch_types=[
            pltpu.VMEM((CHUNK,), jnp.float32),
            pltpu.VMEM((CHUNK,), jnp.float32),
            pltpu.VMEM((NBINS,), jnp.int32),
            pltpu.VMEM((CAP,), jnp.float32),
            pltpu.VMEM((CAP,), jnp.int32),
            pltpu.SemaphoreType.DMA,
            pltpu.SemaphoreType.DMA,
        ],
        compiler_params=pltpu.CompilerParams(needs_layout_passes=False),
    )
    return kern(logits_flat)


def _rank_body(xr_ref, xT_ref, iT_ref, c_ref, l_ref, ts_ref,
               scores_ref, labels_ref, tb_ref, ti_ref,
               b0_ref, b1_ref, r0_ref, r1_ref):
    p_row = jax.nn.sigmoid(xr_ref[0])
    p_col = jax.nn.sigmoid(xT_ref[0])

    lane_pos = lax.broadcasted_iota(jnp.int32, (RBLK, CAP), 1)
    blocks = []
    for ib in range(CAP // RBLK):
        pc = p_col[ib * RBLK:(ib + 1) * RBLK, :]
        ipos = (lax.broadcasted_iota(jnp.int32, (RBLK, CAP), 0)
                + ib * RBLK)
        gt = p_row > pc
        tie = jnp.logical_and(p_row == pc, lane_pos < ipos)
        e = jnp.where(jnp.logical_or(gt, tie), 1.0, 0.0)
        blocks.append(jnp.sum(e, axis=1, keepdims=True))
    rank_col = jnp.concatenate(blocks, axis=0).astype(jnp.int32)

    idx_col = iT_ref[0]
    q_col = idx_col // NC
    lab_col = idx_col - q_col * NC

    cc = c_ref[0]
    ll = l_ref[0]
    s0 = cc - 0.5 * ll
    s1 = cc + 0.5 * ll
    r0_ref[...] = s0.reshape(1, 1, NQ)
    r1_ref[...] = s1.reshape(1, 1, NQ)
    cl0 = jnp.clip(s0, 0.0, 1.0)
    cl1 = jnp.clip(s1, 0.0, 1.0)

    qiota = lax.broadcasted_iota(jnp.int32, (CAP, NQ), 1)
    oq = jnp.where(q_col == qiota, 1.0, 0.0)
    dn = (((1,), (1,)), ((), ()))
    bc0 = lax.dot_general(oq, cl0, dn, precision=lax.Precision.HIGHEST)
    bc1 = lax.dot_general(oq, cl1, dn, precision=lax.Precision.HIGHEST)

    vals = jnp.concatenate(
        [p_col, idx_col.astype(jnp.float32), lab_col.astype(jnp.float32),
         q_col.astype(jnp.float32), bc0, bc1], axis=1)
    kiota = lax.broadcasted_iota(jnp.int32, (CAP, NQ), 1)
    oh = jnp.where(rank_col == kiota, 1.0, 0.0)
    dn0 = (((0,), (0,)), ((), ()))
    out6 = lax.dot_general(vals, oh, dn0,
                           precision=lax.Precision.HIGHEST)

    ts = ts_ref[0, 0, 0]
    scores_ref[...] = out6[0:1, :].reshape(1, 1, NQ)
    ti_ref[...] = out6[1:2, :].astype(jnp.int32).reshape(1, 1, NQ)
    labels_ref[...] = out6[2:3, :].astype(jnp.int32).reshape(1, 1, NQ)
    tb_ref[...] = out6[3:4, :].astype(jnp.int32).reshape(1, 1, NQ)
    b0_ref[...] = (out6[4:5, :] * ts).reshape(1, 1, NQ)
    b1_ref[...] = (out6[5:6, :] * ts).reshape(1, 1, NQ)


def _eseq_body(pc_ref, out_ref):
    pc = pc_ref[...]
    mx = jnp.max(pc, axis=1, keepdims=True)
    ii = lax.broadcasted_iota(jnp.int32, pc.shape, 1)
    first = jnp.min(jnp.where(pc == mx, ii, 101), axis=1, keepdims=True)
    out_ref[...] = jnp.maximum(first, 1)


def kernel(pred_logits, pred_boxes, target_sizes, pred_count):
    logits_flat = pred_logits.reshape(N * NE)
    cand_x_flat, cand_i_flat = _sc_select(logits_flat)

    cand_x = cand_x_flat.reshape(N, 1, CAP)
    cand_xT = cand_x_flat.reshape(N, CAP, 1)
    cand_iT = cand_i_flat.reshape(N, CAP, 1)
    c3 = pred_boxes[..., 0].reshape(N, 1, NQ)
    l3 = pred_boxes[..., 1].reshape(N, 1, NQ)
    ts3 = target_sizes.reshape(N, 1, 1)

    row = lambda i: (i, 0, 0)
    f32 = jnp.float32
    i32 = jnp.int32
    outs = pl.pallas_call(
        _rank_body,
        grid=(N,),
        in_specs=[
            pl.BlockSpec((1, 1, CAP), row),
            pl.BlockSpec((1, CAP, 1), row),
            pl.BlockSpec((1, CAP, 1), row),
            pl.BlockSpec((1, 1, NQ), row),
            pl.BlockSpec((1, 1, NQ), row),
            pl.BlockSpec((1, 1, 1), row),
        ],
        out_specs=[
            pl.BlockSpec((1, 1, NQ), row), pl.BlockSpec((1, 1, NQ), row),
            pl.BlockSpec((1, 1, NQ), row), pl.BlockSpec((1, 1, NQ), row),
            pl.BlockSpec((1, 1, NQ), row), pl.BlockSpec((1, 1, NQ), row),
            pl.BlockSpec((1, 1, NQ), row), pl.BlockSpec((1, 1, NQ), row),
        ],
        out_shape=[
            jax.ShapeDtypeStruct((N, 1, NQ), f32),
            jax.ShapeDtypeStruct((N, 1, NQ), i32),
            jax.ShapeDtypeStruct((N, 1, NQ), i32),
            jax.ShapeDtypeStruct((N, 1, NQ), i32),
            jax.ShapeDtypeStruct((N, 1, NQ), f32),
            jax.ShapeDtypeStruct((N, 1, NQ), f32),
            jax.ShapeDtypeStruct((N, 1, NQ), f32),
            jax.ShapeDtypeStruct((N, 1, NQ), f32),
        ],
    )(cand_x, cand_xT, cand_iT, c3, l3, ts3)
    scores, labels, tb, ti, b0, b1, r0, r1 = outs

    eseq = pl.pallas_call(
        _eseq_body,
        out_shape=jax.ShapeDtypeStruct((N, 1), jnp.int32),
    )(pred_count)

    scores = scores.reshape(N, NQ)
    labels = labels.reshape(N, NQ)
    topk_boxes = tb.reshape(N, NQ)
    topk_indexes = ti.reshape(N, NQ)
    boxes = jnp.stack([b0.reshape(N, NQ), b1.reshape(N, NQ)], axis=-1)
    raw_boxes = jnp.stack([r0.reshape(N, NQ), r1.reshape(N, NQ)], axis=-1)
    eseq_lens = eseq.reshape(N)
    return (scores, labels, boxes, raw_boxes, topk_boxes, eseq_lens,
            topk_indexes)

# --- scband reference (transcript-rebuilt; emitter-appended) ---
"""Pipeline reference for scband-post-process-25451976196950 (READ-ONLY COPY).

The authoritative reference and input builder live on the scoring server;
editing this copy changes nothing except your own understanding.
"""

import jax, jax.numpy as jnp
import numpy as np


def box_cl_to_xy(x):
    # temporal boxes: (center, length) -> (start, end)
    c = x[..., 0]
    l = x[..., 1]
    return jnp.stack([c - 0.5 * l, c + 0.5 * l], axis=-1)


def setup_inputs(seed: int = 0) -> dict:
    key = jax.random.key(seed)
    k1, k2, k3, k4 = jax.random.split(key, 4)
    N, Nq, Nc = 64, 1000, 1000
    pred_logits = jax.random.normal(k1, (N, Nq, Nc), dtype=jnp.float32)
    pred_boxes = jax.random.uniform(k2, (N, Nq, 2), dtype=jnp.float32)
    target_sizes = jax.random.uniform(k3, (N,), dtype=jnp.float32)
    pred_count = jax.random.normal(k4, (N, 101), dtype=jnp.float32)
    return {
        "pred_logits": pred_logits,
        "pred_boxes": pred_boxes,
        "target_sizes": target_sizes,
        "pred_count": pred_count,
    }


def reference(pred_logits, pred_boxes, target_sizes, pred_count):
    N, Nq, Nc = pred_logits.shape
    prob = jax.nn.sigmoid(pred_logits)
    flat = prob.reshape(N, Nq * Nc)
    # topk over flattened (query, class) scores, k = N_q
    topk_values, topk_indexes = jax.lax.top_k(flat, Nq)
    scores = topk_values
    topk_boxes = topk_indexes // Nc
    labels = topk_indexes % Nc
    boxes = box_cl_to_xy(pred_boxes)
    raw_boxes = boxes
    # clamp to [0, 1] (boxes[boxes<0]=0; boxes[boxes>1]=1)
    boxes = jnp.clip(boxes, 0.0, 1.0)
    # gather boxes by topk query index
    gather_idx = jnp.broadcast_to(topk_boxes[:, :, None], (N, Nq, 2))
    boxes = jnp.take_along_axis(boxes, gather_idx, axis=1)
    # scale to video durations
    scale_fct = jnp.stack([target_sizes, target_sizes], axis=1)
    boxes = boxes * scale_fct[:, None, :]
    # predicted event-sequence length, clamped to >= 1
    eseq_lens = jnp.maximum(jnp.argmax(pred_count, axis=-1), 1)
    return (scores, labels, boxes, raw_boxes, topk_boxes, eseq_lens, topk_indexes)

if __name__ == "__main__":
    import jax
    _d = setup_inputs()
    print(jax.jit(kernel)(*tuple(_d.values())))

</pallas_src>

<mosaic_0001>
#map = affine_map<(d0, d1) -> (0)>
module attributes {stable_mosaic.version = 14 : i64} {
  func.func @_sc_select_body(%arg0: i32, %arg1: i32, %arg2: memref<64000000xf32, #tpu.memory_space<hbm>>, %arg3: memref<131072xf32, #tpu.memory_space<hbm>>, %arg4: memref<131072xi32, #tpu.memory_space<hbm>>, %arg5: memref<40000xf32, #tpu.memory_space<vmem>>, %arg6: memref<40000xf32, #tpu.memory_space<vmem>>, %arg7: memref<16384xi32, #tpu.memory_space<vmem>>, %arg8: memref<2048xf32, #tpu.memory_space<vmem>>, %arg9: memref<2048xi32, #tpu.memory_space<vmem>>, %arg10: memref<!tpu.dma_semaphore, #tpu.memory_space<semaphore_mem>>, %arg11: memref<!tpu.dma_semaphore, #tpu.memory_space<semaphore_mem>>) attributes {dimension_semantics = [#tpu.dimension_semantics<core_parallel>, #tpu.dimension_semantics<subcore_parallel>], iteration_bounds = array<i64: 2, 16>, scalar_prefetch = 0 : i64, scratch_operands = 7 : i64, tpu.core_type = #tpu.core_type<sc_vector_subcore>, window_params = [{transform_indices = #map}, {transform_indices = #map}, {transform_indices = #map}]} {
    %mul3A = arith.constant 2 : i32
    %mul3A_0 = arith.muli %arg1, %mul3A : i32
    %add3A = arith.addi %mul3A_0, %arg0 : i32
    %iota3A = tpu.iota {dimensions = array<i32: 0>} : vector<16xi32>
    %broadcast_in_dim3A = arith.constant 1 : i32
    %broadcast_in_dim3A_1 = vector.broadcast %broadcast_in_dim3A : i32 to vector<16xi32>
    %broadcast_in_dim3A_2 = arith.constant 0 : i32
    %broadcast_in_dim3A_3 = vector.broadcast %broadcast_in_dim3A_2 : i32 to vector<16xi32>
    %broadcast_in_dim3A_4 = arith.constant -2147483648 : i32
    %broadcast_in_dim3A_5 = vector.broadcast %broadcast_in_dim3A_4 : i32 to vector<16xi32>
    %mul3A_6 = arith.constant 2 : i32
    %mul3A_7 = arith.muli %add3A, %mul3A_6 : i32
    %add3A_8 = arith.constant 0 : i32
    %add3A_9 = arith.addi %mul3A_7, %add3A_8 : i32
    %scan3A = arith.constant 0 : i32
    %scan3A_10 = arith.constant 0 : i32
    %scan3A_11 = arith.constant 1024 : i32
    %scan3A_12 = arith.addi %scan3A_10, %scan3A_11 : i32
    %scan3A_13 = arith.constant 1 : i32
    %scan3A_14 = scf.for %scan3A_122 = %scan3A_10 to %scan3A_12 step %scan3A_13 iter_args(%scan3A_123 = %scan3A) -> (i32)  : i32 {
      %mul3A_124 = arith.constant 16 : i32
      %mul3A_125 = arith.muli %scan3A_122, %mul3A_124 : i32
      %swap3A = arith.index_cast %mul3A_125 : i32 to index
      %swap3A_126 = tpu.vector_load %arg7[%swap3A] {strides = array<i32>} : memref<16384xi32, #tpu.memory_space<vmem>>, vector<16xi32>,
      tpu.vector_store %arg7[%swap3A], %broadcast_in_dim3A_3 {strides = array<i32>} : memref<16384xi32, #tpu.memory_space<vmem>>, vector<16xi32>,
      %scan3A_127 = arith.constant 0 : i32
      scf.yield %scan3A_127 : i32
    }
    %scan3A_15 = arith.constant 1024 : i32
    %mul3A_16 = arith.constant 1000000 : i32
    %mul3A_17 = arith.muli %add3A_9, %mul3A_16 : i32
    %add3A_18 = arith.constant 0 : i32
    %add3A_19 = arith.addi %mul3A_17, %add3A_18 : i32
    %dma_start3A = tpu.memref_slice %arg2[%add3A_19] : memref<64000000xf32, #tpu.memory_space<hbm>> -> memref<40000xf32, #tpu.memory_space<hbm>>
    %dma_start3A_20 = tpu.memref_slice %arg2[%add3A_19] : memref<64000000xf32, #tpu.memory_space<hbm>> -> memref<40000xf32, #tpu.memory_space<hbm>>
    tpu.enqueue_dma source(%dma_start3A_20 : memref<40000xf32, #tpu.memory_space<hbm>>) target(%arg5 : memref<40000xf32, #tpu.memory_space<vmem>>) target_semaphore(%arg10 : memref<!tpu.dma_semaphore, #tpu.memory_space<semaphore_mem>>)
    %scan3A_21 = arith.constant 0 : i32
    %scan3A_22 = arith.constant 0 : i32
    %scan3A_23 = arith.constant 25 : i32
    %scan3A_24 = arith.addi %scan3A_22, %scan3A_23 : i32
    %scan3A_25 = arith.constant 1 : i32
    %scan3A_26 = scf.for %scan3A_122 = %scan3A_22 to %scan3A_24 step %scan3A_25 iter_args(%scan3A_123 = %scan3A_21) -> (i32)  : i32 {
      %rem3A = arith.constant 2 : i32
      %rem3A_124 = arith.remsi %scan3A_122, %rem3A : i32
      %eq3A = arith.constant 0 : i32
      %eq3A_125 = arith.cmpi eq, %rem3A_124, %eq3A : i32
      %convert_element_type3A = arith.extui %eq3A_125 : i1 to i32
      %cond3A = arith.constant 0 : i32
      %cond3A_126 = arith.cmpi ne, %convert_element_type3A, %cond3A : i32
      %cond3A_127 = scf.if %cond3A_126 -> (i32) {
        %add3A_128 = arith.constant 1 : i32
        %add3A_129 = arith.addi %scan3A_122, %add3A_128 : i32
        %lt3A = arith.constant 25 : i32
        %lt3A_130 = arith.cmpi slt, %add3A_129, %lt3A : i32
        %convert_element_type3A_131 = arith.extui %lt3A_130 : i1 to i32
        %cond3A_132 = arith.constant 0 : i32
        %cond3A_133 = arith.cmpi ne, %convert_element_type3A_131, %cond3A_132 : i32
        scf.if %cond3A_133 {
          %add3A_148 = arith.constant 1 : i32
          %add3A_149 = arith.addi %scan3A_122, %add3A_148 : i32
          %mul3A_150 = arith.constant 1000000 : i32
          %mul3A_151 = arith.muli %add3A_9, %mul3A_150 : i32
          %mul3A_152 = arith.constant 40000 : i32
          %mul3A_153 = arith.muli %add3A_149, %mul3A_152 : i32
          %add3A_154 = arith.addi %mul3A_151, %mul3A_153 : i32
          %dma_start3A_155 = tpu.memref_slice %arg2[%add3A_154] : memref<64000000xf32, #tpu.memory_space<hbm>> -> memref<40000xf32, #tpu.memory_space<hbm>>
          %dma_start3A_156 = tpu.memref_slice %arg2[%add3A_154] : memref<64000000xf32, #tpu.memory_space<hbm>> -> memref<40000xf32, #tpu.memory_space<hbm>>
          tpu.enqueue_dma source(%dma_start3A_156 : memref<40000xf32, #tpu.memory_space<hbm>>) target(%arg6 : memref<40000xf32, #tpu.memory_space<vmem>>) target_semaphore(%arg11 : memref<!tpu.dma_semaphore, #tpu.memory_space<semaphore_mem>>)
        } else {
        }
        %mul3A_134 = arith.constant 1000000 : i32
        %mul3A_135 = arith.muli %add3A_9, %mul3A_134 : i32
        %mul3A_136 = arith.constant 40000 : i32
        %mul3A_137 = arith.muli %scan3A_122, %mul3A_136 : i32
        %add3A_138 = arith.addi %mul3A_135, %mul3A_137 : i32
        %dma_wait3A = tpu.memref_slice %arg2[%add3A_138] : memref<64000000xf32, #tpu.memory_space<hbm>> -> memref<40000xf32, #tpu.memory_space<hbm>>
        %dma_wait3A_139 = tpu.memref_slice %arg2[%add3A_138] : memref<64000000xf32, #tpu.memory_space<hbm>> -> memref<40000xf32, #tpu.memory_space<hbm>>
        tpu.wait_dma2 semaphore(%arg10 : memref<!tpu.dma_semaphore, #tpu.memory_space<semaphore_mem>>) src(%dma_wait3A_139 : memref<40000xf32, #tpu.memory_space<hbm>>) dst(%arg5 : memref<40000xf32, #tpu.memory_space<vmem>>)
        %scan3A_140 = arith.constant 0 : i32
        %scan3A_141 = arith.constant 0 : i32
        %scan3A_142 = arith.constant 625 : i32
        %scan3A_143 = arith.addi %scan3A_141, %scan3A_142 : i32
        %scan3A_144 = arith.constant 1 : i32
        %scan3A_145 = scf.for %scan3A_148 = %scan3A_141 to %scan3A_143 step %scan3A_144 iter_args(%scan3A_149 = %scan3A_140) -> (i32)  : i32 {
          %mul3A_150 = arith.constant 64 : i32
          %mul3A_151 = arith.muli %scan3A_148, %mul3A_150 : i32
          %add3A_152 = arith.constant 0 : i32
          %add3A_153 = arith.addi %mul3A_151, %add3A_152 : i32
          %get3A = arith.index_cast %add3A_153 : i32 to index
          %get3A_154 = tpu.vector_load %arg5[%get3A] {strides = array<i32>} : memref<40000xf32, #tpu.memory_space<vmem>>, vector<16xf32>,
          %bitcast_convert_type3A = tpu.bitcast %get3A_154 : vector<16xf32> -> vector<16xi32>
          %shift_right_arithmetic3A = arith.constant 31 : i32
          %shift_right_arithmetic3A_155 = vector.broadcast %shift_right_arithmetic3A : i32 to vector<16xi32>
          %shift_right_arithmetic3A_156 = arith.shrsi %bitcast_convert_type3A, %shift_right_arithmetic3A_155 : vector<16xi32>
          %or3A = arith.ori %shift_right_arithmetic3A_156, %broadcast_in_dim3A_5 : vector<16xi32>
          %xor3A = arith.xori %bitcast_convert_type3A, %or3A : vector<16xi32>
          %shift_right_logical3A = arith.constant 18 : i32
          %shift_right_logical3A_157 = vector.broadcast %shift_right_logical3A : i32 to vector<16xi32>
          %shift_right_logical3A_158 = arith.shrui %xor3A, %shift_right_logical3A_157 : vector<16xi32>
          tpu.vector_store_idx %arg7[%shift_right_logical3A_158], %broadcast_in_dim3A_1 {add = true} : memref<16384xi32, #tpu.memory_space<vmem>>[vector<16xi32>], vector<16xi32>,
          %mul3A_159 = arith.constant 64 : i32
          %mul3A_160 = arith.muli %scan3A_148, %mul3A_159 : i32
          %add3A_161 = arith.constant 16 : i32
          %add3A_162 = arith.addi %mul3A_160, %add3A_161 : i32
          %get3A_163 = arith.index_cast %add3A_162 : i32 to index
          %get3A_164 = tpu.vector_load %arg5[%get3A_163] {strides = array<i32>} : memref<40000xf32, #tpu.memory_space<vmem>>, vector<16xf32>,
          %bitcast_convert_type3A_165 = tpu.bitcast %get3A_164 : vector<16xf32> -> vector<16xi32>
          %shift_right_arithmetic3A_166 = arith.constant 31 : i32
          %shift_right_arithmetic3A_167 = vector.broadcast %shift_right_arithmetic3A_166 : i32 to vector<16xi32>
          %shift_right_arithmetic3A_168 = arith.shrsi %bitcast_convert_type3A_165, %shift_right_arithmetic3A_167 : vector<16xi32>
          %or3A_169 = arith.ori %shift_right_arithmetic3A_168, %broadcast_in_dim3A_5 : vector<16xi32>
          %xor3A_170 = arith.xori %bitcast_convert_type3A_165, %or3A_169 : vector<16xi32>
          %shift_right_logical3A_171 = arith.constant 18 : i32
          %shift_right_logical3A_172 = vector.broadcast %shift_right_logical3A_171 : i32 to vector<16xi32>
          %shift_right_logical3A_173 = arith.shrui %xor3A_170, %shift_right_logical3A_172 : vector<16xi32>
          tpu.vector_store_idx %arg7[%shift_right_logical3A_173], %broadcast_in_dim3A_1 {add = true} : memref<16384xi32, #tpu.memory_space<vmem>>[vector<16xi32>], vector<16xi32>,
          %mul3A_174 = arith.constant 64 : i32
          %mul3A_175 = arith.muli %scan3A_148, %mul3A_174 : i32
          %add3A_176 = arith.constant 32 : i32
          %add3A_177 = arith.addi %mul3A_175, %add3A_176 : i32
          %get3A_178 = arith.index_cast %add3A_177 : i32 to index
          %get3A_179 = tpu.vector_load %arg5[%get3A_178] {strides = array<i32>} : memref<40000xf32, #tpu.memory_space<vmem>>, vector<16xf32>,
          %bitcast_convert_type3A_180 = tpu.bitcast %get3A_179 : vector<16xf32> -> vector<16xi32>
          %shift_right_arithmetic3A_181 = arith.constant 31 : i32
          %shift_right_arithmetic3A_182 = vector.broadcast %shift_right_arithmetic3A_181 : i32 to vector<16xi32>
          %shift_right_arithmetic3A_183 = arith.shrsi %bitcast_convert_type3A_180, %shift_right_arithmetic3A_182 : vector<16xi32>
          %or3A_184 = arith.ori %shift_right_arithmetic3A_183, %broadcast_in_dim3A_5 : vector<16xi32>
          %xor3A_185 = arith.xori %bitcast_convert_type3A_180, %or3A_184 : vector<16xi32>
          %shift_right_logical3A_186 = arith.constant 18 : i32
          %shift_right_logical3A_187 = vector.broadcast %shift_right_logical3A_186 : i32 to vector<16xi32>
          %shift_right_logical3A_188 = arith.shrui %xor3A_185, %shift_right_logical3A_187 : vector<16xi32>
          tpu.vector_store_idx %arg7[%shift_right_logical3A_188], %broadcast_in_dim3A_1 {add = true} : memref<16384xi32, #tpu.memory_space<vmem>>[vector<16xi32>], vector<16xi32>,
          %mul3A_189 = arith.constant 64 : i32
          %mul3A_190 = arith.muli %scan3A_148, %mul3A_189 : i32
          %add3A_191 = arith.constant 48 : i32
          %add3A_192 = arith.addi %mul3A_190, %add3A_191 : i32
          %get3A_193 = arith.index_cast %add3A_192 : i32 to index
          %get3A_194 = tpu.vector_load %arg5[%get3A_193] {strides = array<i32>} : memref<40000xf32, #tpu.memory_space<vmem>>, vector<16xf32>,
          %bitcast_convert_type3A_195 = tpu.bitcast %get3A_194 : vector<16xf32> -> vector<16xi32>
          %shift_right_arithmetic3A_196 = arith.constant 31 : i32
          %shift_right_arithmetic3A_197 = vector.broadcast %shift_right_arithmetic3A_196 : i32 to vector<16xi32>
          %shift_right_arithmetic3A_198 = arith.shrsi %bitcast_convert_type3A_195, %shift_right_arithmetic3A_197 : vector<16xi32>
          %or3A_199 = arith.ori %shift_right_arithmetic3A_198, %broadcast_in_dim3A_5 : vector<16xi32>
          %xor3A_200 = arith.xori %bitcast_convert_type3A_195, %or3A_199 : vector<16xi32>
          %shift_right_logical3A_201 = arith.constant 18 : i32
          %shift_right_logical3A_202 = vector.broadcast %shift_right_logical3A_201 : i32 to vector<16xi32>
          %shift_right_logical3A_203 = arith.shrui %xor3A_200, %shift_right_logical3A_202 : vector<16xi32>
          tpu.vector_store_idx %arg7[%shift_right_logical3A_203], %broadcast_in_dim3A_1 {add = true} : memref<16384xi32, #tpu.memory_space<vmem>>[vector<16xi32>], vector<16xi32>,
          %scan3A_204 = arith.constant 0 : i32
          scf.yield %scan3A_204 : i32
        }
        %scan3A_146 = arith.constant 625 : i32
        %cond3A_147 = arith.constant 0 : i32
        scf.yield %cond3A_147 : i32
      } else {
        %add3A_128 = arith.constant 1 : i32
        %add3A_129 = arith.addi %scan3A_122, %add3A_128 : i32
        %lt3A = arith.constant 25 : i32
        %lt3A_130 = arith.cmpi slt, %add3A_129, %lt3A : i32
        %convert_element_type3A_131 = arith.extui %lt3A_130 : i1 to i32
        %cond3A_132 = arith.constant 0 : i32
        %cond3A_133 = arith.cmpi ne, %convert_element_type3A_131, %cond3A_132 : i32
        scf.if %cond3A_133 {
          %add3A_148 = arith.constant 1 : i32
          %add3A_149 = arith.addi %scan3A_122, %add3A_148 : i32
          %mul3A_150 = arith.constant 1000000 : i32
          %mul3A_151 = arith.muli %add3A_9, %mul3A_150 : i32
          %mul3A_152 = arith.constant 40000 : i32
          %mul3A_153 = arith.muli %add3A_149, %mul3A_152 : i32
          %add3A_154 = arith.addi %mul3A_151, %mul3A_153 : i32
          %dma_start3A_155 = tpu.memref_slice %arg2[%add3A_154] : memref<64000000xf32, #tpu.memory_space<hbm>> -> memref<40000xf32, #tpu.memory_space<hbm>>
          %dma_start3A_156 = tpu.memref_slice %arg2[%add3A_154] : memref<64000000xf32, #tpu.memory_space<hbm>> -> memref<40000xf32, #tpu.memory_space<hbm>>
          tpu.enqueue_dma source(%dma_start3A_156 : memref<40000xf32, #tpu.memory_space<hbm>>) target(%arg5 : memref<40000xf32, #tpu.memory_space<vmem>>) target_semaphore(%arg10 : memref<!tpu.dma_semaphore, #tpu.memory_space<semaphore_mem>>)
        } else {
        }
        %mul3A_134 = arith.constant 1000000 : i32
        %mul3A_135 = arith.muli %add3A_9, %mul3A_134 : i32
        %mul3A_136 = arith.constant 40000 : i32
        %mul3A_137 = arith.muli %scan3A_122, %mul3A_136 : i32
        %add3A_138 = arith.addi %mul3A_135, %mul3A_137 : i32
        %dma_wait3A = tpu.memref_slice %arg2[%add3A_138] : memref<64000000xf32, #tpu.memory_space<hbm>> -> memref<40000xf32, #tpu.memory_space<hbm>>
        %dma_wait3A_139 = tpu.memref_slice %arg2[%add3A_138] : memref<64000000xf32, #tpu.memory_space<hbm>> -> memref<40000xf32, #tpu.memory_space<hbm>>
        tpu.wait_dma2 semaphore(%arg11 : memref<!tpu.dma_semaphore, #tpu.memory_space<semaphore_mem>>) src(%dma_wait3A_139 : memref<40000xf32, #tpu.memory_space<hbm>>) dst(%arg6 : memref<40000xf32, #tpu.memory_space<vmem>>)
        %scan3A_140 = arith.constant 0 : i32
        %scan3A_141 = arith.constant 0 : i32
        %scan3A_142 = arith.constant 625 : i32
        %scan3A_143 = arith.addi %scan3A_141, %scan3A_142 : i32
        %scan3A_144 = arith.constant 1 : i32
        %scan3A_145 = scf.for %scan3A_148 = %scan3A_141 to %scan3A_143 step %scan3A_144 iter_args(%scan3A_149 = %scan3A_140) -> (i32)  : i32 {
          %mul3A_150 = arith.constant 64 : i32
          %mul3A_151 = arith.muli %scan3A_148, %mul3A_150 : i32
          %add3A_152 = arith.constant 0 : i32
          %add3A_153 = arith.addi %mul3A_151, %add3A_152 : i32
          %get3A = arith.index_cast %add3A_153 : i32 to index
          %get3A_154 = tpu.vector_load %arg6[%get3A] {strides = array<i32>} : memref<40000xf32, #tpu.memory_space<vmem>>, vector<16xf32>,
          %bitcast_convert_type3A = tpu.bitcast %get3A_154 : vector<16xf32> -> vector<16xi32>
          %shift_right_arithmetic3A = arith.constant 31 : i32
          %shift_right_arithmetic3A_155 = vector.broadcast %shift_right_arithmetic3A : i32 to vector<16xi32>
          %shift_right_arithmetic3A_156 = arith.shrsi %bitcast_convert_type3A, %shift_right_arithmetic3A_155 : vector<16xi32>
          %or3A = arith.ori %shift_right_arithmetic3A_156, %broadcast_in_dim3A_5 : vector<16xi32>
          %xor3A = arith.xori %bitcast_convert_type3A, %or3A : vector<16xi32>
          %shift_right_logical3A = arith.constant 18 : i32
          %shift_right_logical3A_157 = vector.broadcast %shift_right_logical3A : i32 to vector<16xi32>
          %shift_right_logical3A_158 = arith.shrui %xor3A, %shift_right_logical3A_157 : vector<16xi32>
          tpu.vector_store_idx %arg7[%shift_right_logical3A_158], %broadcast_in_dim3A_1 {add = true} : memref<16384xi32, #tpu.memory_space<vmem>>[vector<16xi32>], vector<16xi32>,
          %mul3A_159 = arith.constant 64 : i32
          %mul3A_160 = arith.muli %scan3A_148, %mul3A_159 : i32
          %add3A_161 = arith.constant 16 : i32
          %add3A_162 = arith.addi %mul3A_160, %add3A_161 : i32
          %get3A_163 = arith.index_cast %add3A_162 : i32 to index
          %get3A_164 = tpu.vector_load %arg6[%get3A_163] {strides = array<i32>} : memref<40000xf32, #tpu.memory_space<vmem>>, vector<16xf32>,
          %bitcast_convert_type3A_165 = tpu.bitcast %get3A_164 : vector<16xf32> -> vector<16xi32>
          %shift_right_arithmetic3A_166 = arith.constant 31 : i32
          %shift_right_arithmetic3A_167 = vector.broadcast %shift_right_arithmetic3A_166 : i32 to vector<16xi32>
          %shift_right_arithmetic3A_168 = arith.shrsi %bitcast_convert_type3A_165, %shift_right_arithmetic3A_167 : vector<16xi32>
          %or3A_169 = arith.ori %shift_right_arithmetic3A_168, %broadcast_in_dim3A_5 : vector<16xi32>
          %xor3A_170 = arith.xori %bitcast_convert_type3A_165, %or3A_169 : vector<16xi32>
          %shift_right_logical3A_171 = arith.constant 18 : i32
          %shift_right_logical3A_172 = vector.broadcast %shift_right_logical3A_171 : i32 to vector<16xi32>
          %shift_right_logical3A_173 = arith.shrui %xor3A_170, %shift_right_logical3A_172 : vector<16xi32>
          tpu.vector_store_idx %arg7[%shift_right_logical3A_173], %broadcast_in_dim3A_1 {add = true} : memref<16384xi32, #tpu.memory_space<vmem>>[vector<16xi32>], vector<16xi32>,
          %mul3A_174 = arith.constant 64 : i32
          %mul3A_175 = arith.muli %scan3A_148, %mul3A_174 : i32
          %add3A_176 = arith.constant 32 : i32
          %add3A_177 = arith.addi %mul3A_175, %add3A_176 : i32
          %get3A_178 = arith.index_cast %add3A_177 : i32 to index
          %get3A_179 = tpu.vector_load %arg6[%get3A_178] {strides = array<i32>} : memref<40000xf32, #tpu.memory_space<vmem>>, vector<16xf32>,
          %bitcast_convert_type3A_180 = tpu.bitcast %get3A_179 : vector<16xf32> -> vector<16xi32>
          %shift_right_arithmetic3A_181 = arith.constant 31 : i32
          %shift_right_arithmetic3A_182 = vector.broadcast %shift_right_arithmetic3A_181 : i32 to vector<16xi32>
          %shift_right_arithmetic3A_183 = arith.shrsi %bitcast_convert_type3A_180, %shift_right_arithmetic3A_182 : vector<16xi32>
          %or3A_184 = arith.ori %shift_right_arithmetic3A_183, %broadcast_in_dim3A_5 : vector<16xi32>
          %xor3A_185 = arith.xori %bitcast_convert_type3A_180, %or3A_184 : vector<16xi32>
          %shift_right_logical3A_186 = arith.constant 18 : i32
          %shift_right_logical3A_187 = vector.broadcast %shift_right_logical3A_186 : i32 to vector<16xi32>
          %shift_right_logical3A_188 = arith.shrui %xor3A_185, %shift_right_logical3A_187 : vector<16xi32>
          tpu.vector_store_idx %arg7[%shift_right_logical3A_188], %broadcast_in_dim3A_1 {add = true} : memref<16384xi32, #tpu.memory_space<vmem>>[vector<16xi32>], vector<16xi32>,
          %mul3A_189 = arith.constant 64 : i32
          %mul3A_190 = arith.muli %scan3A_148, %mul3A_189 : i32
          %add3A_191 = arith.constant 48 : i32
          %add3A_192 = arith.addi %mul3A_190, %add3A_191 : i32
          %get3A_193 = arith.index_cast %add3A_192 : i32 to index
          %get3A_194 = tpu.vector_load %arg6[%get3A_193] {strides = array<i32>} : memref<40000xf32, #tpu.memory_space<vmem>>, vector<16xf32>,
          %bitcast_convert_type3A_195 = tpu.bitcast %get3A_194 : vector<16xf32> -> vector<16xi32>
          %shift_right_arithmetic3A_196 = arith.constant 31 : i32
          %shift_right_arithmetic3A_197 = vector.broadcast %shift_right_arithmetic3A_196 : i32 to vector<16xi32>
          %shift_right_arithmetic3A_198 = arith.shrsi %bitcast_convert_type3A_195, %shift_right_arithmetic3A_197 : vector<16xi32>
          %or3A_199 = arith.ori %shift_right_arithmetic3A_198, %broadcast_in_dim3A_5 : vector<16xi32>
          %xor3A_200 = arith.xori %bitcast_convert_type3A_195, %or3A_199 : vector<16xi32>
          %shift_right_logical3A_201 = arith.constant 18 : i32
          %shift_right_logical3A_202 = vector.broadcast %shift_right_logical3A_201 : i32 to vector<16xi32>
          %shift_right_logical3A_203 = arith.shrui %xor3A_200, %shift_right_logical3A_202 : vector<16xi32>
          tpu.vector_store_idx %arg7[%shift_right_logical3A_203], %broadcast_in_dim3A_1 {add = true} : memref<16384xi32, #tpu.memory_space<vmem>>[vector<16xi32>], vector<16xi32>,
          %scan3A_204 = arith.constant 0 : i32
          scf.yield %scan3A_204 : i32
        }
        %scan3A_146 = arith.constant 625 : i32
        %cond3A_147 = arith.constant 0 : i32
        scf.yield %cond3A_147 : i32
      }
      scf.yield %cond3A_127 : i32
    }
    %scan3A_27 = arith.constant 25 : i32
    %scan3A_28 = arith.constant 0 : i32
    %scan3A_29 = arith.constant -1 : i32
    %scan3A_30 = arith.constant 0 : i32
    %scan3A_31 = arith.constant 1024 : i32
    %scan3A_32 = arith.addi %scan3A_30, %scan3A_31 : i32
    %scan3A_33 = arith.constant 1 : i32
    %scan3A_34:2 = scf.for %scan3A_122 = %scan3A_30 to %scan3A_32 step %scan3A_33 iter_args(%scan3A_123 = %scan3A_28, %scan3A_124 = %scan3A_29) -> (i32, i32)  : i32 {
      %sub3A_125 = arith.constant 1023 : i32
      %sub3A_126 = arith.subi %sub3A_125, %scan3A_122 : i32
      %mul3A_127 = arith.constant 16 : i32
      %mul3A_128 = arith.muli %sub3A_126, %mul3A_127 : i32
      %get3A = arith.index_cast %mul3A_128 : i32 to index
      %get3A_129 = tpu.vector_load %arg7[%get3A] {strides = array<i32>} : memref<16384xi32, #tpu.memory_space<vmem>>, vector<16xi32>,
      %broadcast_in_dim3A_130 = arith.constant true
      %broadcast_in_dim3A_131 = vector.broadcast %broadcast_in_dim3A_130 : i1 to vector<16xi1>
      %masked_cumsum3A = tpu.scan <sum>, %get3A_129 masked %broadcast_in_dim3A_131 : vector<16xi32>, vector<16xi1> -> vector<16xi32>
      %reduce_max3A = arith.constant true
      %reduce_max3A_132 = vector.broadcast %reduce_max3A : i1 to vector<16xi1>
      %reduce_max3A_133 = arith.constant -2147483648 : i32
      %reduce_max3A_134 = vector.broadcast %reduce_max3A_133 : i32 to vector<16xi32>
      %reduce_max3A_135 = arith.xori %masked_cumsum3A, %reduce_max3A_134 : vector<16xi32>
      %reduce_max3A_136 = tpu.scan <max>, %reduce_max3A_135 masked %reduce_max3A_132 : vector<16xi32>, vector<16xi1> -> vector<16xi32>
      %reduce_max3A_137 = arith.xori %reduce_max3A_136, %reduce_max3A_134 : vector<16xi32>
      %reduce_max3A_138 = vector.extract %reduce_max3A_137[15] : i32 from vector<16xi32>
      %add3A_139 = arith.addi %scan3A_123, %reduce_max3A_138 : i32
      %sub3A_140 = vector.broadcast %add3A_139 : i32 to vector<16xi32>
      %sub3A_141 = arith.subi %sub3A_140, %masked_cumsum3A : vector<16xi32>
      %add3A_142 = arith.addi %sub3A_141, %get3A_129 : vector<16xi32>
      %ge3A = arith.constant 1000 : i32
      %ge3A_143 = vector.broadcast %ge3A : i32 to vector<16xi32>
      %ge3A_144 = arith.cmpi sge, %add3A_142, %ge3A_143 : vector<16xi32>
      %mul3A_145 = arith.constant 16 : i32
      %mul3A_146 = arith.muli %sub3A_126, %mul3A_145 : i32
      %broadcast_in_dim3A_147 = vector.broadcast %mul3A_146 : i32 to vector<16xi32>
      %add3A_148 = arith.addi %broadcast_in_dim3A_147, %iota3A : vector<16xi32>
      %broadcast_in_dim3A_149 = arith.constant -1 : i32
      %broadcast_in_dim3A_150 = vector.broadcast %broadcast_in_dim3A_149 : i32 to vector<16xi32>
      %select_n3A = arith.select %ge3A_144, %add3A_148, %broadcast_in_dim3A_150 : vector<16xi1>, vector<16xi32>
      %reduce_max3A_151 = arith.constant true
      %reduce_max3A_152 = vector.broadcast %reduce_max3A_151 : i1 to vector<16xi1>
      %reduce_max3A_153 = arith.constant -2147483648 : i32
      %reduce_max3A_154 = vector.broadcast %reduce_max3A_153 : i32 to vector<16xi32>
      %reduce_max3A_155 = arith.xori %select_n3A, %reduce_max3A_154 : vector<16xi32>
      %reduce_max3A_156 = tpu.scan <max>, %reduce_max3A_155 masked %reduce_max3A_152 : vector<16xi32>, vector<16xi1> -> vector<16xi32>
      %reduce_max3A_157 = arith.xori %reduce_max3A_156, %reduce_max3A_154 : vector<16xi32>
      %reduce_max3A_158 = vector.extract %reduce_max3A_157[15] : i32 from vector<16xi32>
      %max3A_159 = arith.maxsi %scan3A_124, %reduce_max3A_158 : i32
      %add3A_160 = arith.addi %scan3A_123, %reduce_max3A_138 : i32
      scf.yield %add3A_160, %max3A_159 : i32, i32
    }
    %scan3A_35 = arith.constant 1024 : i32
    %sub3A = arith.constant 1 : i32
    %sub3A_36 = arith.subi %scan3A_34#1, %sub3A : i32
    %max3A = arith.constant 0 : i32
    %max3A_37 = arith.maxsi %sub3A_36, %max3A : i32
    %broadcast_in_dim3A_38 = vector.broadcast %max3A_37 : i32 to vector<16xi32>
    %scan3A_39 = arith.constant 0 : i32
    %scan3A_40 = arith.constant 0 : i32
    %scan3A_41 = arith.constant 128 : i32
    %scan3A_42 = arith.addi %scan3A_40, %scan3A_41 : i32
    %scan3A_43 = arith.constant 1 : i32
    %scan3A_44 = scf.for %scan3A_122 = %scan3A_40 to %scan3A_42 step %scan3A_43 iter_args(%scan3A_123 = %scan3A_39) -> (i32)  : i32 {
      %broadcast_in_dim3A_124 = arith.constant 0xFF800000 : f32
      %broadcast_in_dim3A_125 = vector.broadcast %broadcast_in_dim3A_124 : f32 to vector<16xf32>
      %mul3A_126 = arith.constant 16 : i32
      %mul3A_127 = arith.muli %scan3A_122, %mul3A_126 : i32
      %swap3A = arith.index_cast %mul3A_127 : i32 to index
      %swap3A_128 = tpu.vector_load %arg8[%swap3A] {strides = array<i32>} : memref<2048xf32, #tpu.memory_space<vmem>>, vector<16xf32>,
      tpu.vector_store %arg8[%swap3A], %broadcast_in_dim3A_125 {strides = array<i32>} : memref<2048xf32, #tpu.memory_space<vmem>>, vector<16xf32>,
      %broadcast_in_dim3A_129 = arith.constant 1000000 : i32
      %broadcast_in_dim3A_130 = vector.broadcast %broadcast_in_dim3A_129 : i32 to vector<16xi32>
      %mul3A_131 = arith.constant 16 : i32
      %mul3A_132 = arith.muli %scan3A_122, %mul3A_131 : i32
      %swap3A_133 = arith.index_cast %mul3A_132 : i32 to index
      %swap3A_134 = tpu.vector_load %arg9[%swap3A_133] {strides = array<i32>} : memref<2048xi32, #tpu.memory_space<vmem>>, vector<16xi32>,
      tpu.vector_store %arg9[%swap3A_133], %broadcast_in_dim3A_130 {strides = array<i32>} : memref<2048xi32, #tpu.memory_space<vmem>>, vector<16xi32>,
      %scan3A_135 = arith.constant 0 : i32
      scf.yield %scan3A_135 : i32
    }
    %scan3A_45 = arith.constant 128 : i32
    %mul3A_46 = arith.constant 1000000 : i32
    %mul3A_47 = arith.muli %add3A_9, %mul3A_46 : i32
    %add3A_48 = arith.constant 0 : i32
    %add3A_49 = arith.addi %mul3A_47, %add3A_48 : i32
    %dma_start3A_50 = tpu.memref_slice %arg2[%add3A_49] : memref<64000000xf32, #tpu.memory_space<hbm>> -> memref<40000xf32, #tpu.memory_space<hbm>>
    %dma_start3A_51 = tpu.memref_slice %arg2[%add3A_49] : memref<64000000xf32, #tpu.memory_space<hbm>> -> memref<40000xf32, #tpu.memory_space<hbm>>
    tpu.enqueue_dma source(%dma_start3A_51 : memref<40000xf32, #tpu.memory_space<hbm>>) target(%arg5 : memref<40000xf32, #tpu.memory_space<vmem>>) target_semaphore(%arg10 : memref<!tpu.dma_semaphore, #tpu.memory_space<semaphore_mem>>)
    %scan3A_52 = arith.constant 0 : i32
    %scan3A_53 = arith.constant 25 : i32
    %scan3A_54 = arith.addi %scan3A_52, %scan3A_53 : i32
    %scan3A_55 = arith.constant 1 : i32
    %scan3A_56 = scf.for %scan3A_122 = %scan3A_52 to %scan3A_54 step %scan3A_55 iter_args(%scan3A_123 = %broadcast_in_dim3A_3) -> (vector<16xi32>)  : i32 {
      %rem3A = arith.constant 2 : i32
      %rem3A_124 = arith.remsi %scan3A_122, %rem3A : i32
      %eq3A = arith.constant 0 : i32
      %eq3A_125 = arith.cmpi eq, %rem3A_124, %eq3A : i32
      %convert_element_type3A = arith.extui %eq3A_125 : i1 to i32
      %cond3A = arith.constant 0 : i32
      %cond3A_126 = arith.cmpi ne, %convert_element_type3A, %cond3A : i32
      %cond3A_127 = scf.if %cond3A_126 -> (vector<16xi32>) {
        %add3A_128 = arith.constant 1 : i32
        %add3A_129 = arith.addi %scan3A_122, %add3A_128 : i32
        %lt3A = arith.constant 25 : i32
        %lt3A_130 = arith.cmpi slt, %add3A_129, %lt3A : i32
        %convert_element_type3A_131 = arith.extui %lt3A_130 : i1 to i32
        %cond3A_132 = arith.constant 0 : i32
        %cond3A_133 = arith.cmpi ne, %convert_element_type3A_131, %cond3A_132 : i32
        scf.if %cond3A_133 {
          %add3A_146 = arith.constant 1 : i32
          %add3A_147 = arith.addi %scan3A_122, %add3A_146 : i32
          %mul3A_148 = arith.constant 1000000 : i32
          %mul3A_149 = arith.muli %add3A_9, %mul3A_148 : i32
          %mul3A_150 = arith.constant 40000 : i32
          %mul3A_151 = arith.muli %add3A_147, %mul3A_150 : i32
          %add3A_152 = arith.addi %mul3A_149, %mul3A_151 : i32
          %dma_start3A_153 = tpu.memref_slice %arg2[%add3A_152] : memref<64000000xf32, #tpu.memory_space<hbm>> -> memref<40000xf32, #tpu.memory_space<hbm>>
          %dma_start3A_154 = tpu.memref_slice %arg2[%add3A_152] : memref<64000000xf32, #tpu.memory_space<hbm>> -> memref<40000xf32, #tpu.memory_space<hbm>>
          tpu.enqueue_dma source(%dma_start3A_154 : memref<40000xf32, #tpu.memory_space<hbm>>) target(%arg6 : memref<40000xf32, #tpu.memory_space<vmem>>) target_semaphore(%arg11 : memref<!tpu.dma_semaphore, #tpu.memory_space<semaphore_mem>>)
        } else {
        }
        %mul3A_134 = arith.constant 1000000 : i32
        %mul3A_135 = arith.muli %add3A_9, %mul3A_134 : i32
        %mul3A_136 = arith.constant 40000 : i32
        %mul3A_137 = arith.muli %scan3A_122, %mul3A_136 : i32
        %add3A_138 = arith.addi %mul3A_135, %mul3A_137 : i32
        %dma_wait3A = tpu.memref_slice %arg2[%add3A_138] : memref<64000000xf32, #tpu.memory_space<hbm>> -> memref<40000xf32, #tpu.memory_space<hbm>>
        %dma_wait3A_139 = tpu.memref_slice %arg2[%add3A_138] : memref<64000000xf32, #tpu.memory_space<hbm>> -> memref<40000xf32, #tpu.memory_space<hbm>>
        tpu.wait_dma2 semaphore(%arg10 : memref<!tpu.dma_semaphore, #tpu.memory_space<semaphore_mem>>) src(%dma_wait3A_139 : memref<40000xf32, #tpu.memory_space<hbm>>) dst(%arg5 : memref<40000xf32, #tpu.memory_space<vmem>>)
        %scan3A_140 = arith.constant 0 : i32
        %scan3A_141 = arith.constant 625 : i32
        %scan3A_142 = arith.addi %scan3A_140, %scan3A_141 : i32
        %scan3A_143 = arith.constant 1 : i32
        %scan3A_144 = scf.for %scan3A_146 = %scan3A_140 to %scan3A_142 step %scan3A_143 iter_args(%scan3A_147 = %scan3A_123) -> (vector<16xi32>)  : i32 {
          %mul3A_148 = arith.constant 64 : i32
          %mul3A_149 = arith.muli %scan3A_146, %mul3A_148 : i32
          %add3A_150 = arith.constant 0 : i32
          %add3A_151 = arith.addi %mul3A_149, %add3A_150 : i32
          %get3A = arith.index_cast %add3A_151 : i32 to index
          %get3A_152 = tpu.vector_load %arg5[%get3A] {strides = array<i32>} : memref<40000xf32, #tpu.memory_space<vmem>>, vector<16xf32>,
          %bitcast_convert_type3A = tpu.bitcast %get3A_152 : vector<16xf32> -> vector<16xi32>
          %shift_right_arithmetic3A = arith.constant 31 : i32
          %shift_right_arithmetic3A_153 = vector.broadcast %shift_right_arithmetic3A : i32 to vector<16xi32>
          %shift_right_arithmetic3A_154 = arith.shrsi %bitcast_convert_type3A, %shift_right_arithmetic3A_153 : vector<16xi32>
          %or3A = arith.ori %shift_right_arithmetic3A_154, %broadcast_in_dim3A_5 : vector<16xi32>
          %xor3A = arith.xori %bitcast_convert_type3A, %or3A : vector<16xi32>
          %shift_right_logical3A = arith.constant 18 : i32
          %shift_right_logical3A_155 = vector.broadcast %shift_right_logical3A : i32 to vector<16xi32>
          %shift_right_logical3A_156 = arith.shrui %xor3A, %shift_right_logical3A_155 : vector<16xi32>
          %ge3A = arith.cmpi sge, %shift_right_logical3A_156, %broadcast_in_dim3A_38 : vector<16xi32>
          %select_n3A = arith.select %ge3A, %broadcast_in_dim3A_1, %broadcast_in_dim3A_3 : vector<16xi1>, vector<16xi32>
          %broadcast_in_dim3A_157 = arith.constant true
          %broadcast_in_dim3A_158 = vector.broadcast %broadcast_in_dim3A_157 : i1 to vector<16xi1>
          %masked_cumsum3A = tpu.scan <sum>, %select_n3A masked %broadcast_in_dim3A_158 : vector<16xi32>, vector<16xi1> -> vector<16xi32>
          %add3A_159 = arith.addi %scan3A_147, %masked_cumsum3A : vector<16xi32>
          %sub3A_160 = arith.constant 1 : i32
          %sub3A_161 = vector.broadcast %sub3A_160 : i32 to vector<16xi32>
          %sub3A_162 = arith.subi %add3A_159, %sub3A_161 : vector<16xi32>
          %lt3A_163 = arith.constant 2048 : i32
          %lt3A_164 = vector.broadcast %lt3A_163 : i32 to vector<16xi32>
          %lt3A_165 = arith.cmpi slt, %sub3A_162, %lt3A_164 : vector<16xi32>
          %and3A = arith.andi %ge3A, %lt3A_165 : vector<16xi1>
          tpu.vector_store_idx %arg8[%sub3A_162], %get3A_152 masked %and3A : memref<2048xf32, #tpu.memory_space<vmem>>[vector<16xi32>], vector<16xf32>, vector<16xi1>
          %mul3A_166 = arith.constant 40000 : i32
          %mul3A_167 = arith.muli %scan3A_122, %mul3A_166 : i32
          %add3A_168 = arith.addi %mul3A_167, %add3A_151 : i32
          %broadcast_in_dim3A_169 = vector.broadcast %add3A_168 : i32 to vector<16xi32>
          %add3A_170 = arith.addi %broadcast_in_dim3A_169, %iota3A : vector<16xi32>
          tpu.vector_store_idx %arg9[%sub3A_162], %add3A_170 masked %and3A : memref<2048xi32, #tpu.memory_space<vmem>>[vector<16xi32>], vector<16xi32>, vector<16xi1>
          %all_reduce_population_count3A = tpu.all_reduce %ge3A {dim = 0 : i64, kind = #tpu.reduction_kind<sum>} : vector<16xi1> -> vector<16xi32>
          %add3A_171 = arith.addi %scan3A_147, %all_reduce_population_count3A : vector<16xi32>
          %mul3A_172 = arith.constant 64 : i32
          %mul3A_173 = arith.muli %scan3A_146, %mul3A_172 : i32
          %add3A_174 = arith.constant 16 : i32
          %add3A_175 = arith.addi %mul3A_173, %add3A_174 : i32
          %get3A_176 = arith.index_cast %add3A_175 : i32 to index
          %get3A_177 = tpu.vector_load %arg5[%get3A_176] {strides = array<i32>} : memref<40000xf32, #tpu.memory_space<vmem>>, vector<16xf32>,
          %bitcast_convert_type3A_178 = tpu.bitcast %get3A_177 : vector<16xf32> -> vector<16xi32>
          %shift_right_arithmetic3A_179 = arith.constant 31 : i32
          %shift_right_arithmetic3A_180 = vector.broadcast %shift_right_arithmetic3A_179 : i32 to vector<16xi32>
          %shift_right_arithmetic3A_181 = arith.shrsi %bitcast_convert_type3A_178, %shift_right_arithmetic3A_180 : vector<16xi32>
          %or3A_182 = arith.ori %shift_right_arithmetic3A_181, %broadcast_in_dim3A_5 : vector<16xi32>
          %xor3A_183 = arith.xori %bitcast_convert_type3A_178, %or3A_182 : vector<16xi32>
          %shift_right_logical3A_184 = arith.constant 18 : i32
          %shift_right_logical3A_185 = vector.broadcast %shift_right_logical3A_184 : i32 to vector<16xi32>
          %shift_right_logical3A_186 = arith.shrui %xor3A_183, %shift_right_logical3A_185 : vector<16xi32>
          %ge3A_187 = arith.cmpi sge, %shift_right_logical3A_186, %broadcast_in_dim3A_38 : vector<16xi32>
          %select_n3A_188 = arith.select %ge3A_187, %broadcast_in_dim3A_1, %broadcast_in_dim3A_3 : vector<16xi1>, vector<16xi32>
          %broadcast_in_dim3A_189 = arith.constant true
          %broadcast_in_dim3A_190 = vector.broadcast %broadcast_in_dim3A_189 : i1 to vector<16xi1>
          %masked_cumsum3A_191 = tpu.scan <sum>, %select_n3A_188 masked %broadcast_in_dim3A_190 : vector<16xi32>, vector<16xi1> -> vector<16xi32>
          %add3A_192 = arith.addi %add3A_171, %masked_cumsum3A_191 : vector<16xi32>
          %sub3A_193 = arith.constant 1 : i32
          %sub3A_194 = vector.broadcast %sub3A_193 : i32 to vector<16xi32>
          %sub3A_195 = arith.subi %add3A_192, %sub3A_194 : vector<16xi32>
          %lt3A_196 = arith.constant 2048 : i32
          %lt3A_197 = vector.broadcast %lt3A_196 : i32 to vector<16xi32>
          %lt3A_198 = arith.cmpi slt, %sub3A_195, %lt3A_197 : vector<16xi32>
          %and3A_199 = arith.andi %ge3A_187, %lt3A_198 : vector<16xi1>
          tpu.vector_store_idx %arg8[%sub3A_195], %get3A_177 masked %and3A_199 : memref<2048xf32, #tpu.memory_space<vmem>>[vector<16xi32>], vector<16xf32>, vector<16xi1>
          %mul3A_200 = arith.constant 40000 : i32
          %mul3A_201 = arith.muli %scan3A_122, %mul3A_200 : i32
          %add3A_202 = arith.addi %mul3A_201, %add3A_175 : i32
          %broadcast_in_dim3A_203 = vector.broadcast %add3A_202 : i32 to vector<16xi32>
          %add3A_204 = arith.addi %broadcast_in_dim3A_203, %iota3A : vector<16xi32>
          tpu.vector_store_idx %arg9[%sub3A_195], %add3A_204 masked %and3A_199 : memref<2048xi32, #tpu.memory_space<vmem>>[vector<16xi32>], vector<16xi32>, vector<16xi1>
          %all_reduce_population_count3A_205 = tpu.all_reduce %ge3A_187 {dim = 0 : i64, kind = #tpu.reduction_kind<sum>} : vector<16xi1> -> vector<16xi32>
          %add3A_206 = arith.addi %add3A_171, %all_reduce_population_count3A_205 : vector<16xi32>
          %mul3A_207 = arith.constant 64 : i32
          %mul3A_208 = arith.muli %scan3A_146, %mul3A_207 : i32
          %add3A_209 = arith.constant 32 : i32
          %add3A_210 = arith.addi %mul3A_208, %add3A_209 : i32
          %get3A_211 = arith.index_cast %add3A_210 : i32 to index
          %get3A_212 = tpu.vector_load %arg5[%get3A_211] {strides = array<i32>} : memref<40000xf32, #tpu.memory_space<vmem>>, vector<16xf32>,
          %bitcast_convert_type3A_213 = tpu.bitcast %get3A_212 : vector<16xf32> -> vector<16xi32>
          %shift_right_arithmetic3A_214 = arith.constant 31 : i32
          %shift_right_arithmetic3A_215 = vector.broadcast %shift_right_arithmetic3A_214 : i32 to vector<16xi32>
          %shift_right_arithmetic3A_216 = arith.shrsi %bitcast_convert_type3A_213, %shift_right_arithmetic3A_215 : vector<16xi32>
          %or3A_217 = arith.ori %shift_right_arithmetic3A_216, %broadcast_in_dim3A_5 : vector<16xi32>
          %xor3A_218 = arith.xori %bitcast_convert_type3A_213, %or3A_217 : vector<16xi32>
          %shift_right_logical3A_219 = arith.constant 18 : i32
          %shift_right_logical3A_220 = vector.broadcast %shift_right_logical3A_219 : i32 to vector<16xi32>
          %shift_right_logical3A_221 = arith.shrui %xor3A_218, %shift_right_logical3A_220 : vector<16xi32>
          %ge3A_222 = arith.cmpi sge, %shift_right_logical3A_221, %broadcast_in_dim3A_38 : vector<16xi32>
          %select_n3A_223 = arith.select %ge3A_222, %broadcast_in_dim3A_1, %broadcast_in_dim3A_3 : vector<16xi1>, vector<16xi32>
          %broadcast_in_dim3A_224 = arith.constant true
          %broadcast_in_dim3A_225 = vector.broadcast %broadcast_in_dim3A_224 : i1 to vector<16xi1>
          %masked_cumsum3A_226 = tpu.scan <sum>, %select_n3A_223 masked %broadcast_in_dim3A_225 : vector<16xi32>, vector<16xi1> -> vector<16xi32>
          %add3A_227 = arith.addi %add3A_206, %masked_cumsum3A_226 : vector<16xi32>
          %sub3A_228 = arith.constant 1 : i32
          %sub3A_229 = vector.broadcast %sub3A_228 : i32 to vector<16xi32>
          %sub3A_230 = arith.subi %add3A_227, %sub3A_229 : vector<16xi32>
          %lt3A_231 = arith.constant 2048 : i32
          %lt3A_232 = vector.broadcast %lt3A_231 : i32 to vector<16xi32>
          %lt3A_233 = arith.cmpi slt, %sub3A_230, %lt3A_232 : vector<16xi32>
          %and3A_234 = arith.andi %ge3A_222, %lt3A_233 : vector<16xi1>
          tpu.vector_store_idx %arg8[%sub3A_230], %get3A_212 masked %and3A_234 : memref<2048xf32, #tpu.memory_space<vmem>>[vector<16xi32>], vector<16xf32>, vector<16xi1>
          %mul3A_235 = arith.constant 40000 : i32
          %mul3A_236 = arith.muli %scan3A_122, %mul3A_235 : i32
          %add3A_237 = arith.addi %mul3A_236, %add3A_210 : i32
          %broadcast_in_dim3A_238 = vector.broadcast %add3A_237 : i32 to vector<16xi32>
          %add3A_239 = arith.addi %broadcast_in_dim3A_238, %iota3A : vector<16xi32>
          tpu.vector_store_idx %arg9[%sub3A_230], %add3A_239 masked %and3A_234 : memref<2048xi32, #tpu.memory_space<vmem>>[vector<16xi32>], vector<16xi32>, vector<16xi1>
          %all_reduce_population_count3A_240 = tpu.all_reduce %ge3A_222 {dim = 0 : i64, kind = #tpu.reduction_kind<sum>} : vector<16xi1> -> vector<16xi32>
          %add3A_241 = arith.addi %add3A_206, %all_reduce_population_count3A_240 : vector<16xi32>
          %mul3A_242 = arith.constant 64 : i32
          %mul3A_243 = arith.muli %scan3A_146, %mul3A_242 : i32
          %add3A_244 = arith.constant 48 : i32
          %add3A_245 = arith.addi %mul3A_243, %add3A_244 : i32
          %get3A_246 = arith.index_cast %add3A_245 : i32 to index
          %get3A_247 = tpu.vector_load %arg5[%get3A_246] {strides = array<i32>} : memref<40000xf32, #tpu.memory_space<vmem>>, vector<16xf32>,
          %bitcast_convert_type3A_248 = tpu.bitcast %get3A_247 : vector<16xf32> -> vector<16xi32>
          %shift_right_arithmetic3A_249 = arith.constant 31 : i32
          %shift_right_arithmetic3A_250 = vector.broadcast %shift_right_arithmetic3A_249 : i32 to vector<16xi32>
          %shift_right_arithmetic3A_251 = arith.shrsi %bitcast_convert_type3A_248, %shift_right_arithmetic3A_250 : vector<16xi32>
          %or3A_252 = arith.ori %shift_right_arithmetic3A_251, %broadcast_in_dim3A_5 : vector<16xi32>
          %xor3A_253 = arith.xori %bitcast_convert_type3A_248, %or3A_252 : vector<16xi32>
          %shift_right_logical3A_254 = arith.constant 18 : i32
          %shift_right_logical3A_255 = vector.broadcast %shift_right_logical3A_254 : i32 to vector<16xi32>
          %shift_right_logical3A_256 = arith.shrui %xor3A_253, %shift_right_logical3A_255 : vector<16xi32>
          %ge3A_257 = arith.cmpi sge, %shift_right_logical3A_256, %broadcast_in_dim3A_38 : vector<16xi32>
          %select_n3A_258 = arith.select %ge3A_257, %broadcast_in_dim3A_1, %broadcast_in_dim3A_3 : vector<16xi1>, vector<16xi32>
          %broadcast_in_dim3A_259 = arith.constant true
          %broadcast_in_dim3A_260 = vector.broadcast %broadcast_in_dim3A_259 : i1 to vector<16xi1>
          %masked_cumsum3A_261 = tpu.scan <sum>, %select_n3A_258 masked %broadcast_in_dim3A_260 : vector<16xi32>, vector<16xi1> -> vector<16xi32>
          %add3A_262 = arith.addi %add3A_241, %masked_cumsum3A_261 : vector<16xi32>
          %sub3A_263 = arith.constant 1 : i32
          %sub3A_264 = vector.broadcast %sub3A_263 : i32 to vector<16xi32>
          %sub3A_265 = arith.subi %add3A_262, %sub3A_264 : vector<16xi32>
          %lt3A_266 = arith.constant 2048 : i32
          %lt3A_267 = vector.broadcast %lt3A_266 : i32 to vector<16xi32>
          %lt3A_268 = arith.cmpi slt, %sub3A_265, %lt3A_267 : vector<16xi32>
          %and3A_269 = arith.andi %ge3A_257, %lt3A_268 : vector<16xi1>
          tpu.vector_store_idx %arg8[%sub3A_265], %get3A_247 masked %and3A_269 : memref<2048xf32, #tpu.memory_space<vmem>>[vector<16xi32>], vector<16xf32>, vector<16xi1>
          %mul3A_270 = arith.constant 40000 : i32
          %mul3A_271 = arith.muli %scan3A_122, %mul3A_270 : i32
          %add3A_272 = arith.addi %mul3A_271, %add3A_245 : i32
          %broadcast_in_dim3A_273 = vector.broadcast %add3A_272 : i32 to vector<16xi32>
          %add3A_274 = arith.addi %broadcast_in_dim3A_273, %iota3A : vector<16xi32>
          tpu.vector_store_idx %arg9[%sub3A_265], %add3A_274 masked %and3A_269 : memref<2048xi32, #tpu.memory_space<vmem>>[vector<16xi32>], vector<16xi32>, vector<16xi1>
          %all_reduce_population_count3A_275 = tpu.all_reduce %ge3A_257 {dim = 0 : i64, kind = #tpu.reduction_kind<sum>} : vector<16xi1> -> vector<16xi32>
          %add3A_276 = arith.addi %add3A_241, %all_reduce_population_count3A_275 : vector<16xi32>
          scf.yield %add3A_276 : vector<16xi32>
        }
        %scan3A_145 = arith.constant 625 : i32
        scf.yield %scan3A_144 : vector<16xi32>
      } else {
        %add3A_128 = arith.constant 1 : i32
        %add3A_129 = arith.addi %scan3A_122, %add3A_128 : i32
        %lt3A = arith.constant 25 : i32
        %lt3A_130 = arith.cmpi slt, %add3A_129, %lt3A : i32
        %convert_element_type3A_131 = arith.extui %lt3A_130 : i1 to i32
        %cond3A_132 = arith.constant 0 : i32
        %cond3A_133 = arith.cmpi ne, %convert_element_type3A_131, %cond3A_132 : i32
        scf.if %cond3A_133 {
          %add3A_146 = arith.constant 1 : i32
          %add3A_147 = arith.addi %scan3A_122, %add3A_146 : i32
          %mul3A_148 = arith.constant 1000000 : i32
          %mul3A_149 = arith.muli %add3A_9, %mul3A_148 : i32
          %mul3A_150 = arith.constant 40000 : i32
          %mul3A_151 = arith.muli %add3A_147, %mul3A_150 : i32
          %add3A_152 = arith.addi %mul3A_149, %mul3A_151 : i32
          %dma_start3A_153 = tpu.memref_slice %arg2[%add3A_152] : memref<64000000xf32, #tpu.memory_space<hbm>> -> memref<40000xf32, #tpu.memory_space<hbm>>
          %dma_start3A_154 = tpu.memref_slice %arg2[%add3A_152] : memref<64000000xf32, #tpu.memory_space<hbm>> -> memref<40000xf32, #tpu.memory_space<hbm>>
          tpu.enqueue_dma source(%dma_start3A_154 : memref<40000xf32, #tpu.memory_space<hbm>>) target(%arg5 : memref<40000xf32, #tpu.memory_space<vmem>>) target_semaphore(%arg10 : memref<!tpu.dma_semaphore, #tpu.memory_space<semaphore_mem>>)
        } else {
        }
        %mul3A_134 = arith.constant 1000000 : i32
        %mul3A_135 = arith.muli %add3A_9, %mul3A_134 : i32
        %mul3A_136 = arith.constant 40000 : i32
        %mul3A_137 = arith.muli %scan3A_122, %mul3A_136 : i32
        %add3A_138 = arith.addi %mul3A_135, %mul3A_137 : i32
        %dma_wait3A = tpu.memref_slice %arg2[%add3A_138] : memref<64000000xf32, #tpu.memory_space<hbm>> -> memref<40000xf32, #tpu.memory_space<hbm>>
        %dma_wait3A_139 = tpu.memref_slice %arg2[%add3A_138] : memref<64000000xf32, #tpu.memory_space<hbm>> -> memref<40000xf32, #tpu.memory_space<hbm>>
        tpu.wait_dma2 semaphore(%arg11 : memref<!tpu.dma_semaphore, #tpu.memory_space<semaphore_mem>>) src(%dma_wait3A_139 : memref<40000xf32, #tpu.memory_space<hbm>>) dst(%arg6 : memref<40000xf32, #tpu.memory_space<vmem>>)
        %scan3A_140 = arith.constant 0 : i32
        %scan3A_141 = arith.constant 625 : i32
        %scan3A_142 = arith.addi %scan3A_140, %scan3A_141 : i32
        %scan3A_143 = arith.constant 1 : i32
        %scan3A_144 = scf.for %scan3A_146 = %scan3A_140 to %scan3A_142 step %scan3A_143 iter_args(%scan3A_147 = %scan3A_123) -> (vector<16xi32>)  : i32 {
          %mul3A_148 = arith.constant 64 : i32
          %mul3A_149 = arith.muli %scan3A_146, %mul3A_148 : i32
          %add3A_150 = arith.constant 0 : i32
          %add3A_151 = arith.addi %mul3A_149, %add3A_150 : i32
          %get3A = arith.index_cast %add3A_151 : i32 to index
          %get3A_152 = tpu.vector_load %arg6[%get3A] {strides = array<i32>} : memref<40000xf32, #tpu.memory_space<vmem>>, vector<16xf32>,
          %bitcast_convert_type3A = tpu.bitcast %get3A_152 : vector<16xf32> -> vector<16xi32>
          %shift_right_arithmetic3A = arith.constant 31 : i32
          %shift_right_arithmetic3A_153 = vector.broadcast %shift_right_arithmetic3A : i32 to vector<16xi32>
          %shift_right_arithmetic3A_154 = arith.shrsi %bitcast_convert_type3A, %shift_right_arithmetic3A_153 : vector<16xi32>
          %or3A = arith.ori %shift_right_arithmetic3A_154, %broadcast_in_dim3A_5 : vector<16xi32>
          %xor3A = arith.xori %bitcast_convert_type3A, %or3A : vector<16xi32>
          %shift_right_logical3A = arith.constant 18 : i32
          %shift_right_logical3A_155 = vector.broadcast %shift_right_logical3A : i32 to vector<16xi32>
          %shift_right_logical3A_156 = arith.shrui %xor3A, %shift_right_logical3A_155 : vector<16xi32>
          %ge3A = arith.cmpi sge, %shift_right_logical3A_156, %broadcast_in_dim3A_38 : vector<16xi32>
          %select_n3A = arith.select %ge3A, %broadcast_in_dim3A_1, %broadcast_in_dim3A_3 : vector<16xi1>, vector<16xi32>
          %broadcast_in_dim3A_157 = arith.constant true
          %broadcast_in_dim3A_158 = vector.broadcast %broadcast_in_dim3A_157 : i1 to vector<16xi1>
          %masked_cumsum3A = tpu.scan <sum>, %select_n3A masked %broadcast_in_dim3A_158 : vector<16xi32>, vector<16xi1> -> vector<16xi32>
          %add3A_159 = arith.addi %scan3A_147, %masked_cumsum3A : vector<16xi32>
          %sub3A_160 = arith.constant 1 : i32
          %sub3A_161 = vector.broadcast %sub3A_160 : i32 to vector<16xi32>
          %sub3A_162 = arith.subi %add3A_159, %sub3A_161 : vector<16xi32>
          %lt3A_163 = arith.constant 2048 : i32
          %lt3A_164 = vector.broadcast %lt3A_163 : i32 to vector<16xi32>
          %lt3A_165 = arith.cmpi slt, %sub3A_162, %lt3A_164 : vector<16xi32>
          %and3A = arith.andi %ge3A, %lt3A_165 : vector<16xi1>
          tpu.vector_store_idx %arg8[%sub3A_162], %get3A_152 masked %and3A : memref<2048xf32, #tpu.memory_space<vmem>>[vector<16xi32>], vector<16xf32>, vector<16xi1>
          %mul3A_166 = arith.constant 40000 : i32
          %mul3A_167 = arith.muli %scan3A_122, %mul3A_166 : i32
          %add3A_168 = arith.addi %mul3A_167, %add3A_151 : i32
          %broadcast_in_dim3A_169 = vector.broadcast %add3A_168 : i32 to vector<16xi32>
          %add3A_170 = arith.addi %broadcast_in_dim3A_169, %iota3A : vector<16xi32>
          tpu.vector_store_idx %arg9[%sub3A_162], %add3A_170 masked %and3A : memref<2048xi32, #tpu.memory_space<vmem>>[vector<16xi32>], vector<16xi32>, vector<16xi1>
          %all_reduce_population_count3A = tpu.all_reduce %ge3A {dim = 0 : i64, kind = #tpu.reduction_kind<sum>} : vector<16xi1> -> vector<16xi32>
          %add3A_171 = arith.addi %scan3A_147, %all_reduce_population_count3A : vector<16xi32>
          %mul3A_172 = arith.constant 64 : i32
          %mul3A_173 = arith.muli %scan3A_146, %mul3A_172 : i32
          %add3A_174 = arith.constant 16 : i32
          %add3A_175 = arith.addi %mul3A_173, %add3A_174 : i32
          %get3A_176 = arith.index_cast %add3A_175 : i32 to index
          %get3A_177 = tpu.vector_load %arg6[%get3A_176] {strides = array<i32>} : memref<40000xf32, #tpu.memory_space<vmem>>, vector<16xf32>,
          %bitcast_convert_type3A_178 = tpu.bitcast %get3A_177 : vector<16xf32> -> vector<16xi32>
          %shift_right_arithmetic3A_179 = arith.constant 31 : i32
          %shift_right_arithmetic3A_180 = vector.broadcast %shift_right_arithmetic3A_179 : i32 to vector<16xi32>
          %shift_right_arithmetic3A_181 = arith.shrsi %bitcast_convert_type3A_178, %shift_right_arithmetic3A_180 : vector<16xi32>
          %or3A_182 = arith.ori %shift_right_arithmetic3A_181, %broadcast_in_dim3A_5 : vector<16xi32>
          %xor3A_183 = arith.xori %bitcast_convert_type3A_178, %or3A_182 : vector<16xi32>
          %shift_right_logical3A_184 = arith.constant 18 : i32
          %shift_right_logical3A_185 = vector.broadcast %shift_right_logical3A_184 : i32 to vector<16xi32>
          %shift_right_logical3A_186 = arith.shrui %xor3A_183, %shift_right_logical3A_185 : vector<16xi32>
          %ge3A_187 = arith.cmpi sge, %shift_right_logical3A_186, %broadcast_in_dim3A_38 : vector<16xi32>
          %select_n3A_188 = arith.select %ge3A_187, %broadcast_in_dim3A_1, %broadcast_in_dim3A_3 : vector<16xi1>, vector<16xi32>
          %broadcast_in_dim3A_189 = arith.constant true
          %broadcast_in_dim3A_190 = vector.broadcast %broadcast_in_dim3A_189 : i1 to vector<16xi1>
          %masked_cumsum3A_191 = tpu.scan <sum>, %select_n3A_188 masked %broadcast_in_dim3A_190 : vector<16xi32>, vector<16xi1> -> vector<16xi32>
          %add3A_192 = arith.addi %add3A_171, %masked_cumsum3A_191 : vector<16xi32>
          %sub3A_193 = arith.constant 1 : i32
          %sub3A_194 = vector.broadcast %sub3A_193 : i32 to vector<16xi32>
          %sub3A_195 = arith.subi %add3A_192, %sub3A_194 : vector<16xi32>
          %lt3A_196 = arith.constant 2048 : i32
          %lt3A_197 = vector.broadcast %lt3A_196 : i32 to vector<16xi32>
          %lt3A_198 = arith.cmpi slt, %sub3A_195, %lt3A_197 : vector<16xi32>
          %and3A_199 = arith.andi %ge3A_187, %lt3A_198 : vector<16xi1>
          tpu.vector_store_idx %arg8[%sub3A_195], %get3A_177 masked %and3A_199 : memref<2048xf32, #tpu.memory_space<vmem>>[vector<16xi32>], vector<16xf32>, vector<16xi1>
          %mul3A_200 = arith.constant 40000 : i32
          %mul3A_201 = arith.muli %scan3A_122, %mul3A_200 : i32
          %add3A_202 = arith.addi %mul3A_201, %add3A_175 : i32
          %broadcast_in_dim3A_203 = vector.broadcast %add3A_202 : i32 to vector<16xi32>
          %add3A_204 = arith.addi %broadcast_in_dim3A_203, %iota3A : vector<16xi32>
          tpu.vector_store_idx %arg9[%sub3A_195], %add3A_204 masked %and3A_199 : memref<2048xi32, #tpu.memory_space<vmem>>[vector<16xi32>], vector<16xi32>, vector<16xi1>
          %all_reduce_population_count3A_205 = tpu.all_reduce %ge3A_187 {dim = 0 : i64, kind = #tpu.reduction_kind<sum>} : vector<16xi1> -> vector<16xi32>
          %add3A_206 = arith.addi %add3A_171, %all_reduce_population_count3A_205 : vector<16xi32>
          %mul3A_207 = arith.constant 64 : i32
          %mul3A_208 = arith.muli %scan3A_146, %mul3A_207 : i32
          %add3A_209 = arith.constant 32 : i32
          %add3A_210 = arith.addi %mul3A_208, %add3A_209 : i32
          %get3A_211 = arith.index_cast %add3A_210 : i32 to index
          %get3A_212 = tpu.vector_load %arg6[%get3A_211] {strides = array<i32>} : memref<40000xf32, #tpu.memory_space<vmem>>, vector<16xf32>,
          %bitcast_convert_type3A_213 = tpu.bitcast %get3A_212 : vector<16xf32> -> vector<16xi32>
          %shift_right_arithmetic3A_214 = arith.constant 31 : i32
          %shift_right_arithmetic3A_215 = vector.broadcast %shift_right_arithmetic3A_214 : i32 to vector<16xi32>
          %shift_right_arithmetic3A_216 = arith.shrsi %bitcast_convert_type3A_213, %shift_right_arithmetic3A_215 : vector<16xi32>
          %or3A_217 = arith.ori %shift_right_arithmetic3A_216, %broadcast_in_dim3A_5 : vector<16xi32>
          %xor3A_218 = arith.xori %bitcast_convert_type3A_213, %or3A_217 : vector<16xi32>
          %shift_right_logical3A_219 = arith.constant 18 : i32
          %shift_right_logical3A_220 = vector.broadcast %shift_right_logical3A_219 : i32 to vector<16xi32>
          %shift_right_logical3A_221 = arith.shrui %xor3A_218, %shift_right_logical3A_220 : vector<16xi32>
          %ge3A_222 = arith.cmpi sge, %shift_right_logical3A_221, %broadcast_in_dim3A_38 : vector<16xi32>
          %select_n3A_223 = arith.select %ge3A_222, %broadcast_in_dim3A_1, %broadcast_in_dim3A_3 : vector<16xi1>, vector<16xi32>
          %broadcast_in_dim3A_224 = arith.constant true
          %broadcast_in_dim3A_225 = vector.broadcast %broadcast_in_dim3A_224 : i1 to vector<16xi1>
          %masked_cumsum3A_226 = tpu.scan <sum>, %select_n3A_223 masked %broadcast_in_dim3A_225 : vector<16xi32>, vector<16xi1> -> vector<16xi32>
          %add3A_227 = arith.addi %add3A_206, %masked_cumsum3A_226 : vector<16xi32>
          %sub3A_228 = arith.constant 1 : i32
          %sub3A_229 = vector.broadcast %sub3A_228 : i32 to vector<16xi32>
          %sub3A_230 = arith.subi %add3A_227, %sub3A_229 : vector<16xi32>
          %lt3A_231 = arith.constant 2048 : i32
          %lt3A_232 = vector.broadcast %lt3A_231 : i32 to vector<16xi32>
          %lt3A_233 = arith.cmpi slt, %sub3A_230, %lt3A_232 : vector<16xi32>
          %and3A_234 = arith.andi %ge3A_222, %lt3A_233 : vector<16xi1>
          tpu.vector_store_idx %arg8[%sub3A_230], %get3A_212 masked %and3A_234 : memref<2048xf32, #tpu.memory_space<vmem>>[vector<16xi32>], vector<16xf32>, vector<16xi1>
          %mul3A_235 = arith.constant 40000 : i32
          %mul3A_236 = arith.muli %scan3A_122, %mul3A_235 : i32
          %add3A_237 = arith.addi %mul3A_236, %add3A_210 : i32
          %broadcast_in_dim3A_238 = vector.broadcast %add3A_237 : i32 to vector<16xi32>
          %add3A_239 = arith.addi %broadcast_in_dim3A_238, %iota3A : vector<16xi32>
          tpu.vector_store_idx %arg9[%sub3A_230], %add3A_239 masked %and3A_234 : memref<2048xi32, #tpu.memory_space<vmem>>[vector<16xi32>], vector<16xi32>, vector<16xi1>
          %all_reduce_population_count3A_240 = tpu.all_reduce %ge3A_222 {dim = 0 : i64, kind = #tpu.reduction_kind<sum>} : vector<16xi1> -> vector<16xi32>
          %add3A_241 = arith.addi %add3A_206, %all_reduce_population_count3A_240 : vector<16xi32>
          %mul3A_242 = arith.constant 64 : i32
          %mul3A_243 = arith.muli %scan3A_146, %mul3A_242 : i32
          %add3A_244 = arith.constant 48 : i32
          %add3A_245 = arith.addi %mul3A_243, %add3A_244 : i32
          %get3A_246 = arith.index_cast %add3A_245 : i32 to index
          %get3A_247 = tpu.vector_load %arg6[%get3A_246] {strides = array<i32>} : memref<40000xf32, #tpu.memory_space<vmem>>, vector<16xf32>,
          %bitcast_convert_type3A_248 = tpu.bitcast %get3A_247 : vector<16xf32> -> vector<16xi32>
          %shift_right_arithmetic3A_249 = arith.constant 31 : i32
          %shift_right_arithmetic3A_250 = vector.broadcast %shift_right_arithmetic3A_249 : i32 to vector<16xi32>
          %shift_right_arithmetic3A_251 = arith.shrsi %bitcast_convert_type3A_248, %shift_right_arithmetic3A_250 : vector<16xi32>
          %or3A_252 = arith.ori %shift_right_arithmetic3A_251, %broadcast_in_dim3A_5 : vector<16xi32>
          %xor3A_253 = arith.xori %bitcast_convert_type3A_248, %or3A_252 : vector<16xi32>
          %shift_right_logical3A_254 = arith.constant 18 : i32
          %shift_right_logical3A_255 = vector.broadcast %shift_right_logical3A_254 : i32 to vector<16xi32>
          %shift_right_logical3A_256 = arith.shrui %xor3A_253, %shift_right_logical3A_255 : vector<16xi32>
          %ge3A_257 = arith.cmpi sge, %shift_right_logical3A_256, %broadcast_in_dim3A_38 : vector<16xi32>
          %select_n3A_258 = arith.select %ge3A_257, %broadcast_in_dim3A_1, %broadcast_in_dim3A_3 : vector<16xi1>, vector<16xi32>
          %broadcast_in_dim3A_259 = arith.constant true
          %broadcast_in_dim3A_260 = vector.broadcast %broadcast_in_dim3A_259 : i1 to vector<16xi1>
          %masked_cumsum3A_261 = tpu.scan <sum>, %select_n3A_258 masked %broadcast_in_dim3A_260 : vector<16xi32>, vector<16xi1> -> vector<16xi32>
          %add3A_262 = arith.addi %add3A_241, %masked_cumsum3A_261 : vector<16xi32>
          %sub3A_263 = arith.constant 1 : i32
          %sub3A_264 = vector.broadcast %sub3A_263 : i32 to vector<16xi32>
          %sub3A_265 = arith.subi %add3A_262, %sub3A_264 : vector<16xi32>
          %lt3A_266 = arith.constant 2048 : i32
          %lt3A_267 = vector.broadcast %lt3A_266 : i32 to vector<16xi32>
          %lt3A_268 = arith.cmpi slt, %sub3A_265, %lt3A_267 : vector<16xi32>
          %and3A_269 = arith.andi %ge3A_257, %lt3A_268 : vector<16xi1>
          tpu.vector_store_idx %arg8[%sub3A_265], %get3A_247 masked %and3A_269 : memref<2048xf32, #tpu.memory_space<vmem>>[vector<16xi32>], vector<16xf32>, vector<16xi1>
          %mul3A_270 = arith.constant 40000 : i32
          %mul3A_271 = arith.muli %scan3A_122, %mul3A_270 : i32
          %add3A_272 = arith.addi %mul3A_271, %add3A_245 : i32
          %broadcast_in_dim3A_273 = vector.broadcast %add3A_272 : i32 to vector<16xi32>
          %add3A_274 = arith.addi %broadcast_in_dim3A_273, %iota3A : vector<16xi32>
          tpu.vector_store_idx %arg9[%sub3A_265], %add3A_274 masked %and3A_269 : memref<2048xi32, #tpu.memory_space<vmem>>[vector<16xi32>], vector<16xi32>, vector<16xi1>
          %all_reduce_population_count3A_275 = tpu.all_reduce %ge3A_257 {dim = 0 : i64, kind = #tpu.reduction_kind<sum>} : vector<16xi1> -> vector<16xi32>
          %add3A_276 = arith.addi %add3A_241, %all_reduce_population_count3A_275 : vector<16xi32>
          scf.yield %add3A_276 : vector<16xi32>
        }
        %scan3A_145 = arith.constant 625 : i32
        scf.yield %scan3A_144 : vector<16xi32>
      }
      scf.yield %cond3A_127 : vector<16xi32>
    }
    %scan3A_57 = arith.constant 25 : i32
    %mul3A_58 = arith.constant 2048 : i32
    %mul3A_59 = arith.muli %add3A_9, %mul3A_58 : i32
    "tpu.region"() ({
      %run_scoped3A = tpu.sem_alloc : memref<!tpu.dma_semaphore, #tpu.memory_space<semaphore_mem>>
      %dma_start3A_122 = tpu.memref_slice %arg3[%mul3A_59] : memref<131072xf32, #tpu.memory_space<hbm>> -> memref<2048xf32, #tpu.memory_space<hbm>>
      %dma_start3A_123 = tpu.memref_slice %arg3[%mul3A_59] : memref<131072xf32, #tpu.memory_space<hbm>> -> memref<2048xf32, #tpu.memory_space<hbm>>
      tpu.enqueue_dma source(%arg8 : memref<2048xf32, #tpu.memory_space<vmem>>) target(%dma_start3A_123 : memref<2048xf32, #tpu.memory_space<hbm>>) target_semaphore(%run_scoped3A : memref<!tpu.dma_semaphore, #tpu.memory_space<semaphore_mem>>)
      %dma_wait3A = tpu.memref_slice %arg3[%mul3A_59] : memref<131072xf32, #tpu.memory_space<hbm>> -> memref<2048xf32, #tpu.memory_space<hbm>>
      %dma_wait3A_124 = tpu.memref_slice %arg3[%mul3A_59] : memref<131072xf32, #tpu.memory_space<hbm>> -> memref<2048xf32, #tpu.memory_space<hbm>>
      tpu.wait_dma2 semaphore(%run_scoped3A : memref<!tpu.dma_semaphore, #tpu.memory_space<semaphore_mem>>) src(%arg8 : memref<2048xf32, #tpu.memory_space<vmem>>) dst(%dma_wait3A_124 : memref<2048xf32, #tpu.memory_space<hbm>>)
      tpu.yield
    }) : () -> ()
    %mul3A_60 = arith.constant 2048 : i32
    %mul3A_61 = arith.muli %add3A_9, %mul3A_60 : i32
    "tpu.region"() ({
      %run_scoped3A = tpu.sem_alloc : memref<!tpu.dma_semaphore, #tpu.memory_space<semaphore_mem>>
      %dma_start3A_122 = tpu.memref_slice %arg4[%mul3A_61] : memref<131072xi32, #tpu.memory_space<hbm>> -> memref<2048xi32, #tpu.memory_space<hbm>>
      %dma_start3A_123 = tpu.memref_slice %arg4[%mul3A_61] : memref<131072xi32, #tpu.memory_space<hbm>> -> memref<2048xi32, #tpu.memory_space<hbm>>
      tpu.enqueue_dma source(%arg9 : memref<2048xi32, #tpu.memory_space<vmem>>) target(%dma_start3A_123 : memref<2048xi32, #tpu.memory_space<hbm>>) target_semaphore(%run_scoped3A : memref<!tpu.dma_semaphore, #tpu.memory_space<semaphore_mem>>)
      %dma_wait3A = tpu.memref_slice %arg4[%mul3A_61] : memref<131072xi32, #tpu.memory_space<hbm>> -> memref<2048xi32, #tpu.memory_space<hbm>>
      %dma_wait3A_124 = tpu.memref_slice %arg4[%mul3A_61] : memref<131072xi32, #tpu.memory_space<hbm>> -> memref<2048xi32, #tpu.memory_space<hbm>>
      tpu.wait_dma2 semaphore(%run_scoped3A : memref<!tpu.dma_semaphore, #tpu.memory_space<semaphore_mem>>) src(%arg9 : memref<2048xi32, #tpu.memory_space<vmem>>) dst(%dma_wait3A_124 : memref<2048xi32, #tpu.memory_space<hbm>>)
      tpu.yield
    }) : () -> ()
    %mul3A_62 = arith.constant 2 : i32
    %mul3A_63 = arith.muli %add3A, %mul3A_62 : i32
    %add3A_64 = arith.constant 1 : i32
    %add3A_65 = arith.addi %mul3A_63, %add3A_64 : i32
    %scan3A_66 = arith.constant 0 : i32
    %scan3A_67 = arith.constant 0 : i32
    %scan3A_68 = arith.constant 1024 : i32
    %scan3A_69 = arith.addi %scan3A_67, %scan3A_68 : i32
    %scan3A_70 = arith.constant 1 : i32
    %scan3A_71 = scf.for %scan3A_122 = %scan3A_67 to %scan3A_69 step %scan3A_70 iter_args(%scan3A_123 = %scan3A_66) -> (i32)  : i32 {
      %mul3A_124 = arith.constant 16 : i32
      %mul3A_125 = arith.muli %scan3A_122, %mul3A_124 : i32
      %swap3A = arith.index_cast %mul3A_125 : i32 to index
      %swap3A_126 = tpu.vector_load %arg7[%swap3A] {strides = array<i32>} : memref<16384xi32, #tpu.memory_space<vmem>>, vector<16xi32>,
      tpu.vector_store %arg7[%swap3A], %broadcast_in_dim3A_3 {strides = array<i32>} : memref<16384xi32, #tpu.memory_space<vmem>>, vector<16xi32>,
      %scan3A_127 = arith.constant 0 : i32
      scf.yield %scan3A_127 : i32
    }
    %scan3A_72 = arith.constant 1024 : i32
    %mul3A_73 = arith.constant 1000000 : i32
    %mul3A_74 = arith.muli %add3A_65, %mul3A_73 : i32
    %add3A_75 = arith.constant 0 : i32
    %add3A_76 = arith.addi %mul3A_74, %add3A_75 : i32
    %dma_start3A_77 = tpu.memref_slice %arg2[%add3A_76] : memref<64000000xf32, #tpu.memory_space<hbm>> -> memref<40000xf32, #tpu.memory_space<hbm>>
    %dma_start3A_78 = tpu.memref_slice %arg2[%add3A_76] : memref<64000000xf32, #tpu.memory_space<hbm>> -> memref<40000xf32, #tpu.memory_space<hbm>>
    tpu.enqueue_dma source(%dma_start3A_78 : memref<40000xf32, #tpu.memory_space<hbm>>) target(%arg5 : memref<40000xf32, #tpu.memory_space<vmem>>) target_semaphore(%arg10 : memref<!tpu.dma_semaphore, #tpu.memory_space<semaphore_mem>>)
    %scan3A_79 = arith.constant 0 : i32
    %scan3A_80 = arith.constant 0 : i32
    %scan3A_81 = arith.constant 25 : i32
    %scan3A_82 = arith.addi %scan3A_80, %scan3A_81 : i32
    %scan3A_83 = arith.constant 1 : i32
    %scan3A_84 = scf.for %scan3A_122 = %scan3A_80 to %scan3A_82 step %scan3A_83 iter_args(%scan3A_123 = %scan3A_79) -> (i32)  : i32 {
      %rem3A = arith.constant 2 : i32
      %rem3A_124 = arith.remsi %scan3A_122, %rem3A : i32
      %eq3A = arith.constant 0 : i32
      %eq3A_125 = arith.cmpi eq, %rem3A_124, %eq3A : i32
      %convert_element_type3A = arith.extui %eq3A_125 : i1 to i32
      %cond3A = arith.constant 0 : i32
      %cond3A_126 = arith.cmpi ne, %convert_element_type3A, %cond3A : i32
      %cond3A_127 = scf.if %cond3A_126 -> (i32) {
        %add3A_128 = arith.constant 1 : i32
        %add3A_129 = arith.addi %scan3A_122, %add3A_128 : i32
        %lt3A = arith.constant 25 : i32
        %lt3A_130 = arith.cmpi slt, %add3A_129, %lt3A : i32
        %convert_element_type3A_131 = arith.extui %lt3A_130 : i1 to i32
        %cond3A_132 = arith.constant 0 : i32
        %cond3A_133 = arith.cmpi ne, %convert_element_type3A_131, %cond3A_132 : i32
        scf.if %cond3A_133 {
          %add3A_148 = arith.constant 1 : i32
          %add3A_149 = arith.addi %scan3A_122, %add3A_148 : i32
          %mul3A_150 = arith.constant 1000000 : i32
          %mul3A_151 = arith.muli %add3A_65, %mul3A_150 : i32
          %mul3A_152 = arith.constant 40000 : i32
          %mul3A_153 = arith.muli %add3A_149, %mul3A_152 : i32
          %add3A_154 = arith.addi %mul3A_151, %mul3A_153 : i32
          %dma_start3A_155 = tpu.memref_slice %arg2[%add3A_154] : memref<64000000xf32, #tpu.memory_space<hbm>> -> memref<40000xf32, #tpu.memory_space<hbm>>
          %dma_start3A_156 = tpu.memref_slice %arg2[%add3A_154] : memref<64000000xf32, #tpu.memory_space<hbm>> -> memref<40000xf32, #tpu.memory_space<hbm>>
          tpu.enqueue_dma source(%dma_start3A_156 : memref<40000xf32, #tpu.memory_space<hbm>>) target(%arg6 : memref<40000xf32, #tpu.memory_space<vmem>>) target_semaphore(%arg11 : memref<!tpu.dma_semaphore, #tpu.memory_space<semaphore_mem>>)
        } else {
        }
        %mul3A_134 = arith.constant 1000000 : i32
        %mul3A_135 = arith.muli %add3A_65, %mul3A_134 : i32
        %mul3A_136 = arith.constant 40000 : i32
        %mul3A_137 = arith.muli %scan3A_122, %mul3A_136 : i32
        %add3A_138 = arith.addi %mul3A_135, %mul3A_137 : i32
        %dma_wait3A = tpu.memref_slice %arg2[%add3A_138] : memref<64000000xf32, #tpu.memory_space<hbm>> -> memref<40000xf32, #tpu.memory_space<hbm>>
        %dma_wait3A_139 = tpu.memref_slice %arg2[%add3A_138] : memref<64000000xf32, #tpu.memory_space<hbm>> -> memref<40000xf32, #tpu.memory_space<hbm>>
        tpu.wait_dma2 semaphore(%arg10 : memref<!tpu.dma_semaphore, #tpu.memory_space<semaphore_mem>>) src(%dma_wait3A_139 : memref<40000xf32, #tpu.memory_space<hbm>>) dst(%arg5 : memref<40000xf32, #tpu.memory_space<vmem>>)
        %scan3A_140 = arith.constant 0 : i32
        %scan3A_141 = arith.constant 0 : i32
        %scan3A_142 = arith.constant 625 : i32
        %scan3A_143 = arith.addi %scan3A_141, %scan3A_142 : i32
        %scan3A_144 = arith.constant 1 : i32
        %scan3A_145 = scf.for %scan3A_148 = %scan3A_141 to %scan3A_143 step %scan3A_144 iter_args(%scan3A_149 = %scan3A_140) -> (i32)  : i32 {
          %mul3A_150 = arith.constant 64 : i32
          %mul3A_151 = arith.muli %scan3A_148, %mul3A_150 : i32
          %add3A_152 = arith.constant 0 : i32
          %add3A_153 = arith.addi %mul3A_151, %add3A_152 : i32
          %get3A = arith.index_cast %add3A_153 : i32 to index
          %get3A_154 = tpu.vector_load %arg5[%get3A] {strides = array<i32>} : memref<40000xf32, #tpu.memory_space<vmem>>, vector<16xf32>,
          %bitcast_convert_type3A = tpu.bitcast %get3A_154 : vector<16xf32> -> vector<16xi32>
          %shift_right_arithmetic3A = arith.constant 31 : i32
          %shift_right_arithmetic3A_155 = vector.broadcast %shift_right_arithmetic3A : i32 to vector<16xi32>
          %shift_right_arithmetic3A_156 = arith.shrsi %bitcast_convert_type3A, %shift_right_arithmetic3A_155 : vector<16xi32>
          %or3A = arith.ori %shift_right_arithmetic3A_156, %broadcast_in_dim3A_5 : vector<16xi32>
          %xor3A = arith.xori %bitcast_convert_type3A, %or3A : vector<16xi32>
          %shift_right_logical3A = arith.constant 18 : i32
          %shift_right_logical3A_157 = vector.broadcast %shift_right_logical3A : i32 to vector<16xi32>
          %shift_right_logical3A_158 = arith.shrui %xor3A, %shift_right_logical3A_157 : vector<16xi32>
          tpu.vector_store_idx %arg7[%shift_right_logical3A_158], %broadcast_in_dim3A_1 {add = true} : memref<16384xi32, #tpu.memory_space<vmem>>[vector<16xi32>], vector<16xi32>,
          %mul3A_159 = arith.constant 64 : i32
          %mul3A_160 = arith.muli %scan3A_148, %mul3A_159 : i32
          %add3A_161 = arith.constant 16 : i32
          %add3A_162 = arith.addi %mul3A_160, %add3A_161 : i32
          %get3A_163 = arith.index_cast %add3A_162 : i32 to index
          %get3A_164 = tpu.vector_load %arg5[%get3A_163] {strides = array<i32>} : memref<40000xf32, #tpu.memory_space<vmem>>, vector<16xf32>,
          %bitcast_convert_type3A_165 = tpu.bitcast %get3A_164 : vector<16xf32> -> vector<16xi32>
          %shift_right_arithmetic3A_166 = arith.constant 31 : i32
          %shift_right_arithmetic3A_167 = vector.broadcast %shift_right_arithmetic3A_166 : i32 to vector<16xi32>
          %shift_right_arithmetic3A_168 = arith.shrsi %bitcast_convert_type3A_165, %shift_right_arithmetic3A_167 : vector<16xi32>
          %or3A_169 = arith.ori %shift_right_arithmetic3A_168, %broadcast_in_dim3A_5 : vector<16xi32>
          %xor3A_170 = arith.xori %bitcast_convert_type3A_165, %or3A_169 : vector<16xi32>
          %shift_right_logical3A_171 = arith.constant 18 : i32
          %shift_right_logical3A_172 = vector.broadcast %shift_right_logical3A_171 : i32 to vector<16xi32>
          %shift_right_logical3A_173 = arith.shrui %xor3A_170, %shift_right_logical3A_172 : vector<16xi32>
          tpu.vector_store_idx %arg7[%shift_right_logical3A_173], %broadcast_in_dim3A_1 {add = true} : memref<16384xi32, #tpu.memory_space<vmem>>[vector<16xi32>], vector<16xi32>,
          %mul3A_174 = arith.constant 64 : i32
          %mul3A_175 = arith.muli %scan3A_148, %mul3A_174 : i32
          %add3A_176 = arith.constant 32 : i32
          %add3A_177 = arith.addi %mul3A_175, %add3A_176 : i32
          %get3A_178 = arith.index_cast %add3A_177 : i32 to index
          %get3A_179 = tpu.vector_load %arg5[%get3A_178] {strides = array<i32>} : memref<40000xf32, #tpu.memory_space<vmem>>, vector<16xf32>,
          %bitcast_convert_type3A_180 = tpu.bitcast %get3A_179 : vector<16xf32> -> vector<16xi32>
          %shift_right_arithmetic3A_181 = arith.constant 31 : i32
          %shift_right_arithmetic3A_182 = vector.broadcast %shift_right_arithmetic3A_181 : i32 to vector<16xi32>
          %shift_right_arithmetic3A_183 = arith.shrsi %bitcast_convert_type3A_180, %shift_right_arithmetic3A_182 : vector<16xi32>
          %or3A_184 = arith.ori %shift_right_arithmetic3A_183, %broadcast_in_dim3A_5 : vector<16xi32>
          %xor3A_185 = arith.xori %bitcast_convert_type3A_180, %or3A_184 : vector<16xi32>
          %shift_right_logical3A_186 = arith.constant 18 : i32
          %shift_right_logical3A_187 = vector.broadcast %shift_right_logical3A_186 : i32 to vector<16xi32>
          %shift_right_logical3A_188 = arith.shrui %xor3A_185, %shift_right_logical3A_187 : vector<16xi32>
          tpu.vector_store_idx %arg7[%shift_right_logical3A_188], %broadcast_in_dim3A_1 {add = true} : memref<16384xi32, #tpu.memory_space<vmem>>[vector<16xi32>], vector<16xi32>,
          %mul3A_189 = arith.constant 64 : i32
          %mul3A_190 = arith.muli %scan3A_148, %mul3A_189 : i32
          %add3A_191 = arith.constant 48 : i32
          %add3A_192 = arith.addi %mul3A_190, %add3A_191 : i32
          %get3A_193 = arith.index_cast %add3A_192 : i32 to index
          %get3A_194 = tpu.vector_load %arg5[%get3A_193] {strides = array<i32>} : memref<40000xf32, #tpu.memory_space<vmem>>, vector<16xf32>,
          %bitcast_convert_type3A_195 = tpu.bitcast %get3A_194 : vector<16xf32> -> vector<16xi32>
          %shift_right_arithmetic3A_196 = arith.constant 31 : i32
          %shift_right_arithmetic3A_197 = vector.broadcast %shift_right_arithmetic3A_196 : i32 to vector<16xi32>
          %shift_right_arithmetic3A_198 = arith.shrsi %bitcast_convert_type3A_195, %shift_right_arithmetic3A_197 : vector<16xi32>
          %or3A_199 = arith.ori %shift_right_arithmetic3A_198, %broadcast_in_dim3A_5 : vector<16xi32>
          %xor3A_200 = arith.xori %bitcast_convert_type3A_195, %or3A_199 : vector<16xi32>
          %shift_right_logical3A_201 = arith.constant 18 : i32
          %shift_right_logical3A_202 = vector.broadcast %shift_right_logical3A_201 : i32 to vector<16xi32>
          %shift_right_logical3A_203 = arith.shrui %xor3A_200, %shift_right_logical3A_202 : vector<16xi32>
          tpu.vector_store_idx %arg7[%shift_right_logical3A_203], %broadcast_in_dim3A_1 {add = true} : memref<16384xi32, #tpu.memory_space<vmem>>[vector<16xi32>], vector<16xi32>,
          %scan3A_204 = arith.constant 0 : i32
          scf.yield %scan3A_204 : i32
        }
        %scan3A_146 = arith.constant 625 : i32
        %cond3A_147 = arith.constant 0 : i32
        scf.yield %cond3A_147 : i32
      } else {
        %add3A_128 = arith.constant 1 : i32
        %add3A_129 = arith.addi %scan3A_122, %add3A_128 : i32
        %lt3A = arith.constant 25 : i32
        %lt3A_130 = arith.cmpi slt, %add3A_129, %lt3A : i32
        %convert_element_type3A_131 = arith.extui %lt3A_130 : i1 to i32
        %cond3A_132 = arith.constant 0 : i32
        %cond3A_133 = arith.cmpi ne, %convert_element_type3A_131, %cond3A_132 : i32
        scf.if %cond3A_133 {
          %add3A_148 = arith.constant 1 : i32
          %add3A_149 = arith.addi %scan3A_122, %add3A_148 : i32
          %mul3A_150 = arith.constant 1000000 : i32
          %mul3A_151 = arith.muli %add3A_65, %mul3A_150 : i32
          %mul3A_152 = arith.constant 40000 : i32
          %mul3A_153 = arith.muli %add3A_149, %mul3A_152 : i32
          %add3A_154 = arith.addi %mul3A_151, %mul3A_153 : i32
          %dma_start3A_155 = tpu.memref_slice %arg2[%add3A_154] : memref<64000000xf32, #tpu.memory_space<hbm>> -> memref<40000xf32, #tpu.memory_space<hbm>>
          %dma_start3A_156 = tpu.memref_slice %arg2[%add3A_154] : memref<64000000xf32, #tpu.memory_space<hbm>> -> memref<40000xf32, #tpu.memory_space<hbm>>
          tpu.enqueue_dma source(%dma_start3A_156 : memref<40000xf32, #tpu.memory_space<hbm>>) target(%arg5 : memref<40000xf32, #tpu.memory_space<vmem>>) target_semaphore(%arg10 : memref<!tpu.dma_semaphore, #tpu.memory_space<semaphore_mem>>)
        } else {
        }
        %mul3A_134 = arith.constant 1000000 : i32
        %mul3A_135 = arith.muli %add3A_65, %mul3A_134 : i32
        %mul3A_136 = arith.constant 40000 : i32
        %mul3A_137 = arith.muli %scan3A_122, %mul3A_136 : i32
        %add3A_138 = arith.addi %mul3A_135, %mul3A_137 : i32
        %dma_wait3A = tpu.memref_slice %arg2[%add3A_138] : memref<64000000xf32, #tpu.memory_space<hbm>> -> memref<40000xf32, #tpu.memory_space<hbm>>
        %dma_wait3A_139 = tpu.memref_slice %arg2[%add3A_138] : memref<64000000xf32, #tpu.memory_space<hbm>> -> memref<40000xf32, #tpu.memory_space<hbm>>
        tpu.wait_dma2 semaphore(%arg11 : memref<!tpu.dma_semaphore, #tpu.memory_space<semaphore_mem>>) src(%dma_wait3A_139 : memref<40000xf32, #tpu.memory_space<hbm>>) dst(%arg6 : memref<40000xf32, #tpu.memory_space<vmem>>)
        %scan3A_140 = arith.constant 0 : i32
        %scan3A_141 = arith.constant 0 : i32
        %scan3A_142 = arith.constant 625 : i32
        %scan3A_143 = arith.addi %scan3A_141, %scan3A_142 : i32
        %scan3A_144 = arith.constant 1 : i32
        %scan3A_145 = scf.for %scan3A_148 = %scan3A_141 to %scan3A_143 step %scan3A_144 iter_args(%scan3A_149 = %scan3A_140) -> (i32)  : i32 {
          %mul3A_150 = arith.constant 64 : i32
          %mul3A_151 = arith.muli %scan3A_148, %mul3A_150 : i32
          %add3A_152 = arith.constant 0 : i32
          %add3A_153 = arith.addi %mul3A_151, %add3A_152 : i32
          %get3A = arith.index_cast %add3A_153 : i32 to index
          %get3A_154 = tpu.vector_load %arg6[%get3A] {strides = array<i32>} : memref<40000xf32, #tpu.memory_space<vmem>>, vector<16xf32>,
          %bitcast_convert_type3A = tpu.bitcast %get3A_154 : vector<16xf32> -> vector<16xi32>
          %shift_right_arithmetic3A = arith.constant 31 : i32
          %shift_right_arithmetic3A_155 = vector.broadcast %shift_right_arithmetic3A : i32 to vector<16xi32>
          %shift_right_arithmetic3A_156 = arith.shrsi %bitcast_convert_type3A, %shift_right_arithmetic3A_155 : vector<16xi32>
          %or3A = arith.ori %shift_right_arithmetic3A_156, %broadcast_in_dim3A_5 : vector<16xi32>
          %xor3A = arith.xori %bitcast_convert_type3A, %or3A : vector<16xi32>
          %shift_right_logical3A = arith.constant 18 : i32
          %shift_right_logical3A_157 = vector.broadcast %shift_right_logical3A : i32 to vector<16xi32>
          %shift_right_logical3A_158 = arith.shrui %xor3A, %shift_right_logical3A_157 : vector<16xi32>
          tpu.vector_store_idx %arg7[%shift_right_logical3A_158], %broadcast_in_dim3A_1 {add = true} : memref<16384xi32, #tpu.memory_space<vmem>>[vector<16xi32>], vector<16xi32>,
          %mul3A_159 = arith.constant 64 : i32
          %mul3A_160 = arith.muli %scan3A_148, %mul3A_159 : i32
          %add3A_161 = arith.constant 16 : i32
          %add3A_162 = arith.addi %mul3A_160, %add3A_161 : i32
          %get3A_163 = arith.index_cast %add3A_162 : i32 to index
          %get3A_164 = tpu.vector_load %arg6[%get3A_163] {strides = array<i32>} : memref<40000xf32, #tpu.memory_space<vmem>>, vector<16xf32>,
          %bitcast_convert_type3A_165 = tpu.bitcast %get3A_164 : vector<16xf32> -> vector<16xi32>
          %shift_right_arithmetic3A_166 = arith.constant 31 : i32
          %shift_right_arithmetic3A_167 = vector.broadcast %shift_right_arithmetic3A_166 : i32 to vector<16xi32>
          %shift_right_arithmetic3A_168 = arith.shrsi %bitcast_convert_type3A_165, %shift_right_arithmetic3A_167 : vector<16xi32>
          %or3A_169 = arith.ori %shift_right_arithmetic3A_168, %broadcast_in_dim3A_5 : vector<16xi32>
          %xor3A_170 = arith.xori %bitcast_convert_type3A_165, %or3A_169 : vector<16xi32>
          %shift_right_logical3A_171 = arith.constant 18 : i32
          %shift_right_logical3A_172 = vector.broadcast %shift_right_logical3A_171 : i32 to vector<16xi32>
          %shift_right_logical3A_173 = arith.shrui %xor3A_170, %shift_right_logical3A_172 : vector<16xi32>
          tpu.vector_store_idx %arg7[%shift_right_logical3A_173], %broadcast_in_dim3A_1 {add = true} : memref<16384xi32, #tpu.memory_space<vmem>>[vector<16xi32>], vector<16xi32>,
          %mul3A_174 = arith.constant 64 : i32
          %mul3A_175 = arith.muli %scan3A_148, %mul3A_174 : i32
          %add3A_176 = arith.constant 32 : i32
          %add3A_177 = arith.addi %mul3A_175, %add3A_176 : i32
          %get3A_178 = arith.index_cast %add3A_177 : i32 to index
          %get3A_179 = tpu.vector_load %arg6[%get3A_178] {strides = array<i32>} : memref<40000xf32, #tpu.memory_space<vmem>>, vector<16xf32>,
          %bitcast_convert_type3A_180 = tpu.bitcast %get3A_179 : vector<16xf32> -> vector<16xi32>
          %shift_right_arithmetic3A_181 = arith.constant 31 : i32
          %shift_right_arithmetic3A_182 = vector.broadcast %shift_right_arithmetic3A_181 : i32 to vector<16xi32>
          %shift_right_arithmetic3A_183 = arith.shrsi %bitcast_convert_type3A_180, %shift_right_arithmetic3A_182 : vector<16xi32>
          %or3A_184 = arith.ori %shift_right_arithmetic3A_183, %broadcast_in_dim3A_5 : vector<16xi32>
          %xor3A_185 = arith.xori %bitcast_convert_type3A_180, %or3A_184 : vector<16xi32>
          %shift_right_logical3A_186 = arith.constant 18 : i32
          %shift_right_logical3A_187 = vector.broadcast %shift_right_logical3A_186 : i32 to vector<16xi32>
          %shift_right_logical3A_188 = arith.shrui %xor3A_185, %shift_right_logical3A_187 : vector<16xi32>
          tpu.vector_store_idx %arg7[%shift_right_logical3A_188], %broadcast_in_dim3A_1 {add = true} : memref<16384xi32, #tpu.memory_space<vmem>>[vector<16xi32>], vector<16xi32>,
          %mul3A_189 = arith.constant 64 : i32
          %mul3A_190 = arith.muli %scan3A_148, %mul3A_189 : i32
          %add3A_191 = arith.constant 48 : i32
          %add3A_192 = arith.addi %mul3A_190, %add3A_191 : i32
          %get3A_193 = arith.index_cast %add3A_192 : i32 to index
          %get3A_194 = tpu.vector_load %arg6[%get3A_193] {strides = array<i32>} : memref<40000xf32, #tpu.memory_space<vmem>>, vector<16xf32>,
          %bitcast_convert_type3A_195 = tpu.bitcast %get3A_194 : vector<16xf32> -> vector<16xi32>
          %shift_right_arithmetic3A_196 = arith.constant 31 : i32
          %shift_right_arithmetic3A_197 = vector.broadcast %shift_right_arithmetic3A_196 : i32 to vector<16xi32>
          %shift_right_arithmetic3A_198 = arith.shrsi %bitcast_convert_type3A_195, %shift_right_arithmetic3A_197 : vector<16xi32>
          %or3A_199 = arith.ori %shift_right_arithmetic3A_198, %broadcast_in_dim3A_5 : vector<16xi32>
          %xor3A_200 = arith.xori %bitcast_convert_type3A_195, %or3A_199 : vector<16xi32>
          %shift_right_logical3A_201 = arith.constant 18 : i32
          %shift_right_logical3A_202 = vector.broadcast %shift_right_logical3A_201 : i32 to vector<16xi32>
          %shift_right_logical3A_203 = arith.shrui %xor3A_200, %shift_right_logical3A_202 : vector<16xi32>
          tpu.vector_store_idx %arg7[%shift_right_logical3A_203], %broadcast_in_dim3A_1 {add = true} : memref<16384xi32, #tpu.memory_space<vmem>>[vector<16xi32>], vector<16xi32>,
          %scan3A_204 = arith.constant 0 : i32
          scf.yield %scan3A_204 : i32
        }
        %scan3A_146 = arith.constant 625 : i32
        %cond3A_147 = arith.constant 0 : i32
        scf.yield %cond3A_147 : i32
      }
      scf.yield %cond3A_127 : i32
    }
    %scan3A_85 = arith.constant 25 : i32
    %scan3A_86 = arith.constant 0 : i32
    %scan3A_87 = arith.constant -1 : i32
    %scan3A_88 = arith.constant 0 : i32
    %scan3A_89 = arith.constant 1024 : i32
    %scan3A_90 = arith.addi %scan3A_88, %scan3A_89 : i32
    %scan3A_91 = arith.constant 1 : i32
    %scan3A_92:2 = scf.for %scan3A_122 = %scan3A_88 to %scan3A_90 step %scan3A_91 iter_args(%scan3A_123 = %scan3A_86, %scan3A_124 = %scan3A_87) -> (i32, i32)  : i32 {
      %sub3A_125 = arith.constant 1023 : i32
      %sub3A_126 = arith.subi %sub3A_125, %scan3A_122 : i32
      %mul3A_127 = arith.constant 16 : i32
      %mul3A_128 = arith.muli %sub3A_126, %mul3A_127 : i32
      %get3A = arith.index_cast %mul3A_128 : i32 to index
      %get3A_129 = tpu.vector_load %arg7[%get3A] {strides = array<i32>} : memref<16384xi32, #tpu.memory_space<vmem>>, vector<16xi32>,
      %broadcast_in_dim3A_130 = arith.constant true
      %broadcast_in_dim3A_131 = vector.broadcast %broadcast_in_dim3A_130 : i1 to vector<16xi1>
      %masked_cumsum3A = tpu.scan <sum>, %get3A_129 masked %broadcast_in_dim3A_131 : vector<16xi32>, vector<16xi1> -> vector<16xi32>
      %reduce_max3A = arith.constant true
      %reduce_max3A_132 = vector.broadcast %reduce_max3A : i1 to vector<16xi1>
      %reduce_max3A_133 = arith.constant -2147483648 : i32
      %reduce_max3A_134 = vector.broadcast %reduce_max3A_133 : i32 to vector<16xi32>
      %reduce_max3A_135 = arith.xori %masked_cumsum3A, %reduce_max3A_134 : vector<16xi32>
      %reduce_max3A_136 = tpu.scan <max>, %reduce_max3A_135 masked %reduce_max3A_132 : vector<16xi32>, vector<16xi1> -> vector<16xi32>
      %reduce_max3A_137 = arith.xori %reduce_max3A_136, %reduce_max3A_134 : vector<16xi32>
      %reduce_max3A_138 = vector.extract %reduce_max3A_137[15] : i32 from vector<16xi32>
      %add3A_139 = arith.addi %scan3A_123, %reduce_max3A_138 : i32
      %sub3A_140 = vector.broadcast %add3A_139 : i32 to vector<16xi32>
      %sub3A_141 = arith.subi %sub3A_140, %masked_cumsum3A : vector<16xi32>
      %add3A_142 = arith.addi %sub3A_141, %get3A_129 : vector<16xi32>
      %ge3A = arith.constant 1000 : i32
      %ge3A_143 = vector.broadcast %ge3A : i32 to vector<16xi32>
      %ge3A_144 = arith.cmpi sge, %add3A_142, %ge3A_143 : vector<16xi32>
      %mul3A_145 = arith.constant 16 : i32
      %mul3A_146 = arith.muli %sub3A_126, %mul3A_145 : i32
      %broadcast_in_dim3A_147 = vector.broadcast %mul3A_146 : i32 to vector<16xi32>
      %add3A_148 = arith.addi %broadcast_in_dim3A_147, %iota3A : vector<16xi32>
      %broadcast_in_dim3A_149 = arith.constant -1 : i32
      %broadcast_in_dim3A_150 = vector.broadcast %broadcast_in_dim3A_149 : i32 to vector<16xi32>
      %select_n3A = arith.select %ge3A_144, %add3A_148, %broadcast_in_dim3A_150 : vector<16xi1>, vector<16xi32>
      %reduce_max3A_151 = arith.constant true
      %reduce_max3A_152 = vector.broadcast %reduce_max3A_151 : i1 to vector<16xi1>
      %reduce_max3A_153 = arith.constant -2147483648 : i32
      %reduce_max3A_154 = vector.broadcast %reduce_max3A_153 : i32 to vector<16xi32>
      %reduce_max3A_155 = arith.xori %select_n3A, %reduce_max3A_154 : vector<16xi32>
      %reduce_max3A_156 = tpu.scan <max>, %reduce_max3A_155 masked %reduce_max3A_152 : vector<16xi32>, vector<16xi1> -> vector<16xi32>
      %reduce_max3A_157 = arith.xori %reduce_max3A_156, %reduce_max3A_154 : vector<16xi32>
      %reduce_max3A_158 = vector.extract %reduce_max3A_157[15] : i32 from vector<16xi32>
      %max3A_159 = arith.maxsi %scan3A_124, %reduce_max3A_158 : i32
      %add3A_160 = arith.addi %scan3A_123, %reduce_max3A_138 : i32
      scf.yield %add3A_160, %max3A_159 : i32, i32
    }
    %scan3A_93 = arith.constant 1024 : i32
    %sub3A_94 = arith.constant 1 : i32
    %sub3A_95 = arith.subi %scan3A_92#1, %sub3A_94 : i32
    %max3A_96 = arith.constant 0 : i32
    %max3A_97 = arith.maxsi %sub3A_95, %max3A_96 : i32
    %broadcast_in_dim3A_98 = vector.broadcast %max3A_97 : i32 to vector<16xi32>
    %scan3A_99 = arith.constant 0 : i32
    %scan3A_100 = arith.constant 0 : i32
    %scan3A_101 = arith.constant 128 : i32
    %scan3A_102 = arith.addi %scan3A_100, %scan3A_101 : i32
    %scan3A_103 = arith.constant 1 : i32
    %scan3A_104 = scf.for %scan3A_122 = %scan3A_100 to %scan3A_102 step %scan3A_103 iter_args(%scan3A_123 = %scan3A_99) -> (i32)  : i32 {
      %broadcast_in_dim3A_124 = arith.constant 0xFF800000 : f32
      %broadcast_in_dim3A_125 = vector.broadcast %broadcast_in_dim3A_124 : f32 to vector<16xf32>
      %mul3A_126 = arith.constant 16 : i32
      %mul3A_127 = arith.muli %scan3A_122, %mul3A_126 : i32
      %swap3A = arith.index_cast %mul3A_127 : i32 to index
      %swap3A_128 = tpu.vector_load %arg8[%swap3A] {strides = array<i32>} : memref<2048xf32, #tpu.memory_space<vmem>>, vector<16xf32>,
      tpu.vector_store %arg8[%swap3A], %broadcast_in_dim3A_125 {strides = array<i32>} : memref<2048xf32, #tpu.memory_space<vmem>>, vector<16xf32>,
      %broadcast_in_dim3A_129 = arith.constant 1000000 : i32
      %broadcast_in_dim3A_130 = vector.broadcast %broadcast_in_dim3A_129 : i32 to vector<16xi32>
      %mul3A_131 = arith.constant 16 : i32
      %mul3A_132 = arith.muli %scan3A_122, %mul3A_131 : i32
      %swap3A_133 = arith.index_cast %mul3A_132 : i32 to index
      %swap3A_134 = tpu.vector_load %arg9[%swap3A_133] {strides = array<i32>} : memref<2048xi32, #tpu.memory_space<vmem>>, vector<16xi32>,
      tpu.vector_store %arg9[%swap3A_133], %broadcast_in_dim3A_130 {strides = array<i32>} : memref<2048xi32, #tpu.memory_space<vmem>>, vector<16xi32>,
      %scan3A_135 = arith.constant 0 : i32
      scf.yield %scan3A_135 : i32
    }
    %scan3A_105 = arith.constant 128 : i32
    %mul3A_106 = arith.constant 1000000 : i32
    %mul3A_107 = arith.muli %add3A_65, %mul3A_106 : i32
    %add3A_108 = arith.constant 0 : i32
    %add3A_109 = arith.addi %mul3A_107, %add3A_108 : i32
    %dma_start3A_110 = tpu.memref_slice %arg2[%add3A_109] : memref<64000000xf32, #tpu.memory_space<hbm>> -> memref<40000xf32, #tpu.memory_space<hbm>>
    %dma_start3A_111 = tpu.memref_slice %arg2[%add3A_109] : memref<64000000xf32, #tpu.memory_space<hbm>> -> memref<40000xf32, #tpu.memory_space<hbm>>
    tpu.enqueue_dma source(%dma_start3A_111 : memref<40000xf32, #tpu.memory_space<hbm>>) target(%arg5 : memref<40000xf32, #tpu.memory_space<vmem>>) target_semaphore(%arg10 : memref<!tpu.dma_semaphore, #tpu.memory_space<semaphore_mem>>)
    %scan3A_112 = arith.constant 0 : i32
    %scan3A_113 = arith.constant 25 : i32
    %scan3A_114 = arith.addi %scan3A_112, %scan3A_113 : i32
    %scan3A_115 = arith.constant 1 : i32
    %scan3A_116 = scf.for %scan3A_122 = %scan3A_112 to %scan3A_114 step %scan3A_115 iter_args(%scan3A_123 = %broadcast_in_dim3A_3) -> (vector<16xi32>)  : i32 {
      %rem3A = arith.constant 2 : i32
      %rem3A_124 = arith.remsi %scan3A_122, %rem3A : i32
      %eq3A = arith.constant 0 : i32
      %eq3A_125 = arith.cmpi eq, %rem3A_124, %eq3A : i32
      %convert_element_type3A = arith.extui %eq3A_125 : i1 to i32
      %cond3A = arith.constant 0 : i32
      %cond3A_126 = arith.cmpi ne, %convert_element_type3A, %cond3A : i32
      %cond3A_127 = scf.if %cond3A_126 -> (vector<16xi32>) {
        %add3A_128 = arith.constant 1 : i32
        %add3A_129 = arith.addi %scan3A_122, %add3A_128 : i32
        %lt3A = arith.constant 25 : i32
        %lt3A_130 = arith.cmpi slt, %add3A_129, %lt3A : i32
        %convert_element_type3A_131 = arith.extui %lt3A_130 : i1 to i32
        %cond3A_132 = arith.constant 0 : i32
        %cond3A_133 = arith.cmpi ne, %convert_element_type3A_131, %cond3A_132 : i32
        scf.if %cond3A_133 {
          %add3A_146 = arith.constant 1 : i32
          %add3A_147 = arith.addi %scan3A_122, %add3A_146 : i32
          %mul3A_148 = arith.constant 1000000 : i32
          %mul3A_149 = arith.muli %add3A_65, %mul3A_148 : i32
          %mul3A_150 = arith.constant 40000 : i32
          %mul3A_151 = arith.muli %add3A_147, %mul3A_150 : i32
          %add3A_152 = arith.addi %mul3A_149, %mul3A_151 : i32
          %dma_start3A_153 = tpu.memref_slice %arg2[%add3A_152] : memref<64000000xf32, #tpu.memory_space<hbm>> -> memref<40000xf32, #tpu.memory_space<hbm>>
          %dma_start3A_154 = tpu.memref_slice %arg2[%add3A_152] : memref<64000000xf32, #tpu.memory_space<hbm>> -> memref<40000xf32, #tpu.memory_space<hbm>>
          tpu.enqueue_dma source(%dma_start3A_154 : memref<40000xf32, #tpu.memory_space<hbm>>) target(%arg6 : memref<40000xf32, #tpu.memory_space<vmem>>) target_semaphore(%arg11 : memref<!tpu.dma_semaphore, #tpu.memory_space<semaphore_mem>>)
        } else {
        }
        %mul3A_134 = arith.constant 1000000 : i32
        %mul3A_135 = arith.muli %add3A_65, %mul3A_134 : i32
        %mul3A_136 = arith.constant 40000 : i32
        %mul3A_137 = arith.muli %scan3A_122, %mul3A_136 : i32
        %add3A_138 = arith.addi %mul3A_135, %mul3A_137 : i32
        %dma_wait3A = tpu.memref_slice %arg2[%add3A_138] : memref<64000000xf32, #tpu.memory_space<hbm>> -> memref<40000xf32, #tpu.memory_space<hbm>>
        %dma_wait3A_139 = tpu.memref_slice %arg2[%add3A_138] : memref<64000000xf32, #tpu.memory_space<hbm>> -> memref<40000xf32, #tpu.memory_space<hbm>>
        tpu.wait_dma2 semaphore(%arg10 : memref<!tpu.dma_semaphore, #tpu.memory_space<semaphore_mem>>) src(%dma_wait3A_139 : memref<40000xf32, #tpu.memory_space<hbm>>) dst(%arg5 : memref<40000xf32, #tpu.memory_space<vmem>>)
        %scan3A_140 = arith.constant 0 : i32
        %scan3A_141 = arith.constant 625 : i32
        %scan3A_142 = arith.addi %scan3A_140, %scan3A_141 : i32
        %scan3A_143 = arith.constant 1 : i32
        %scan3A_144 = scf.for %scan3A_146 = %scan3A_140 to %scan3A_142 step %scan3A_143 iter_args(%scan3A_147 = %scan3A_123) -> (vector<16xi32>)  : i32 {
          %mul3A_148 = arith.constant 64 : i32
          %mul3A_149 = arith.muli %scan3A_146, %mul3A_148 : i32
          %add3A_150 = arith.constant 0 : i32
          %add3A_151 = arith.addi %mul3A_149, %add3A_150 : i32
          %get3A = arith.index_cast %add3A_151 : i32 to index
          %get3A_152 = tpu.vector_load %arg5[%get3A] {strides = array<i32>} : memref<40000xf32, #tpu.memory_space<vmem>>, vector<16xf32>,
          %bitcast_convert_type3A = tpu.bitcast %get3A_152 : vector<16xf32> -> vector<16xi32>
          %shift_right_arithmetic3A = arith.constant 31 : i32
          %shift_right_arithmetic3A_153 = vector.broadcast %shift_right_arithmetic3A : i32 to vector<16xi32>
          %shift_right_arithmetic3A_154 = arith.shrsi %bitcast_convert_type3A, %shift_right_arithmetic3A_153 : vector<16xi32>
          %or3A = arith.ori %shift_right_arithmetic3A_154, %broadcast_in_dim3A_5 : vector<16xi32>
          %xor3A = arith.xori %bitcast_convert_type3A, %or3A : vector<16xi32>
          %shift_right_logical3A = arith.constant 18 : i32
          %shift_right_logical3A_155 = vector.broadcast %shift_right_logical3A : i32 to vector<16xi32>
          %shift_right_logical3A_156 = arith.shrui %xor3A, %shift_right_logical3A_155 : vector<16xi32>
          %ge3A = arith.cmpi sge, %shift_right_logical3A_156, %broadcast_in_dim3A_98 : vector<16xi32>
          %select_n3A = arith.select %ge3A, %broadcast_in_dim3A_1, %broadcast_in_dim3A_3 : vector<16xi1>, vector<16xi32>
          %broadcast_in_dim3A_157 = arith.constant true
          %broadcast_in_dim3A_158 = vector.broadcast %broadcast_in_dim3A_157 : i1 to vector<16xi1>
          %masked_cumsum3A = tpu.scan <sum>, %select_n3A masked %broadcast_in_dim3A_158 : vector<16xi32>, vector<16xi1> -> vector<16xi32>
          %add3A_159 = arith.addi %scan3A_147, %masked_cumsum3A : vector<16xi32>
          %sub3A_160 = arith.constant 1 : i32
          %sub3A_161 = vector.broadcast %sub3A_160 : i32 to vector<16xi32>
          %sub3A_162 = arith.subi %add3A_159, %sub3A_161 : vector<16xi32>
          %lt3A_163 = arith.constant 2048 : i32
          %lt3A_164 = vector.broadcast %lt3A_163 : i32 to vector<16xi32>
          %lt3A_165 = arith.cmpi slt, %sub3A_162, %lt3A_164 : vector<16xi32>
          %and3A = arith.andi %ge3A, %lt3A_165 : vector<16xi1>
          tpu.vector_store_idx %arg8[%sub3A_162], %get3A_152 masked %and3A : memref<2048xf32, #tpu.memory_space<vmem>>[vector<16xi32>], vector<16xf32>, vector<16xi1>
          %mul3A_166 = arith.constant 40000 : i32
          %mul3A_167 = arith.muli %scan3A_122, %mul3A_166 : i32
          %add3A_168 = arith.addi %mul3A_167, %add3A_151 : i32
          %broadcast_in_dim3A_169 = vector.broadcast %add3A_168 : i32 to vector<16xi32>
          %add3A_170 = arith.addi %broadcast_in_dim3A_169, %iota3A : vector<16xi32>
          tpu.vector_store_idx %arg9[%sub3A_162], %add3A_170 masked %and3A : memref<2048xi32, #tpu.memory_space<vmem>>[vector<16xi32>], vector<16xi32>, vector<16xi1>
          %all_reduce_population_count3A = tpu.all_reduce %ge3A {dim = 0 : i64, kind = #tpu.reduction_kind<sum>} : vector<16xi1> -> vector<16xi32>
          %add3A_171 = arith.addi %scan3A_147, %all_reduce_population_count3A : vector<16xi32>
          %mul3A_172 = arith.constant 64 : i32
          %mul3A_173 = arith.muli %scan3A_146, %mul3A_172 : i32
          %add3A_174 = arith.constant 16 : i32
          %add3A_175 = arith.addi %mul3A_173, %add3A_174 : i32
          %get3A_176 = arith.index_cast %add3A_175 : i32 to index
          %get3A_177 = tpu.vector_load %arg5[%get3A_176] {strides = array<i32>} : memref<40000xf32, #tpu.memory_space<vmem>>, vector<16xf32>,
          %bitcast_convert_type3A_178 = tpu.bitcast %get3A_177 : vector<16xf32> -> vector<16xi32>
          %shift_right_arithmetic3A_179 = arith.constant 31 : i32
          %shift_right_arithmetic3A_180 = vector.broadcast %shift_right_arithmetic3A_179 : i32 to vector<16xi32>
          %shift_right_arithmetic3A_181 = arith.shrsi %bitcast_convert_type3A_178, %shift_right_arithmetic3A_180 : vector<16xi32>
          %or3A_182 = arith.ori %shift_right_arithmetic3A_181, %broadcast_in_dim3A_5 : vector<16xi32>
          %xor3A_183 = arith.xori %bitcast_convert_type3A_178, %or3A_182 : vector<16xi32>
          %shift_right_logical3A_184 = arith.constant 18 : i32
          %shift_right_logical3A_185 = vector.broadcast %shift_right_logical3A_184 : i32 to vector<16xi32>
          %shift_right_logical3A_186 = arith.shrui %xor3A_183, %shift_right_logical3A_185 : vector<16xi32>
          %ge3A_187 = arith.cmpi sge, %shift_right_logical3A_186, %broadcast_in_dim3A_98 : vector<16xi32>
          %select_n3A_188 = arith.select %ge3A_187, %broadcast_in_dim3A_1, %broadcast_in_dim3A_3 : vector<16xi1>, vector<16xi32>
          %broadcast_in_dim3A_189 = arith.constant true
          %broadcast_in_dim3A_190 = vector.broadcast %broadcast_in_dim3A_189 : i1 to vector<16xi1>
          %masked_cumsum3A_191 = tpu.scan <sum>, %select_n3A_188 masked %broadcast_in_dim3A_190 : vector<16xi32>, vector<16xi1> -> vector<16xi32>
          %add3A_192 = arith.addi %add3A_171, %masked_cumsum3A_191 : vector<16xi32>
          %sub3A_193 = arith.constant 1 : i32
          %sub3A_194 = vector.broadcast %sub3A_193 : i32 to vector<16xi32>
          %sub3A_195 = arith.subi %add3A_192, %sub3A_194 : vector<16xi32>
          %lt3A_196 = arith.constant 2048 : i32
          %lt3A_197 = vector.broadcast %lt3A_196 : i32 to vector<16xi32>
          %lt3A_198 = arith.cmpi slt, %sub3A_195, %lt3A_197 : vector<16xi32>
          %and3A_199 = arith.andi %ge3A_187, %lt3A_198 : vector<16xi1>
          tpu.vector_store_idx %arg8[%sub3A_195], %get3A_177 masked %and3A_199 : memref<2048xf32, #tpu.memory_space<vmem>>[vector<16xi32>], vector<16xf32>, vector<16xi1>
          %mul3A_200 = arith.constant 40000 : i32
          %mul3A_201 = arith.muli %scan3A_122, %mul3A_200 : i32
          %add3A_202 = arith.addi %mul3A_201, %add3A_175 : i32
          %broadcast_in_dim3A_203 = vector.broadcast %add3A_202 : i32 to vector<16xi32>
          %add3A_204 = arith.addi %broadcast_in_dim3A_203, %iota3A : vector<16xi32>
          tpu.vector_store_idx %arg9[%sub3A_195], %add3A_204 masked %and3A_199 : memref<2048xi32, #tpu.memory_space<vmem>>[vector<16xi32>], vector<16xi32>, vector<16xi1>
          %all_reduce_population_count3A_205 = tpu.all_reduce %ge3A_187 {dim = 0 : i64, kind = #tpu.reduction_kind<sum>} : vector<16xi1> -> vector<16xi32>
          %add3A_206 = arith.addi %add3A_171, %all_reduce_population_count3A_205 : vector<16xi32>
          %mul3A_207 = arith.constant 64 : i32
          %mul3A_208 = arith.muli %scan3A_146, %mul3A_207 : i32
          %add3A_209 = arith.constant 32 : i32
          %add3A_210 = arith.addi %mul3A_208, %add3A_209 : i32
          %get3A_211 = arith.index_cast %add3A_210 : i32 to index
          %get3A_212 = tpu.vector_load %arg5[%get3A_211] {strides = array<i32>} : memref<40000xf32, #tpu.memory_space<vmem>>, vector<16xf32>,
          %bitcast_convert_type3A_213 = tpu.bitcast %get3A_212 : vector<16xf32> -> vector<16xi32>
          %shift_right_arithmetic3A_214 = arith.constant 31 : i32
          %shift_right_arithmetic3A_215 = vector.broadcast %shift_right_arithmetic3A_214 : i32 to vector<16xi32>
          %shift_right_arithmetic3A_216 = arith.shrsi %bitcast_convert_type3A_213, %shift_right_arithmetic3A_215 : vector<16xi32>
          %or3A_217 = arith.ori %shift_right_arithmetic3A_216, %broadcast_in_dim3A_5 : vector<16xi32>
          %xor3A_218 = arith.xori %bitcast_convert_type3A_213, %or3A_217 : vector<16xi32>
          %shift_right_logical3A_219 = arith.constant 18 : i32
          %shift_right_logical3A_220 = vector.broadcast %shift_right_logical3A_219 : i32 to vector<16xi32>
          %shift_right_logical3A_221 = arith.shrui %xor3A_218, %shift_right_logical3A_220 : vector<16xi32>
          %ge3A_222 = arith.cmpi sge, %shift_right_logical3A_221, %broadcast_in_dim3A_98 : vector<16xi32>
          %select_n3A_223 = arith.select %ge3A_222, %broadcast_in_dim3A_1, %broadcast_in_dim3A_3 : vector<16xi1>, vector<16xi32>
          %broadcast_in_dim3A_224 = arith.constant true
          %broadcast_in_dim3A_225 = vector.broadcast %broadcast_in_dim3A_224 : i1 to vector<16xi1>
          %masked_cumsum3A_226 = tpu.scan <sum>, %select_n3A_223 masked %broadcast_in_dim3A_225 : vector<16xi32>, vector<16xi1> -> vector<16xi32>
          %add3A_227 = arith.addi %add3A_206, %masked_cumsum3A_226 : vector<16xi32>
          %sub3A_228 = arith.constant 1 : i32
          %sub3A_229 = vector.broadcast %sub3A_228 : i32 to vector<16xi32>
          %sub3A_230 = arith.subi %add3A_227, %sub3A_229 : vector<16xi32>
          %lt3A_231 = arith.constant 2048 : i32
          %lt3A_232 = vector.broadcast %lt3A_231 : i32 to vector<16xi32>
          %lt3A_233 = arith.cmpi slt, %sub3A_230, %lt3A_232 : vector<16xi32>
          %and3A_234 = arith.andi %ge3A_222, %lt3A_233 : vector<16xi1>
          tpu.vector_store_idx %arg8[%sub3A_230], %get3A_212 masked %and3A_234 : memref<2048xf32, #tpu.memory_space<vmem>>[vector<16xi32>], vector<16xf32>, vector<16xi1>
          %mul3A_235 = arith.constant 40000 : i32
          %mul3A_236 = arith.muli %scan3A_122, %mul3A_235 : i32
          %add3A_237 = arith.addi %mul3A_236, %add3A_210 : i32
          %broadcast_in_dim3A_238 = vector.broadcast %add3A_237 : i32 to vector<16xi32>
          %add3A_239 = arith.addi %broadcast_in_dim3A_238, %iota3A : vector<16xi32>
          tpu.vector_store_idx %arg9[%sub3A_230], %add3A_239 masked %and3A_234 : memref<2048xi32, #tpu.memory_space<vmem>>[vector<16xi32>], vector<16xi32>, vector<16xi1>
          %all_reduce_population_count3A_240 = tpu.all_reduce %ge3A_222 {dim = 0 : i64, kind = #tpu.reduction_kind<sum>} : vector<16xi1> -> vector<16xi32>
          %add3A_241 = arith.addi %add3A_206, %all_reduce_population_count3A_240 : vector<16xi32>
          %mul3A_242 = arith.constant 64 : i32
          %mul3A_243 = arith.muli %scan3A_146, %mul3A_242 : i32
          %add3A_244 = arith.constant 48 : i32
          %add3A_245 = arith.addi %mul3A_243, %add3A_244 : i32
          %get3A_246 = arith.index_cast %add3A_245 : i32 to index
          %get3A_247 = tpu.vector_load %arg5[%get3A_246] {strides = array<i32>} : memref<40000xf32, #tpu.memory_space<vmem>>, vector<16xf32>,
          %bitcast_convert_type3A_248 = tpu.bitcast %get3A_247 : vector<16xf32> -> vector<16xi32>
          %shift_right_arithmetic3A_249 = arith.constant 31 : i32
          %shift_right_arithmetic3A_250 = vector.broadcast %shift_right_arithmetic3A_249 : i32 to vector<16xi32>
          %shift_right_arithmetic3A_251 = arith.shrsi %bitcast_convert_type3A_248, %shift_right_arithmetic3A_250 : vector<16xi32>
          %or3A_252 = arith.ori %shift_right_arithmetic3A_251, %broadcast_in_dim3A_5 : vector<16xi32>
          %xor3A_253 = arith.xori %bitcast_convert_type3A_248, %or3A_252 : vector<16xi32>
          %shift_right_logical3A_254 = arith.constant 18 : i32
          %shift_right_logical3A_255 = vector.broadcast %shift_right_logical3A_254 : i32 to vector<16xi32>
          %shift_right_logical3A_256 = arith.shrui %xor3A_253, %shift_right_logical3A_255 : vector<16xi32>
          %ge3A_257 = arith.cmpi sge, %shift_right_logical3A_256, %broadcast_in_dim3A_98 : vector<16xi32>
          %select_n3A_258 = arith.select %ge3A_257, %broadcast_in_dim3A_1, %broadcast_in_dim3A_3 : vector<16xi1>, vector<16xi32>
          %broadcast_in_dim3A_259 = arith.constant true
          %broadcast_in_dim3A_260 = vector.broadcast %broadcast_in_dim3A_259 : i1 to vector<16xi1>
          %masked_cumsum3A_261 = tpu.scan <sum>, %select_n3A_258 masked %broadcast_in_dim3A_260 : vector<16xi32>, vector<16xi1> -> vector<16xi32>
          %add3A_262 = arith.addi %add3A_241, %masked_cumsum3A_261 : vector<16xi32>
          %sub3A_263 = arith.constant 1 : i32
          %sub3A_264 = vector.broadcast %sub3A_263 : i32 to vector<16xi32>
          %sub3A_265 = arith.subi %add3A_262, %sub3A_264 : vector<16xi32>
          %lt3A_266 = arith.constant 2048 : i32
          %lt3A_267 = vector.broadcast %lt3A_266 : i32 to vector<16xi32>
          %lt3A_268 = arith.cmpi slt, %sub3A_265, %lt3A_267 : vector<16xi32>
          %and3A_269 = arith.andi %ge3A_257, %lt3A_268 : vector<16xi1>
          tpu.vector_store_idx %arg8[%sub3A_265], %get3A_247 masked %and3A_269 : memref<2048xf32, #tpu.memory_space<vmem>>[vector<16xi32>], vector<16xf32>, vector<16xi1>
          %mul3A_270 = arith.constant 40000 : i32
          %mul3A_271 = arith.muli %scan3A_122, %mul3A_270 : i32
          %add3A_272 = arith.addi %mul3A_271, %add3A_245 : i32
          %broadcast_in_dim3A_273 = vector.broadcast %add3A_272 : i32 to vector<16xi32>
          %add3A_274 = arith.addi %broadcast_in_dim3A_273, %iota3A : vector<16xi32>
          tpu.vector_store_idx %arg9[%sub3A_265], %add3A_274 masked %and3A_269 : memref<2048xi32, #tpu.memory_space<vmem>>[vector<16xi32>], vector<16xi32>, vector<16xi1>
          %all_reduce_population_count3A_275 = tpu.all_reduce %ge3A_257 {dim = 0 : i64, kind = #tpu.reduction_kind<sum>} : vector<16xi1> -> vector<16xi32>
          %add3A_276 = arith.addi %add3A_241, %all_reduce_population_count3A_275 : vector<16xi32>
          scf.yield %add3A_276 : vector<16xi32>
        }
        %scan3A_145 = arith.constant 625 : i32
        scf.yield %scan3A_144 : vector<16xi32>
      } else {
        %add3A_128 = arith.constant 1 : i32
        %add3A_129 = arith.addi %scan3A_122, %add3A_128 : i32
        %lt3A = arith.constant 25 : i32
        %lt3A_130 = arith.cmpi slt, %add3A_129, %lt3A : i32
        %convert_element_type3A_131 = arith.extui %lt3A_130 : i1 to i32
        %cond3A_132 = arith.constant 0 : i32
        %cond3A_133 = arith.cmpi ne, %convert_element_type3A_131, %cond3A_132 : i32
        scf.if %cond3A_133 {
          %add3A_146 = arith.constant 1 : i32
          %add3A_147 = arith.addi %scan3A_122, %add3A_146 : i32
          %mul3A_148 = arith.constant 1000000 : i32
          %mul3A_149 = arith.muli %add3A_65, %mul3A_148 : i32
          %mul3A_150 = arith.constant 40000 : i32
          %mul3A_151 = arith.muli %add3A_147, %mul3A_150 : i32
          %add3A_152 = arith.addi %mul3A_149, %mul3A_151 : i32
          %dma_start3A_153 = tpu.memref_slice %arg2[%add3A_152] : memref<64000000xf32, #tpu.memory_space<hbm>> -> memref<40000xf32, #tpu.memory_space<hbm>>
          %dma_start3A_154 = tpu.memref_slice %arg2[%add3A_152] : memref<64000000xf32, #tpu.memory_space<hbm>> -> memref<40000xf32, #tpu.memory_space<hbm>>
          tpu.enqueue_dma source(%dma_start3A_154 : memref<40000xf32, #tpu.memory_space<hbm>>) target(%arg5 : memref<40000xf32, #tpu.memory_space<vmem>>) target_semaphore(%arg10 : memref<!tpu.dma_semaphore, #tpu.memory_space<semaphore_mem>>)
        } else {
        }
        %mul3A_134 = arith.constant 1000000 : i32
        %mul3A_135 = arith.muli %add3A_65, %mul3A_134 : i32
        %mul3A_136 = arith.constant 40000 : i32
        %mul3A_137 = arith.muli %scan3A_122, %mul3A_136 : i32
        %add3A_138 = arith.addi %mul3A_135, %mul3A_137 : i32
        %dma_wait3A = tpu.memref_slice %arg2[%add3A_138] : memref<64000000xf32, #tpu.memory_space<hbm>> -> memref<40000xf32, #tpu.memory_space<hbm>>
        %dma_wait3A_139 = tpu.memref_slice %arg2[%add3A_138] : memref<64000000xf32, #tpu.memory_space<hbm>> -> memref<40000xf32, #tpu.memory_space<hbm>>
        tpu.wait_dma2 semaphore(%arg11 : memref<!tpu.dma_semaphore, #tpu.memory_space<semaphore_mem>>) src(%dma_wait3A_139 : memref<40000xf32, #tpu.memory_space<hbm>>) dst(%arg6 : memref<40000xf32, #tpu.memory_space<vmem>>)
        %scan3A_140 = arith.constant 0 : i32
        %scan3A_141 = arith.constant 625 : i32
        %scan3A_142 = arith.addi %scan3A_140, %scan3A_141 : i32
        %scan3A_143 = arith.constant 1 : i32
        %scan3A_144 = scf.for %scan3A_146 = %scan3A_140 to %scan3A_142 step %scan3A_143 iter_args(%scan3A_147 = %scan3A_123) -> (vector<16xi32>)  : i32 {
          %mul3A_148 = arith.constant 64 : i32
          %mul3A_149 = arith.muli %scan3A_146, %mul3A_148 : i32
          %add3A_150 = arith.constant 0 : i32
          %add3A_151 = arith.addi %mul3A_149, %add3A_150 : i32
          %get3A = arith.index_cast %add3A_151 : i32 to index
          %get3A_152 = tpu.vector_load %arg6[%get3A] {strides = array<i32>} : memref<40000xf32, #tpu.memory_space<vmem>>, vector<16xf32>,
          %bitcast_convert_type3A = tpu.bitcast %get3A_152 : vector<16xf32> -> vector<16xi32>
          %shift_right_arithmetic3A = arith.constant 31 : i32
          %shift_right_arithmetic3A_153 = vector.broadcast %shift_right_arithmetic3A : i32 to vector<16xi32>
          %shift_right_arithmetic3A_154 = arith.shrsi %bitcast_convert_type3A, %shift_right_arithmetic3A_153 : vector<16xi32>
          %or3A = arith.ori %shift_right_arithmetic3A_154, %broadcast_in_dim3A_5 : vector<16xi32>
          %xor3A = arith.xori %bitcast_convert_type3A, %or3A : vector<16xi32>
          %shift_right_logical3A = arith.constant 18 : i32
          %shift_right_logical3A_155 = vector.broadcast %shift_right_logical3A : i32 to vector<16xi32>
          %shift_right_logical3A_156 = arith.shrui %xor3A, %shift_right_logical3A_155 : vector<16xi32>
          %ge3A = arith.cmpi sge, %shift_right_logical3A_156, %broadcast_in_dim3A_98 : vector<16xi32>
          %select_n3A = arith.select %ge3A, %broadcast_in_dim3A_1, %broadcast_in_dim3A_3 : vector<16xi1>, vector<16xi32>
          %broadcast_in_dim3A_157 = arith.constant true
          %broadcast_in_dim3A_158 = vector.broadcast %broadcast_in_dim3A_157 : i1 to vector<16xi1>
          %masked_cumsum3A = tpu.scan <sum>, %select_n3A masked %broadcast_in_dim3A_158 : vector<16xi32>, vector<16xi1> -> vector<16xi32>
          %add3A_159 = arith.addi %scan3A_147, %masked_cumsum3A : vector<16xi32>
          %sub3A_160 = arith.constant 1 : i32
          %sub3A_161 = vector.broadcast %sub3A_160 : i32 to vector<16xi32>
          %sub3A_162 = arith.subi %add3A_159, %sub3A_161 : vector<16xi32>
          %lt3A_163 = arith.constant 2048 : i32
          %lt3A_164 = vector.broadcast %lt3A_163 : i32 to vector<16xi32>
          %lt3A_165 = arith.cmpi slt, %sub3A_162, %lt3A_164 : vector<16xi32>
          %and3A = arith.andi %ge3A, %lt3A_165 : vector<16xi1>
          tpu.vector_store_idx %arg8[%sub3A_162], %get3A_152 masked %and3A : memref<2048xf32, #tpu.memory_space<vmem>>[vector<16xi32>], vector<16xf32>, vector<16xi1>
          %mul3A_166 = arith.constant 40000 : i32
          %mul3A_167 = arith.muli %scan3A_122, %mul3A_166 : i32
          %add3A_168 = arith.addi %mul3A_167, %add3A_151 : i32
          %broadcast_in_dim3A_169 = vector.broadcast %add3A_168 : i32 to vector<16xi32>
          %add3A_170 = arith.addi %broadcast_in_dim3A_169, %iota3A : vector<16xi32>
          tpu.vector_store_idx %arg9[%sub3A_162], %add3A_170 masked %and3A : memref<2048xi32, #tpu.memory_space<vmem>>[vector<16xi32>], vector<16xi32>, vector<16xi1>
          %all_reduce_population_count3A = tpu.all_reduce %ge3A {dim = 0 : i64, kind = #tpu.reduction_kind<sum>} : vector<16xi1> -> vector<16xi32>
          %add3A_171 = arith.addi %scan3A_147, %all_reduce_population_count3A : vector<16xi32>
          %mul3A_172 = arith.constant 64 : i32
          %mul3A_173 = arith.muli %scan3A_146, %mul3A_172 : i32
          %add3A_174 = arith.constant 16 : i32
          %add3A_175 = arith.addi %mul3A_173, %add3A_174 : i32
          %get3A_176 = arith.index_cast %add3A_175 : i32 to index
          %get3A_177 = tpu.vector_load %arg6[%get3A_176] {strides = array<i32>} : memref<40000xf32, #tpu.memory_space<vmem>>, vector<16xf32>,
          %bitcast_convert_type3A_178 = tpu.bitcast %get3A_177 : vector<16xf32> -> vector<16xi32>
          %shift_right_arithmetic3A_179 = arith.constant 31 : i32
          %shift_right_arithmetic3A_180 = vector.broadcast %shift_right_arithmetic3A_179 : i32 to vector<16xi32>
          %shift_right_arithmetic3A_181 = arith.shrsi %bitcast_convert_type3A_178, %shift_right_arithmetic3A_180 : vector<16xi32>
          %or3A_182 = arith.ori %shift_right_arithmetic3A_181, %broadcast_in_dim3A_5 : vector<16xi32>
          %xor3A_183 = arith.xori %bitcast_convert_type3A_178, %or3A_182 : vector<16xi32>
          %shift_right_logical3A_184 = arith.constant 18 : i32
          %shift_right_logical3A_185 = vector.broadcast %shift_right_logical3A_184 : i32 to vector<16xi32>
          %shift_right_logical3A_186 = arith.shrui %xor3A_183, %shift_right_logical3A_185 : vector<16xi32>
          %ge3A_187 = arith.cmpi sge, %shift_right_logical3A_186, %broadcast_in_dim3A_98 : vector<16xi32>
          %select_n3A_188 = arith.select %ge3A_187, %broadcast_in_dim3A_1, %broadcast_in_dim3A_3 : vector<16xi1>, vector<16xi32>
          %broadcast_in_dim3A_189 = arith.constant true
          %broadcast_in_dim3A_190 = vector.broadcast %broadcast_in_dim3A_189 : i1 to vector<16xi1>
          %masked_cumsum3A_191 = tpu.scan <sum>, %select_n3A_188 masked %broadcast_in_dim3A_190 : vector<16xi32>, vector<16xi1> -> vector<16xi32>
          %add3A_192 = arith.addi %add3A_171, %masked_cumsum3A_191 : vector<16xi32>
          %sub3A_193 = arith.constant 1 : i32
          %sub3A_194 = vector.broadcast %sub3A_193 : i32 to vector<16xi32>
          %sub3A_195 = arith.subi %add3A_192, %sub3A_194 : vector<16xi32>
          %lt3A_196 = arith.constant 2048 : i32
          %lt3A_197 = vector.broadcast %lt3A_196 : i32 to vector<16xi32>
          %lt3A_198 = arith.cmpi slt, %sub3A_195, %lt3A_197 : vector<16xi32>
          %and3A_199 = arith.andi %ge3A_187, %lt3A_198 : vector<16xi1>
          tpu.vector_store_idx %arg8[%sub3A_195], %get3A_177 masked %and3A_199 : memref<2048xf32, #tpu.memory_space<vmem>>[vector<16xi32>], vector<16xf32>, vector<16xi1>
          %mul3A_200 = arith.constant 40000 : i32
          %mul3A_201 = arith.muli %scan3A_122, %mul3A_200 : i32
          %add3A_202 = arith.addi %mul3A_201, %add3A_175 : i32
          %broadcast_in_dim3A_203 = vector.broadcast %add3A_202 : i32 to vector<16xi32>
          %add3A_204 = arith.addi %broadcast_in_dim3A_203, %iota3A : vector<16xi32>
          tpu.vector_store_idx %arg9[%sub3A_195], %add3A_204 masked %and3A_199 : memref<2048xi32, #tpu.memory_space<vmem>>[vector<16xi32>], vector<16xi32>, vector<16xi1>
          %all_reduce_population_count3A_205 = tpu.all_reduce %ge3A_187 {dim = 0 : i64, kind = #tpu.reduction_kind<sum>} : vector<16xi1> -> vector<16xi32>
          %add3A_206 = arith.addi %add3A_171, %all_reduce_population_count3A_205 : vector<16xi32>
          %mul3A_207 = arith.constant 64 : i32
          %mul3A_208 = arith.muli %scan3A_146, %mul3A_207 : i32
          %add3A_209 = arith.constant 32 : i32
          %add3A_210 = arith.addi %mul3A_208, %add3A_209 : i32
          %get3A_211 = arith.index_cast %add3A_210 : i32 to index
          %get3A_212 = tpu.vector_load %arg6[%get3A_211] {strides = array<i32>} : memref<40000xf32, #tpu.memory_space<vmem>>, vector<16xf32>,
          %bitcast_convert_type3A_213 = tpu.bitcast %get3A_212 : vector<16xf32> -> vector<16xi32>
          %shift_right_arithmetic3A_214 = arith.constant 31 : i32
          %shift_right_arithmetic3A_215 = vector.broadcast %shift_right_arithmetic3A_214 : i32 to vector<16xi32>
          %shift_right_arithmetic3A_216 = arith.shrsi %bitcast_convert_type3A_213, %shift_right_arithmetic3A_215 : vector<16xi32>
          %or3A_217 = arith.ori %shift_right_arithmetic3A_216, %broadcast_in_dim3A_5 : vector<16xi32>
          %xor3A_218 = arith.xori %bitcast_convert_type3A_213, %or3A_217 : vector<16xi32>
          %shift_right_logical3A_219 = arith.constant 18 : i32
          %shift_right_logical3A_220 = vector.broadcast %shift_right_logical3A_219 : i32 to vector<16xi32>
          %shift_right_logical3A_221 = arith.shrui %xor3A_218, %shift_right_logical3A_220 : vector<16xi32>
          %ge3A_222 = arith.cmpi sge, %shift_right_logical3A_221, %broadcast_in_dim3A_98 : vector<16xi32>
          %select_n3A_223 = arith.select %ge3A_222, %broadcast_in_dim3A_1, %broadcast_in_dim3A_3 : vector<16xi1>, vector<16xi32>
          %broadcast_in_dim3A_224 = arith.constant true
          %broadcast_in_dim3A_225 = vector.broadcast %broadcast_in_dim3A_224 : i1 to vector<16xi1>
          %masked_cumsum3A_226 = tpu.scan <sum>, %select_n3A_223 masked %broadcast_in_dim3A_225 : vector<16xi32>, vector<16xi1> -> vector<16xi32>
          %add3A_227 = arith.addi %add3A_206, %masked_cumsum3A_226 : vector<16xi32>
          %sub3A_228 = arith.constant 1 : i32
          %sub3A_229 = vector.broadcast %sub3A_228 : i32 to vector<16xi32>
          %sub3A_230 = arith.subi %add3A_227, %sub3A_229 : vector<16xi32>
          %lt3A_231 = arith.constant 2048 : i32
          %lt3A_232 = vector.broadcast %lt3A_231 : i32 to vector<16xi32>
          %lt3A_233 = arith.cmpi slt, %sub3A_230, %lt3A_232 : vector<16xi32>
          %and3A_234 = arith.andi %ge3A_222, %lt3A_233 : vector<16xi1>
          tpu.vector_store_idx %arg8[%sub3A_230], %get3A_212 masked %and3A_234 : memref<2048xf32, #tpu.memory_space<vmem>>[vector<16xi32>], vector<16xf32>, vector<16xi1>
          %mul3A_235 = arith.constant 40000 : i32
          %mul3A_236 = arith.muli %scan3A_122, %mul3A_235 : i32
          %add3A_237 = arith.addi %mul3A_236, %add3A_210 : i32
          %broadcast_in_dim3A_238 = vector.broadcast %add3A_237 : i32 to vector<16xi32>
          %add3A_239 = arith.addi %broadcast_in_dim3A_238, %iota3A : vector<16xi32>
          tpu.vector_store_idx %arg9[%sub3A_230], %add3A_239 masked %and3A_234 : memref<2048xi32, #tpu.memory_space<vmem>>[vector<16xi32>], vector<16xi32>, vector<16xi1>
          %all_reduce_population_count3A_240 = tpu.all_reduce %ge3A_222 {dim = 0 : i64, kind = #tpu.reduction_kind<sum>} : vector<16xi1> -> vector<16xi32>
          %add3A_241 = arith.addi %add3A_206, %all_reduce_population_count3A_240 : vector<16xi32>
          %mul3A_242 = arith.constant 64 : i32
          %mul3A_243 = arith.muli %scan3A_146, %mul3A_242 : i32
          %add3A_244 = arith.constant 48 : i32
          %add3A_245 = arith.addi %mul3A_243, %add3A_244 : i32
          %get3A_246 = arith.index_cast %add3A_245 : i32 to index
          %get3A_247 = tpu.vector_load %arg6[%get3A_246] {strides = array<i32>} : memref<40000xf32, #tpu.memory_space<vmem>>, vector<16xf32>,
          %bitcast_convert_type3A_248 = tpu.bitcast %get3A_247 : vector<16xf32> -> vector<16xi32>
          %shift_right_arithmetic3A_249 = arith.constant 31 : i32
          %shift_right_arithmetic3A_250 = vector.broadcast %shift_right_arithmetic3A_249 : i32 to vector<16xi32>
          %shift_right_arithmetic3A_251 = arith.shrsi %bitcast_convert_type3A_248, %shift_right_arithmetic3A_250 : vector<16xi32>
          %or3A_252 = arith.ori %shift_right_arithmetic3A_251, %broadcast_in_dim3A_5 : vector<16xi32>
          %xor3A_253 = arith.xori %bitcast_convert_type3A_248, %or3A_252 : vector<16xi32>
          %shift_right_logical3A_254 = arith.constant 18 : i32
          %shift_right_logical3A_255 = vector.broadcast %shift_right_logical3A_254 : i32 to vector<16xi32>
          %shift_right_logical3A_256 = arith.shrui %xor3A_253, %shift_right_logical3A_255 : vector<16xi32>
          %ge3A_257 = arith.cmpi sge, %shift_right_logical3A_256, %broadcast_in_dim3A_98 : vector<16xi32>
          %select_n3A_258 = arith.select %ge3A_257, %broadcast_in_dim3A_1, %broadcast_in_dim3A_3 : vector<16xi1>, vector<16xi32>
          %broadcast_in_dim3A_259 = arith.constant true
          %broadcast_in_dim3A_260 = vector.broadcast %broadcast_in_dim3A_259 : i1 to vector<16xi1>
          %masked_cumsum3A_261 = tpu.scan <sum>, %select_n3A_258 masked %broadcast_in_dim3A_260 : vector<16xi32>, vector<16xi1> -> vector<16xi32>
          %add3A_262 = arith.addi %add3A_241, %masked_cumsum3A_261 : vector<16xi32>
          %sub3A_263 = arith.constant 1 : i32
          %sub3A_264 = vector.broadcast %sub3A_263 : i32 to vector<16xi32>
          %sub3A_265 = arith.subi %add3A_262, %sub3A_264 : vector<16xi32>
          %lt3A_266 = arith.constant 2048 : i32
          %lt3A_267 = vector.broadcast %lt3A_266 : i32 to vector<16xi32>
          %lt3A_268 = arith.cmpi slt, %sub3A_265, %lt3A_267 : vector<16xi32>
          %and3A_269 = arith.andi %ge3A_257, %lt3A_268 : vector<16xi1>
          tpu.vector_store_idx %arg8[%sub3A_265], %get3A_247 masked %and3A_269 : memref<2048xf32, #tpu.memory_space<vmem>>[vector<16xi32>], vector<16xf32>, vector<16xi1>
          %mul3A_270 = arith.constant 40000 : i32
          %mul3A_271 = arith.muli %scan3A_122, %mul3A_270 : i32
          %add3A_272 = arith.addi %mul3A_271, %add3A_245 : i32
          %broadcast_in_dim3A_273 = vector.broadcast %add3A_272 : i32 to vector<16xi32>
          %add3A_274 = arith.addi %broadcast_in_dim3A_273, %iota3A : vector<16xi32>
          tpu.vector_store_idx %arg9[%sub3A_265], %add3A_274 masked %and3A_269 : memref<2048xi32, #tpu.memory_space<vmem>>[vector<16xi32>], vector<16xi32>, vector<16xi1>
          %all_reduce_population_count3A_275 = tpu.all_reduce %ge3A_257 {dim = 0 : i64, kind = #tpu.reduction_kind<sum>} : vector<16xi1> -> vector<16xi32>
          %add3A_276 = arith.addi %add3A_241, %all_reduce_population_count3A_275 : vector<16xi32>
          scf.yield %add3A_276 : vector<16xi32>
        }
        %scan3A_145 = arith.constant 625 : i32
        scf.yield %scan3A_144 : vector<16xi32>
      }
      scf.yield %cond3A_127 : vector<16xi32>
    }
    %scan3A_117 = arith.constant 25 : i32
    %mul3A_118 = arith.constant 2048 : i32
    %mul3A_119 = arith.muli %add3A_65, %mul3A_118 : i32
    "tpu.region"() ({
      %run_scoped3A = tpu.sem_alloc : memref<!tpu.dma_semaphore, #tpu.memory_space<semaphore_mem>>
      %dma_start3A_122 = tpu.memref_slice %arg3[%mul3A_119] : memref<131072xf32, #tpu.memory_space<hbm>> -> memref<2048xf32, #tpu.memory_space<hbm>>
      %dma_start3A_123 = tpu.memref_slice %arg3[%mul3A_119] : memref<131072xf32, #tpu.memory_space<hbm>> -> memref<2048xf32, #tpu.memory_space<hbm>>
      tpu.enqueue_dma source(%arg8 : memref<2048xf32, #tpu.memory_space<vmem>>) target(%dma_start3A_123 : memref<2048xf32, #tpu.memory_space<hbm>>) target_semaphore(%run_scoped3A : memref<!tpu.dma_semaphore, #tpu.memory_space<semaphore_mem>>)
      %dma_wait3A = tpu.memref_slice %arg3[%mul3A_119] : memref<131072xf32, #tpu.memory_space<hbm>> -> memref<2048xf32, #tpu.memory_space<hbm>>
      %dma_wait3A_124 = tpu.memref_slice %arg3[%mul3A_119] : memref<131072xf32, #tpu.memory_space<hbm>> -> memref<2048xf32, #tpu.memory_space<hbm>>
      tpu.wait_dma2 semaphore(%run_scoped3A : memref<!tpu.dma_semaphore, #tpu.memory_space<semaphore_mem>>) src(%arg8 : memref<2048xf32, #tpu.memory_space<vmem>>) dst(%dma_wait3A_124 : memref<2048xf32, #tpu.memory_space<hbm>>)
      tpu.yield
    }) : () -> ()
    %mul3A_120 = arith.constant 2048 : i32
    %mul3A_121 = arith.muli %add3A_65, %mul3A_120 : i32
    "tpu.region"() ({
      %run_scoped3A = tpu.sem_alloc : memref<!tpu.dma_semaphore, #tpu.memory_space<semaphore_mem>>
      %dma_start3A_122 = tpu.memref_slice %arg4[%mul3A_121] : memref<131072xi32, #tpu.memory_space<hbm>> -> memref<2048xi32, #tpu.memory_space<hbm>>
      %dma_start3A_123 = tpu.memref_slice %arg4[%mul3A_121] : memref<131072xi32, #tpu.memory_space<hbm>> -> memref<2048xi32, #tpu.memory_space<hbm>>
      tpu.enqueue_dma source(%arg9 : memref<2048xi32, #tpu.memory_space<vmem>>) target(%dma_start3A_123 : memref<2048xi32, #tpu.memory_space<hbm>>) target_semaphore(%run_scoped3A : memref<!tpu.dma_semaphore, #tpu.memory_space<semaphore_mem>>)
      %dma_wait3A = tpu.memref_slice %arg4[%mul3A_121] : memref<131072xi32, #tpu.memory_space<hbm>> -> memref<2048xi32, #tpu.memory_space<hbm>>
      %dma_wait3A_124 = tpu.memref_slice %arg4[%mul3A_121] : memref<131072xi32, #tpu.memory_space<hbm>> -> memref<2048xi32, #tpu.memory_space<hbm>>
      tpu.wait_dma2 semaphore(%run_scoped3A : memref<!tpu.dma_semaphore, #tpu.memory_space<semaphore_mem>>) src(%arg9 : memref<2048xi32, #tpu.memory_space<vmem>>) dst(%dma_wait3A_124 : memref<2048xi32, #tpu.memory_space<hbm>>)
      tpu.yield
    }) : () -> ()
    return
  }
}

module attributes {stable_mosaic.version = 14 : i64} {
  func.func @_eseq_body(%arg0: memref<64x101xf32, #tpu.memory_space<vmem>>, %arg1: memref<64x1xi32, #tpu.memory_space<vmem>>) attributes {dimension_semantics = [], scalar_prefetch = 0 : i64, scratch_operands = 0 : i64, tpu.core_type = #tpu.core_type<tc>} {
    %get3A = arith.constant 0 : index
    %get3A_0 = arith.constant 0 : index
    %get3A_1 = vector.load %arg0[%get3A, %get3A_0] : memref<64x101xf32, #tpu.memory_space<vmem>>, vector<64x101xf32>
    %reduce_max3A = arith.constant dense<0xFF800000> : vector<64xf32>
    %reduce_max3A_2 = vector.multi_reduction <maximumf>, %get3A_1, %reduce_max3A [1] : vector<64x101xf32> to vector<64xf32>
    %broadcast_in_dim3A = vector.shape_cast %reduce_max3A_2 : vector<64xf32> to vector<64x1xf32>
    %iota3A = tpu.iota {dimensions = array<i32: 1>} : vector<64x101xi32>
    %eq3A = vector.broadcast %broadcast_in_dim3A : vector<64x1xf32> to vector<64x101xf32>
    %eq3A_3 = arith.cmpf oeq, %get3A_1, %eq3A : vector<64x101xf32>
    %jit3A = arith.constant 101 : i32
    %broadcast_in_dim3A_4 = vector.broadcast %jit3A : i32 to vector<64x101xi32>
    %select_n3A = arith.select %eq3A_3, %iota3A, %broadcast_in_dim3A_4 : vector<64x101xi1>, vector<64x101xi32>
    %reduce_min3A = arith.constant dense<2147483647> : vector<64xi32>
    %reduce_min3A_5 = vector.multi_reduction <minsi>, %select_n3A, %reduce_min3A [1] : vector<64x101xi32> to vector<64xi32>
    %broadcast_in_dim3A_6 = vector.shape_cast %reduce_min3A_5 : vector<64xi32> to vector<64x1xi32>
    %max3A = arith.constant 1 : i32
    %max3A_7 = vector.broadcast %max3A : i32 to vector<64x1xi32>
    %max3A_8 = arith.maxsi %broadcast_in_dim3A_6, %max3A_7 : vector<64x1xi32>
    %swap3A = arith.constant 0 : index
    %swap3A_9 = arith.constant 0 : index
    %swap3A_10 = vector.load %arg1[%swap3A, %swap3A_9] : memref<64x1xi32, #tpu.memory_space<vmem>>, vector<64x1xi32>
    tpu.vector_store %arg1[%swap3A, %swap3A_9], %max3A_8 {strides = array<i32>} : memref<64x1xi32, #tpu.memory_space<vmem>>, vector<64x1xi32>,
    return
  }
}

module attributes {stable_mosaic.version = 14 : i64} {
  func.func @_rank_body(%arg0: i32, %arg1: memref<1x1x2048xf32, #tpu.memory_space<vmem>>, %arg2: memref<1x2048x1xf32, #tpu.memory_space<vmem>>, %arg3: memref<1x2048x1xi32, #tpu.memory_space<vmem>>, %arg4: memref<1x1x1000xf32, #tpu.memory_space<vmem>>, %arg5: memref<1x1x1000xf32, #tpu.memory_space<vmem>>, %arg6: memref<1x1x1xf32, #tpu.memory_space<vmem>>, %arg7: memref<1x1x1000xf32, #tpu.memory_space<vmem>>, %arg8: memref<1x1x1000xi32, #tpu.memory_space<vmem>>, %arg9: memref<1x1x1000xi32, #tpu.memory_space<vmem>>, %arg10: memref<1x1x1000xi32, #tpu.memory_space<vmem>>, %arg11: memref<1x1x1000xf32, #tpu.memory_space<vmem>>, %arg12: memref<1x1x1000xf32, #tpu.memory_space<vmem>>, %arg13: memref<1x1x1000xf32, #tpu.memory_space<vmem>>, %arg14: memref<1x1x1000xf32, #tpu.memory_space<vmem>>) attributes {dimension_semantics = [#tpu.dimension_semantics<arbitrary>], iteration_bounds = array<i64: 64>, scalar_prefetch = 0 : i64, scratch_operands = 0 : i64, tpu.core_type = #tpu.core_type<tc>, window_params = [{transform_indices = @transform_0, window_bounds = array<i64: 1, 1, 2048>}, {transform_indices = @transform_1, window_bounds = array<i64: 1, 2048, 1>}, {transform_indices = @transform_2, window_bounds = array<i64: 1, 2048, 1>}, {transform_indices = @transform_3, window_bounds = array<i64: 1, 1, 1000>}, {transform_indices = @transform_4, window_bounds = array<i64: 1, 1, 1000>}, {transform_indices = @transform_5, window_bounds = array<i64: 1, 1, 1>}, {transform_indices = @transform_6, window_bounds = array<i64: 1, 1, 1000>}, {transform_indices = @transform_7, window_bounds = array<i64: 1, 1, 1000>}, {transform_indices = @transform_8, window_bounds = array<i64: 1, 1, 1000>}, {transform_indices = @transform_9, window_bounds = array<i64: 1, 1, 1000>}, {transform_indices = @transform_10, window_bounds = array<i64: 1, 1, 1000>}, {transform_indices = @transform_11, window_bounds = array<i64: 1, 1, 1000>}, {transform_indices = @transform_12, window_bounds = array<i64: 1, 1, 1000>}, {transform_indices = @transform_13, window_bounds = array<i64: 1, 1, 1000>}]} {
    %get3A = arith.constant 0 : index
    %get3A_0 = arith.constant 0 : index
    %get3A_1 = arith.constant 0 : index
    %get3A_2 = vector.load %arg1[%get3A, %get3A_0, %get3A_1] : memref<1x1x2048xf32, #tpu.memory_space<vmem>>, vector<1x1x2048xf32>
    %get3A_3 = vector.shape_cast %get3A_2 : vector<1x1x2048xf32> to vector<1x2048xf32>
    %logistic3A = arith.negf %get3A_3 : vector<1x2048xf32>
    %logistic3A_4 = math.exp %logistic3A : vector<1x2048xf32>
    %logistic3A_5 = arith.constant 1.000000e+00 : f32
    %logistic3A_6 = vector.broadcast %logistic3A_5 : f32 to vector<1x2048xf32>
    %logistic3A_7 = arith.addf %logistic3A_6, %logistic3A_4 : vector<1x2048xf32>
    %logistic3A_8 = arith.divf %logistic3A_6, %logistic3A_7 : vector<1x2048xf32>
    %get3A_9 = arith.constant 0 : index
    %get3A_10 = arith.constant 0 : index
    %get3A_11 = arith.constant 0 : index
    %get3A_12 = vector.load %arg2[%get3A_9, %get3A_10, %get3A_11] : memref<1x2048x1xf32, #tpu.memory_space<vmem>>, vector<1x2048x1xf32>
    %get3A_13 = vector.shape_cast %get3A_12 : vector<1x2048x1xf32> to vector<2048x1xf32>
    %logistic3A_14 = arith.negf %get3A_13 : vector<2048x1xf32>
    %logistic3A_15 = math.exp %logistic3A_14 : vector<2048x1xf32>
    %logistic3A_16 = arith.constant 1.000000e+00 : f32
    %logistic3A_17 = vector.broadcast %logistic3A_16 : f32 to vector<2048x1xf32>
    %logistic3A_18 = arith.addf %logistic3A_17, %logistic3A_15 : vector<2048x1xf32>
    %logistic3A_19 = arith.divf %logistic3A_17, %logistic3A_18 : vector<2048x1xf32>
    %iota3A = tpu.iota {dimensions = array<i32: 1>} : vector<128x2048xi32>
    %slice3A = vector.extract_strided_slice %logistic3A_19 {offsets = [0, 0], sizes = [128, 1], strides = [1, 1]} : vector<2048x1xf32> to vector<128x1xf32>
    %iota3A_20 = tpu.iota {dimensions = array<i32: 0>} : vector<128x2048xi32>
    %add3A = arith.constant 0 : i32
    %add3A_21 = vector.broadcast %add3A : i32 to vector<128x2048xi32>
    %add3A_22 = arith.addi %iota3A_20, %add3A_21 : vector<128x2048xi32>
    %gt3A = vector.broadcast %logistic3A_8 : vector<1x2048xf32> to vector<128x2048xf32>
    %gt3A_23 = vector.broadcast %slice3A : vector<128x1xf32> to vector<128x2048xf32>
    %gt3A_24 = arith.cmpf ogt, %gt3A, %gt3A_23 : vector<128x2048xf32>
    %eq3A = vector.broadcast %logistic3A_8 : vector<1x2048xf32> to vector<128x2048xf32>
    %eq3A_25 = vector.broadcast %slice3A : vector<128x1xf32> to vector<128x2048xf32>
    %eq3A_26 = arith.cmpf oeq, %eq3A, %eq3A_25 : vector<128x2048xf32>
    %lt3A = arith.cmpi slt, %iota3A, %add3A_22 : vector<128x2048xi32>
    %and3A = arith.andi %eq3A_26, %lt3A : vector<128x2048xi1>
    %or3A = arith.ori %gt3A_24, %and3A : vector<128x2048xi1>
    %jit3A = arith.constant 1.000000e+00 : f32
    %jit3A_27 = arith.constant 0.000000e+00 : f32
    %broadcast_in_dim3A = vector.broadcast %jit3A : f32 to vector<128x2048xf32>
    %broadcast_in_dim3A_28 = vector.broadcast %jit3A_27 : f32 to vector<128x2048xf32>
    %select_n3A = arith.select %or3A, %broadcast_in_dim3A, %broadcast_in_dim3A_28 : vector<128x2048xi1>, vector<128x2048xf32>
    %reduce_sum3A = arith.constant dense<0.000000e+00> : vector<128xf32>
    %reduce_sum3A_29 = vector.multi_reduction <add>, %select_n3A, %reduce_sum3A [1] : vector<128x2048xf32> to vector<128xf32>
    %broadcast_in_dim3A_30 = vector.shape_cast %reduce_sum3A_29 : vector<128xf32> to vector<128x1xf32>
    %slice3A_31 = vector.extract_strided_slice %logistic3A_19 {offsets = [128, 0], sizes = [128, 1], strides = [1, 1]} : vector<2048x1xf32> to vector<128x1xf32>
    %iota3A_32 = tpu.iota {dimensions = array<i32: 0>} : vector<128x2048xi32>
    %add3A_33 = arith.constant 128 : i32
    %add3A_34 = vector.broadcast %add3A_33 : i32 to vector<128x2048xi32>
    %add3A_35 = arith.addi %iota3A_32, %add3A_34 : vector<128x2048xi32>
    %gt3A_36 = vector.broadcast %logistic3A_8 : vector<1x2048xf32> to vector<128x2048xf32>
    %gt3A_37 = vector.broadcast %slice3A_31 : vector<128x1xf32> to vector<128x2048xf32>
    %gt3A_38 = arith.cmpf ogt, %gt3A_36, %gt3A_37 : vector<128x2048xf32>
    %eq3A_39 = vector.broadcast %logistic3A_8 : vector<1x2048xf32> to vector<128x2048xf32>
    %eq3A_40 = vector.broadcast %slice3A_31 : vector<128x1xf32> to vector<128x2048xf32>
    %eq3A_41 = arith.cmpf oeq, %eq3A_39, %eq3A_40 : vector<128x2048xf32>
    %lt3A_42 = arith.cmpi slt, %iota3A, %add3A_35 : vector<128x2048xi32>
    %and3A_43 = arith.andi %eq3A_41, %lt3A_42 : vector<128x2048xi1>
    %or3A_44 = arith.ori %gt3A_38, %and3A_43 : vector<128x2048xi1>
    %jit3A_45 = arith.constant 1.000000e+00 : f32
    %jit3A_46 = arith.constant 0.000000e+00 : f32
    %broadcast_in_dim3A_47 = vector.broadcast %jit3A_45 : f32 to vector<128x2048xf32>
    %broadcast_in_dim3A_48 = vector.broadcast %jit3A_46 : f32 to vector<128x2048xf32>
    %select_n3A_49 = arith.select %or3A_44, %broadcast_in_dim3A_47, %broadcast_in_dim3A_48 : vector<128x2048xi1>, vector<128x2048xf32>
    %reduce_sum3A_50 = arith.constant dense<0.000000e+00> : vector<128xf32>
    %reduce_sum3A_51 = vector.multi_reduction <add>, %select_n3A_49, %reduce_sum3A_50 [1] : vector<128x2048xf32> to vector<128xf32>
    %broadcast_in_dim3A_52 = vector.shape_cast %reduce_sum3A_51 : vector<128xf32> to vector<128x1xf32>
    %slice3A_53 = vector.extract_strided_slice %logistic3A_19 {offsets = [256, 0], sizes = [128, 1], strides = [1, 1]} : vector<2048x1xf32> to vector<128x1xf32>
    %iota3A_54 = tpu.iota {dimensions = array<i32: 0>} : vector<128x2048xi32>
    %add3A_55 = arith.constant 256 : i32
    %add3A_56 = vector.broadcast %add3A_55 : i32 to vector<128x2048xi32>
    %add3A_57 = arith.addi %iota3A_54, %add3A_56 : vector<128x2048xi32>
    %gt3A_58 = vector.broadcast %logistic3A_8 : vector<1x2048xf32> to vector<128x2048xf32>
    %gt3A_59 = vector.broadcast %slice3A_53 : vector<128x1xf32> to vector<128x2048xf32>
    %gt3A_60 = arith.cmpf ogt, %gt3A_58, %gt3A_59 : vector<128x2048xf32>
    %eq3A_61 = vector.broadcast %logistic3A_8 : vector<1x2048xf32> to vector<128x2048xf32>
    %eq3A_62 = vector.broadcast %slice3A_53 : vector<128x1xf32> to vector<128x2048xf32>
    %eq3A_63 = arith.cmpf oeq, %eq3A_61, %eq3A_62 : vector<128x2048xf32>
    %lt3A_64 = arith.cmpi slt, %iota3A, %add3A_57 : vector<128x2048xi32>
    %and3A_65 = arith.andi %eq3A_63, %lt3A_64 : vector<128x2048xi1>
    %or3A_66 = arith.ori %gt3A_60, %and3A_65 : vector<128x2048xi1>
    %jit3A_67 = arith.constant 1.000000e+00 : f32
    %jit3A_68 = arith.constant 0.000000e+00 : f32
    %broadcast_in_dim3A_69 = vector.broadcast %jit3A_67 : f32 to vector<128x2048xf32>
    %broadcast_in_dim3A_70 = vector.broadcast %jit3A_68 : f32 to vector<128x2048xf32>
    %select_n3A_71 = arith.select %or3A_66, %broadcast_in_dim3A_69, %broadcast_in_dim3A_70 : vector<128x2048xi1>, vector<128x2048xf32>
    %reduce_sum3A_72 = arith.constant dense<0.000000e+00> : vector<128xf32>
    %reduce_sum3A_73 = vector.multi_reduction <add>, %select_n3A_71, %reduce_sum3A_72 [1] : vector<128x2048xf32> to vector<128xf32>
    %broadcast_in_dim3A_74 = vector.shape_cast %reduce_sum3A_73 : vector<128xf32> to vector<128x1xf32>
    %slice3A_75 = vector.extract_strided_slice %logistic3A_19 {offsets = [384, 0], sizes = [128, 1], strides = [1, 1]} : vector<2048x1xf32> to vector<128x1xf32>
    %iota3A_76 = tpu.iota {dimensions = array<i32: 0>} : vector<128x2048xi32>
    %add3A_77 = arith.constant 384 : i32
    %add3A_78 = vector.broadcast %add3A_77 : i32 to vector<128x2048xi32>
    %add3A_79 = arith.addi %iota3A_76, %add3A_78 : vector<128x2048xi32>
    %gt3A_80 = vector.broadcast %logistic3A_8 : vector<1x2048xf32> to vector<128x2048xf32>
    %gt3A_81 = vector.broadcast %slice3A_75 : vector<128x1xf32> to vector<128x2048xf32>
    %gt3A_82 = arith.cmpf ogt, %gt3A_80, %gt3A_81 : vector<128x2048xf32>
    %eq3A_83 = vector.broadcast %logistic3A_8 : vector<1x2048xf32> to vector<128x2048xf32>
    %eq3A_84 = vector.broadcast %slice3A_75 : vector<128x1xf32> to vector<128x2048xf32>
    %eq3A_85 = arith.cmpf oeq, %eq3A_83, %eq3A_84 : vector<128x2048xf32>
    %lt3A_86 = arith.cmpi slt, %iota3A, %add3A_79 : vector<128x2048xi32>
    %and3A_87 = arith.andi %eq3A_85, %lt3A_86 : vector<128x2048xi1>
    %or3A_88 = arith.ori %gt3A_82, %and3A_87 : vector<128x2048xi1>
    %jit3A_89 = arith.constant 1.000000e+00 : f32
    %jit3A_90 = arith.constant 0.000000e+00 : f32
    %broadcast_in_dim3A_91 = vector.broadcast %jit3A_89 : f32 to vector<128x2048xf32>
    %broadcast_in_dim3A_92 = vector.broadcast %jit3A_90 : f32 to vector<128x2048xf32>
    %select_n3A_93 = arith.select %or3A_88, %broadcast_in_dim3A_91, %broadcast_in_dim3A_92 : vector<128x2048xi1>, vector<128x2048xf32>
    %reduce_sum3A_94 = arith.constant dense<0.000000e+00> : vector<128xf32>
    %reduce_sum3A_95 = vector.multi_reduction <add>, %select_n3A_93, %reduce_sum3A_94 [1] : vector<128x2048xf32> to vector<128xf32>
    %broadcast_in_dim3A_96 = vector.shape_cast %reduce_sum3A_95 : vector<128xf32> to vector<128x1xf32>
    %slice3A_97 = vector.extract_strided_slice %logistic3A_19 {offsets = [512, 0], sizes = [128, 1], strides = [1, 1]} : vector<2048x1xf32> to vector<128x1xf32>
    %iota3A_98 = tpu.iota {dimensions = array<i32: 0>} : vector<128x2048xi32>
    %add3A_99 = arith.constant 512 : i32
    %add3A_100 = vector.broadcast %add3A_99 : i32 to vector<128x2048xi32>
    %add3A_101 = arith.addi %iota3A_98, %add3A_100 : vector<128x2048xi32>
    %gt3A_102 = vector.broadcast %logistic3A_8 : vector<1x2048xf32> to vector<128x2048xf32>
    %gt3A_103 = vector.broadcast %slice3A_97 : vector<128x1xf32> to vector<128x2048xf32>
    %gt3A_104 = arith.cmpf ogt, %gt3A_102, %gt3A_103 : vector<128x2048xf32>
    %eq3A_105 = vector.broadcast %logistic3A_8 : vector<1x2048xf32> to vector<128x2048xf32>
    %eq3A_106 = vector.broadcast %slice3A_97 : vector<128x1xf32> to vector<128x2048xf32>
    %eq3A_107 = arith.cmpf oeq, %eq3A_105, %eq3A_106 : vector<128x2048xf32>
    %lt3A_108 = arith.cmpi slt, %iota3A, %add3A_101 : vector<128x2048xi32>
    %and3A_109 = arith.andi %eq3A_107, %lt3A_108 : vector<128x2048xi1>
    %or3A_110 = arith.ori %gt3A_104, %and3A_109 : vector<128x2048xi1>
    %jit3A_111 = arith.constant 1.000000e+00 : f32
    %jit3A_112 = arith.constant 0.000000e+00 : f32
    %broadcast_in_dim3A_113 = vector.broadcast %jit3A_111 : f32 to vector<128x2048xf32>
    %broadcast_in_dim3A_114 = vector.broadcast %jit3A_112 : f32 to vector<128x2048xf32>
    %select_n3A_115 = arith.select %or3A_110, %broadcast_in_dim3A_113, %broadcast_in_dim3A_114 : vector<128x2048xi1>, vector<128x2048xf32>
    %reduce_sum3A_116 = arith.constant dense<0.000000e+00> : vector<128xf32>
    %reduce_sum3A_117 = vector.multi_reduction <add>, %select_n3A_115, %reduce_sum3A_116 [1] : vector<128x2048xf32> to vector<128xf32>
    %broadcast_in_dim3A_118 = vector.shape_cast %reduce_sum3A_117 : vector<128xf32> to vector<128x1xf32>
    %slice3A_119 = vector.extract_strided_slice %logistic3A_19 {offsets = [640, 0], sizes = [128, 1], strides = [1, 1]} : vector<2048x1xf32> to vector<128x1xf32>
    %iota3A_120 = tpu.iota {dimensions = array<i32: 0>} : vector<128x2048xi32>
    %add3A_121 = arith.constant 640 : i32
    %add3A_122 = vector.broadcast %add3A_121 : i32 to vector<128x2048xi32>
    %add3A_123 = arith.addi %iota3A_120, %add3A_122 : vector<128x2048xi32>
    %gt3A_124 = vector.broadcast %logistic3A_8 : vector<1x2048xf32> to vector<128x2048xf32>
    %gt3A_125 = vector.broadcast %slice3A_119 : vector<128x1xf32> to vector<128x2048xf32>
    %gt3A_126 = arith.cmpf ogt, %gt3A_124, %gt3A_125 : vector<128x2048xf32>
    %eq3A_127 = vector.broadcast %logistic3A_8 : vector<1x2048xf32> to vector<128x2048xf32>
    %eq3A_128 = vector.broadcast %slice3A_119 : vector<128x1xf32> to vector<128x2048xf32>
    %eq3A_129 = arith.cmpf oeq, %eq3A_127, %eq3A_128 : vector<128x2048xf32>
    %lt3A_130 = arith.cmpi slt, %iota3A, %add3A_123 : vector<128x2048xi32>
    %and3A_131 = arith.andi %eq3A_129, %lt3A_130 : vector<128x2048xi1>
    %or3A_132 = arith.ori %gt3A_126, %and3A_131 : vector<128x2048xi1>
    %jit3A_133 = arith.constant 1.000000e+00 : f32
    %jit3A_134 = arith.constant 0.000000e+00 : f32
    %broadcast_in_dim3A_135 = vector.broadcast %jit3A_133 : f32 to vector<128x2048xf32>
    %broadcast_in_dim3A_136 = vector.broadcast %jit3A_134 : f32 to vector<128x2048xf32>
    %select_n3A_137 = arith.select %or3A_132, %broadcast_in_dim3A_135, %broadcast_in_dim3A_136 : vector<128x2048xi1>, vector<128x2048xf32>
    %reduce_sum3A_138 = arith.constant dense<0.000000e+00> : vector<128xf32>
    %reduce_sum3A_139 = vector.multi_reduction <add>, %select_n3A_137, %reduce_sum3A_138 [1] : vector<128x2048xf32> to vector<128xf32>
    %broadcast_in_dim3A_140 = vector.shape_cast %reduce_sum3A_139 : vector<128xf32> to vector<128x1xf32>
    %slice3A_141 = vector.extract_strided_slice %logistic3A_19 {offsets = [768, 0], sizes = [128, 1], strides = [1, 1]} : vector<2048x1xf32> to vector<128x1xf32>
    %iota3A_142 = tpu.iota {dimensions = array<i32: 0>} : vector<128x2048xi32>
    %add3A_143 = arith.constant 768 : i32
    %add3A_144 = vector.broadcast %add3A_143 : i32 to vector<128x2048xi32>
    %add3A_145 = arith.addi %iota3A_142, %add3A_144 : vector<128x2048xi32>
    %gt3A_146 = vector.broadcast %logistic3A_8 : vector<1x2048xf32> to vector<128x2048xf32>
    %gt3A_147 = vector.broadcast %slice3A_141 : vector<128x1xf32> to vector<128x2048xf32>
    %gt3A_148 = arith.cmpf ogt, %gt3A_146, %gt3A_147 : vector<128x2048xf32>
    %eq3A_149 = vector.broadcast %logistic3A_8 : vector<1x2048xf32> to vector<128x2048xf32>
    %eq3A_150 = vector.broadcast %slice3A_141 : vector<128x1xf32> to vector<128x2048xf32>
    %eq3A_151 = arith.cmpf oeq, %eq3A_149, %eq3A_150 : vector<128x2048xf32>
    %lt3A_152 = arith.cmpi slt, %iota3A, %add3A_145 : vector<128x2048xi32>
    %and3A_153 = arith.andi %eq3A_151, %lt3A_152 : vector<128x2048xi1>
    %or3A_154 = arith.ori %gt3A_148, %and3A_153 : vector<128x2048xi1>
    %jit3A_155 = arith.constant 1.000000e+00 : f32
    %jit3A_156 = arith.constant 0.000000e+00 : f32
    %broadcast_in_dim3A_157 = vector.broadcast %jit3A_155 : f32 to vector<128x2048xf32>
    %broadcast_in_dim3A_158 = vector.broadcast %jit3A_156 : f32 to vector<128x2048xf32>
    %select_n3A_159 = arith.select %or3A_154, %broadcast_in_dim3A_157, %broadcast_in_dim3A_158 : vector<128x2048xi1>, vector<128x2048xf32>
    %reduce_sum3A_160 = arith.constant dense<0.000000e+00> : vector<128xf32>
    %reduce_sum3A_161 = vector.multi_reduction <add>, %select_n3A_159, %reduce_sum3A_160 [1] : vector<128x2048xf32> to vector<128xf32>
    %broadcast_in_dim3A_162 = vector.shape_cast %reduce_sum3A_161 : vector<128xf32> to vector<128x1xf32>
    %slice3A_163 = vector.extract_strided_slice %logistic3A_19 {offsets = [896, 0], sizes = [128, 1], strides = [1, 1]} : vector<2048x1xf32> to vector<128x1xf32>
    %iota3A_164 = tpu.iota {dimensions = array<i32: 0>} : vector<128x2048xi32>
    %add3A_165 = arith.constant 896 : i32
    %add3A_166 = vector.broadcast %add3A_165 : i32 to vector<128x2048xi32>
    %add3A_167 = arith.addi %iota3A_164, %add3A_166 : vector<128x2048xi32>
    %gt3A_168 = vector.broadcast %logistic3A_8 : vector<1x2048xf32> to vector<128x2048xf32>
    %gt3A_169 = vector.broadcast %slice3A_163 : vector<128x1xf32> to vector<128x2048xf32>
    %gt3A_170 = arith.cmpf ogt, %gt3A_168, %gt3A_169 : vector<128x2048xf32>
    %eq3A_171 = vector.broadcast %logistic3A_8 : vector<1x2048xf32> to vector<128x2048xf32>
    %eq3A_172 = vector.broadcast %slice3A_163 : vector<128x1xf32> to vector<128x2048xf32>
    %eq3A_173 = arith.cmpf oeq, %eq3A_171, %eq3A_172 : vector<128x2048xf32>
    %lt3A_174 = arith.cmpi slt, %iota3A, %add3A_167 : vector<128x2048xi32>
    %and3A_175 = arith.andi %eq3A_173, %lt3A_174 : vector<128x2048xi1>
    %or3A_176 = arith.ori %gt3A_170, %and3A_175 : vector<128x2048xi1>
    %jit3A_177 = arith.constant 1.000000e+00 : f32
    %jit3A_178 = arith.constant 0.000000e+00 : f32
    %broadcast_in_dim3A_179 = vector.broadcast %jit3A_177 : f32 to vector<128x2048xf32>
    %broadcast_in_dim3A_180 = vector.broadcast %jit3A_178 : f32 to vector<128x2048xf32>
    %select_n3A_181 = arith.select %or3A_176, %broadcast_in_dim3A_179, %broadcast_in_dim3A_180 : vector<128x2048xi1>, vector<128x2048xf32>
    %reduce_sum3A_182 = arith.constant dense<0.000000e+00> : vector<128xf32>
    %reduce_sum3A_183 = vector.multi_reduction <add>, %select_n3A_181, %reduce_sum3A_182 [1] : vector<128x2048xf32> to vector<128xf32>
    %broadcast_in_dim3A_184 = vector.shape_cast %reduce_sum3A_183 : vector<128xf32> to vector<128x1xf32>
    %slice3A_185 = vector.extract_strided_slice %logistic3A_19 {offsets = [1024, 0], sizes = [128, 1], strides = [1, 1]} : vector<2048x1xf32> to vector<128x1xf32>
    %iota3A_186 = tpu.iota {dimensions = array<i32: 0>} : vector<128x2048xi32>
    %add3A_187 = arith.constant 1024 : i32
    %add3A_188 = vector.broadcast %add3A_187 : i32 to vector<128x2048xi32>
    %add3A_189 = arith.addi %iota3A_186, %add3A_188 : vector<128x2048xi32>
    %gt3A_190 = vector.broadcast %logistic3A_8 : vector<1x2048xf32> to vector<128x2048xf32>
    %gt3A_191 = vector.broadcast %slice3A_185 : vector<128x1xf32> to vector<128x2048xf32>
    %gt3A_192 = arith.cmpf ogt, %gt3A_190, %gt3A_191 : vector<128x2048xf32>
    %eq3A_193 = vector.broadcast %logistic3A_8 : vector<1x2048xf32> to vector<128x2048xf32>
    %eq3A_194 = vector.broadcast %slice3A_185 : vector<128x1xf32> to vector<128x2048xf32>
    %eq3A_195 = arith.cmpf oeq, %eq3A_193, %eq3A_194 : vector<128x2048xf32>
    %lt3A_196 = arith.cmpi slt, %iota3A, %add3A_189 : vector<128x2048xi32>
    %and3A_197 = arith.andi %eq3A_195, %lt3A_196 : vector<128x2048xi1>
    %or3A_198 = arith.ori %gt3A_192, %and3A_197 : vector<128x2048xi1>
    %jit3A_199 = arith.constant 1.000000e+00 : f32
    %jit3A_200 = arith.constant 0.000000e+00 : f32
    %broadcast_in_dim3A_201 = vector.broadcast %jit3A_199 : f32 to vector<128x2048xf32>
    %broadcast_in_dim3A_202 = vector.broadcast %jit3A_200 : f32 to vector<128x2048xf32>
    %select_n3A_203 = arith.select %or3A_198, %broadcast_in_dim3A_201, %broadcast_in_dim3A_202 : vector<128x2048xi1>, vector<128x2048xf32>
    %reduce_sum3A_204 = arith.constant dense<0.000000e+00> : vector<128xf32>
    %reduce_sum3A_205 = vector.multi_reduction <add>, %select_n3A_203, %reduce_sum3A_204 [1] : vector<128x2048xf32> to vector<128xf32>
    %broadcast_in_dim3A_206 = vector.shape_cast %reduce_sum3A_205 : vector<128xf32> to vector<128x1xf32>
    %slice3A_207 = vector.extract_strided_slice %logistic3A_19 {offsets = [1152, 0], sizes = [128, 1], strides = [1, 1]} : vector<2048x1xf32> to vector<128x1xf32>
    %iota3A_208 = tpu.iota {dimensions = array<i32: 0>} : vector<128x2048xi32>
    %add3A_209 = arith.constant 1152 : i32
    %add3A_210 = vector.broadcast %add3A_209 : i32 to vector<128x2048xi32>
    %add3A_211 = arith.addi %iota3A_208, %add3A_210 : vector<128x2048xi32>
    %gt3A_212 = vector.broadcast %logistic3A_8 : vector<1x2048xf32> to vector<128x2048xf32>
    %gt3A_213 = vector.broadcast %slice3A_207 : vector<128x1xf32> to vector<128x2048xf32>
    %gt3A_214 = arith.cmpf ogt, %gt3A_212, %gt3A_213 : vector<128x2048xf32>
    %eq3A_215 = vector.broadcast %logistic3A_8 : vector<1x2048xf32> to vector<128x2048xf32>
    %eq3A_216 = vector.broadcast %slice3A_207 : vector<128x1xf32> to vector<128x2048xf32>
    %eq3A_217 = arith.cmpf oeq, %eq3A_215, %eq3A_216 : vector<128x2048xf32>
    %lt3A_218 = arith.cmpi slt, %iota3A, %add3A_211 : vector<128x2048xi32>
    %and3A_219 = arith.andi %eq3A_217, %lt3A_218 : vector<128x2048xi1>
    %or3A_220 = arith.ori %gt3A_214, %and3A_219 : vector<128x2048xi1>
    %jit3A_221 = arith.constant 1.000000e+00 : f32
    %jit3A_222 = arith.constant 0.000000e+00 : f32
    %broadcast_in_dim3A_223 = vector.broadcast %jit3A_221 : f32 to vector<128x2048xf32>
    %broadcast_in_dim3A_224 = vector.broadcast %jit3A_222 : f32 to vector<128x2048xf32>
    %select_n3A_225 = arith.select %or3A_220, %broadcast_in_dim3A_223, %broadcast_in_dim3A_224 : vector<128x2048xi1>, vector<128x2048xf32>
    %reduce_sum3A_226 = arith.constant dense<0.000000e+00> : vector<128xf32>
    %reduce_sum3A_227 = vector.multi_reduction <add>, %select_n3A_225, %reduce_sum3A_226 [1] : vector<128x2048xf32> to vector<128xf32>
    %broadcast_in_dim3A_228 = vector.shape_cast %reduce_sum3A_227 : vector<128xf32> to vector<128x1xf32>
    %slice3A_229 = vector.extract_strided_slice %logistic3A_19 {offsets = [1280, 0], sizes = [128, 1], strides = [1, 1]} : vector<2048x1xf32> to vector<128x1xf32>
    %iota3A_230 = tpu.iota {dimensions = array<i32: 0>} : vector<128x2048xi32>
    %add3A_231 = arith.constant 1280 : i32
    %add3A_232 = vector.broadcast %add3A_231 : i32 to vector<128x2048xi32>
    %add3A_233 = arith.addi %iota3A_230, %add3A_232 : vector<128x2048xi32>
    %gt3A_234 = vector.broadcast %logistic3A_8 : vector<1x2048xf32> to vector<128x2048xf32>
    %gt3A_235 = vector.broadcast %slice3A_229 : vector<128x1xf32> to vector<128x2048xf32>
    %gt3A_236 = arith.cmpf ogt, %gt3A_234, %gt3A_235 : vector<128x2048xf32>
    %eq3A_237 = vector.broadcast %logistic3A_8 : vector<1x2048xf32> to vector<128x2048xf32>
    %eq3A_238 = vector.broadcast %slice3A_229 : vector<128x1xf32> to vector<128x2048xf32>
    %eq3A_239 = arith.cmpf oeq, %eq3A_237, %eq3A_238 : vector<128x2048xf32>
    %lt3A_240 = arith.cmpi slt, %iota3A, %add3A_233 : vector<128x2048xi32>
    %and3A_241 = arith.andi %eq3A_239, %lt3A_240 : vector<128x2048xi1>
    %or3A_242 = arith.ori %gt3A_236, %and3A_241 : vector<128x2048xi1>
    %jit3A_243 = arith.constant 1.000000e+00 : f32
    %jit3A_244 = arith.constant 0.000000e+00 : f32
    %broadcast_in_dim3A_245 = vector.broadcast %jit3A_243 : f32 to vector<128x2048xf32>
    %broadcast_in_dim3A_246 = vector.broadcast %jit3A_244 : f32 to vector<128x2048xf32>
    %select_n3A_247 = arith.select %or3A_242, %broadcast_in_dim3A_245, %broadcast_in_dim3A_246 : vector<128x2048xi1>, vector<128x2048xf32>
    %reduce_sum3A_248 = arith.constant dense<0.000000e+00> : vector<128xf32>
    %reduce_sum3A_249 = vector.multi_reduction <add>, %select_n3A_247, %reduce_sum3A_248 [1] : vector<128x2048xf32> to vector<128xf32>
    %broadcast_in_dim3A_250 = vector.shape_cast %reduce_sum3A_249 : vector<128xf32> to vector<128x1xf32>
    %slice3A_251 = vector.extract_strided_slice %logistic3A_19 {offsets = [1408, 0], sizes = [128, 1], strides = [1, 1]} : vector<2048x1xf32> to vector<128x1xf32>
    %iota3A_252 = tpu.iota {dimensions = array<i32: 0>} : vector<128x2048xi32>
    %add3A_253 = arith.constant 1408 : i32
    %add3A_254 = vector.broadcast %add3A_253 : i32 to vector<128x2048xi32>
    %add3A_255 = arith.addi %iota3A_252, %add3A_254 : vector<128x2048xi32>
    %gt3A_256 = vector.broadcast %logistic3A_8 : vector<1x2048xf32> to vector<128x2048xf32>
    %gt3A_257 = vector.broadcast %slice3A_251 : vector<128x1xf32> to vector<128x2048xf32>
    %gt3A_258 = arith.cmpf ogt, %gt3A_256, %gt3A_257 : vector<128x2048xf32>
    %eq3A_259 = vector.broadcast %logistic3A_8 : vector<1x2048xf32> to vector<128x2048xf32>
    %eq3A_260 = vector.broadcast %slice3A_251 : vector<128x1xf32> to vector<128x2048xf32>
    %eq3A_261 = arith.cmpf oeq, %eq3A_259, %eq3A_260 : vector<128x2048xf32>
    %lt3A_262 = arith.cmpi slt, %iota3A, %add3A_255 : vector<128x2048xi32>
    %and3A_263 = arith.andi %eq3A_261, %lt3A_262 : vector<128x2048xi1>
    %or3A_264 = arith.ori %gt3A_258, %and3A_263 : vector<128x2048xi1>
    %jit3A_265 = arith.constant 1.000000e+00 : f32
    %jit3A_266 = arith.constant 0.000000e+00 : f32
    %broadcast_in_dim3A_267 = vector.broadcast %jit3A_265 : f32 to vector<128x2048xf32>
    %broadcast_in_dim3A_268 = vector.broadcast %jit3A_266 : f32 to vector<128x2048xf32>
    %select_n3A_269 = arith.select %or3A_264, %broadcast_in_dim3A_267, %broadcast_in_dim3A_268 : vector<128x2048xi1>, vector<128x2048xf32>
    %reduce_sum3A_270 = arith.constant dense<0.000000e+00> : vector<128xf32>
    %reduce_sum3A_271 = vector.multi_reduction <add>, %select_n3A_269, %reduce_sum3A_270 [1] : vector<128x2048xf32> to vector<128xf32>
    %broadcast_in_dim3A_272 = vector.shape_cast %reduce_sum3A_271 : vector<128xf32> to vector<128x1xf32>
    %slice3A_273 = vector.extract_strided_slice %logistic3A_19 {offsets = [1536, 0], sizes = [128, 1], strides = [1, 1]} : vector<2048x1xf32> to vector<128x1xf32>
    %iota3A_274 = tpu.iota {dimensions = array<i32: 0>} : vector<128x2048xi32>
    %add3A_275 = arith.constant 1536 : i32
    %add3A_276 = vector.broadcast %add3A_275 : i32 to vector<128x2048xi32>
    %add3A_277 = arith.addi %iota3A_274, %add3A_276 : vector<128x2048xi32>
    %gt3A_278 = vector.broadcast %logistic3A_8 : vector<1x2048xf32> to vector<128x2048xf32>
    %gt3A_279 = vector.broadcast %slice3A_273 : vector<128x1xf32> to vector<128x2048xf32>
    %gt3A_280 = arith.cmpf ogt, %gt3A_278, %gt3A_279 : vector<128x2048xf32>
    %eq3A_281 = vector.broadcast %logistic3A_8 : vector<1x2048xf32> to vector<128x2048xf32>
    %eq3A_282 = vector.broadcast %slice3A_273 : vector<128x1xf32> to vector<128x2048xf32>
    %eq3A_283 = arith.cmpf oeq, %eq3A_281, %eq3A_282 : vector<128x2048xf32>
    %lt3A_284 = arith.cmpi slt, %iota3A, %add3A_277 : vector<128x2048xi32>
    %and3A_285 = arith.andi %eq3A_283, %lt3A_284 : vector<128x2048xi1>
    %or3A_286 = arith.ori %gt3A_280, %and3A_285 : vector<128x2048xi1>
    %jit3A_287 = arith.constant 1.000000e+00 : f32
    %jit3A_288 = arith.constant 0.000000e+00 : f32
    %broadcast_in_dim3A_289 = vector.broadcast %jit3A_287 : f32 to vector<128x2048xf32>
    %broadcast_in_dim3A_290 = vector.broadcast %jit3A_288 : f32 to vector<128x2048xf32>
    %select_n3A_291 = arith.select %or3A_286, %broadcast_in_dim3A_289, %broadcast_in_dim3A_290 : vector<128x2048xi1>, vector<128x2048xf32>
    %reduce_sum3A_292 = arith.constant dense<0.000000e+00> : vector<128xf32>
    %reduce_sum3A_293 = vector.multi_reduction <add>, %select_n3A_291, %reduce_sum3A_292 [1] : vector<128x2048xf32> to vector<128xf32>
    %broadcast_in_dim3A_294 = vector.shape_cast %reduce_sum3A_293 : vector<128xf32> to vector<128x1xf32>
    %slice3A_295 = vector.extract_strided_slice %logistic3A_19 {offsets = [1664, 0], sizes = [128, 1], strides = [1, 1]} : vector<2048x1xf32> to vector<128x1xf32>
    %iota3A_296 = tpu.iota {dimensions = array<i32: 0>} : vector<128x2048xi32>
    %add3A_297 = arith.constant 1664 : i32
    %add3A_298 = vector.broadcast %add3A_297 : i32 to vector<128x2048xi32>
    %add3A_299 = arith.addi %iota3A_296, %add3A_298 : vector<128x2048xi32>
    %gt3A_300 = vector.broadcast %logistic3A_8 : vector<1x2048xf32> to vector<128x2048xf32>
    %gt3A_301 = vector.broadcast %slice3A_295 : vector<128x1xf32> to vector<128x2048xf32>
    %gt3A_302 = arith.cmpf ogt, %gt3A_300, %gt3A_301 : vector<128x2048xf32>
    %eq3A_303 = vector.broadcast %logistic3A_8 : vector<1x2048xf32> to vector<128x2048xf32>
    %eq3A_304 = vector.broadcast %slice3A_295 : vector<128x1xf32> to vector<128x2048xf32>
    %eq3A_305 = arith.cmpf oeq, %eq3A_303, %eq3A_304 : vector<128x2048xf32>
    %lt3A_306 = arith.cmpi slt, %iota3A, %add3A_299 : vector<128x2048xi32>
    %and3A_307 = arith.andi %eq3A_305, %lt3A_306 : vector<128x2048xi1>
    %or3A_308 = arith.ori %gt3A_302, %and3A_307 : vector<128x2048xi1>
    %jit3A_309 = arith.constant 1.000000e+00 : f32
    %jit3A_310 = arith.constant 0.000000e+00 : f32
    %broadcast_in_dim3A_311 = vector.broadcast %jit3A_309 : f32 to vector<128x2048xf32>
    %broadcast_in_dim3A_312 = vector.broadcast %jit3A_310 : f32 to vector<128x2048xf32>
    %select_n3A_313 = arith.select %or3A_308, %broadcast_in_dim3A_311, %broadcast_in_dim3A_312 : vector<128x2048xi1>, vector<128x2048xf32>
    %reduce_sum3A_314 = arith.constant dense<0.000000e+00> : vector<128xf32>
    %reduce_sum3A_315 = vector.multi_reduction <add>, %select_n3A_313, %reduce_sum3A_314 [1] : vector<128x2048xf32> to vector<128xf32>
    %broadcast_in_dim3A_316 = vector.shape_cast %reduce_sum3A_315 : vector<128xf32> to vector<128x1xf32>
    %slice3A_317 = vector.extract_strided_slice %logistic3A_19 {offsets = [1792, 0], sizes = [128, 1], strides = [1, 1]} : vector<2048x1xf32> to vector<128x1xf32>
    %iota3A_318 = tpu.iota {dimensions = array<i32: 0>} : vector<128x2048xi32>
    %add3A_319 = arith.constant 1792 : i32
    %add3A_320 = vector.broadcast %add3A_319 : i32 to vector<128x2048xi32>
    %add3A_321 = arith.addi %iota3A_318, %add3A_320 : vector<128x2048xi32>
    %gt3A_322 = vector.broadcast %logistic3A_8 : vector<1x2048xf32> to vector<128x2048xf32>
    %gt3A_323 = vector.broadcast %slice3A_317 : vector<128x1xf32> to vector<128x2048xf32>
    %gt3A_324 = arith.cmpf ogt, %gt3A_322, %gt3A_323 : vector<128x2048xf32>
    %eq3A_325 = vector.broadcast %logistic3A_8 : vector<1x2048xf32> to vector<128x2048xf32>
    %eq3A_326 = vector.broadcast %slice3A_317 : vector<128x1xf32> to vector<128x2048xf32>
    %eq3A_327 = arith.cmpf oeq, %eq3A_325, %eq3A_326 : vector<128x2048xf32>
    %lt3A_328 = arith.cmpi slt, %iota3A, %add3A_321 : vector<128x2048xi32>
    %and3A_329 = arith.andi %eq3A_327, %lt3A_328 : vector<128x2048xi1>
    %or3A_330 = arith.ori %gt3A_324, %and3A_329 : vector<128x2048xi1>
    %jit3A_331 = arith.constant 1.000000e+00 : f32
    %jit3A_332 = arith.constant 0.000000e+00 : f32
    %broadcast_in_dim3A_333 = vector.broadcast %jit3A_331 : f32 to vector<128x2048xf32>
    %broadcast_in_dim3A_334 = vector.broadcast %jit3A_332 : f32 to vector<128x2048xf32>
    %select_n3A_335 = arith.select %or3A_330, %broadcast_in_dim3A_333, %broadcast_in_dim3A_334 : vector<128x2048xi1>, vector<128x2048xf32>
    %reduce_sum3A_336 = arith.constant dense<0.000000e+00> : vector<128xf32>
    %reduce_sum3A_337 = vector.multi_reduction <add>, %select_n3A_335, %reduce_sum3A_336 [1] : vector<128x2048xf32> to vector<128xf32>
    %broadcast_in_dim3A_338 = vector.shape_cast %reduce_sum3A_337 : vector<128xf32> to vector<128x1xf32>
    %slice3A_339 = vector.extract_strided_slice %logistic3A_19 {offsets = [1920, 0], sizes = [128, 1], strides = [1, 1]} : vector<2048x1xf32> to vector<128x1xf32>
    %iota3A_340 = tpu.iota {dimensions = array<i32: 0>} : vector<128x2048xi32>
    %add3A_341 = arith.constant 1920 : i32
    %add3A_342 = vector.broadcast %add3A_341 : i32 to vector<128x2048xi32>
    %add3A_343 = arith.addi %iota3A_340, %add3A_342 : vector<128x2048xi32>
    %gt3A_344 = vector.broadcast %logistic3A_8 : vector<1x2048xf32> to vector<128x2048xf32>
    %gt3A_345 = vector.broadcast %slice3A_339 : vector<128x1xf32> to vector<128x2048xf32>
    %gt3A_346 = arith.cmpf ogt, %gt3A_344, %gt3A_345 : vector<128x2048xf32>
    %eq3A_347 = vector.broadcast %logistic3A_8 : vector<1x2048xf32> to vector<128x2048xf32>
    %eq3A_348 = vector.broadcast %slice3A_339 : vector<128x1xf32> to vector<128x2048xf32>
    %eq3A_349 = arith.cmpf oeq, %eq3A_347, %eq3A_348 : vector<128x2048xf32>
    %lt3A_350 = arith.cmpi slt, %iota3A, %add3A_343 : vector<128x2048xi32>
    %and3A_351 = arith.andi %eq3A_349, %lt3A_350 : vector<128x2048xi1>
    %or3A_352 = arith.ori %gt3A_346, %and3A_351 : vector<128x2048xi1>
    %jit3A_353 = arith.constant 1.000000e+00 : f32
    %jit3A_354 = arith.constant 0.000000e+00 : f32
    %broadcast_in_dim3A_355 = vector.broadcast %jit3A_353 : f32 to vector<128x2048xf32>
    %broadcast_in_dim3A_356 = vector.broadcast %jit3A_354 : f32 to vector<128x2048xf32>
    %select_n3A_357 = arith.select %or3A_352, %broadcast_in_dim3A_355, %broadcast_in_dim3A_356 : vector<128x2048xi1>, vector<128x2048xf32>
    %reduce_sum3A_358 = arith.constant dense<0.000000e+00> : vector<128xf32>
    %reduce_sum3A_359 = vector.multi_reduction <add>, %select_n3A_357, %reduce_sum3A_358 [1] : vector<128x2048xf32> to vector<128xf32>
    %broadcast_in_dim3A_360 = vector.shape_cast %reduce_sum3A_359 : vector<128xf32> to vector<128x1xf32>
    %concatenate3A = tpu.concatenate %broadcast_in_dim3A_30, %broadcast_in_dim3A_52, %broadcast_in_dim3A_74, %broadcast_in_dim3A_96, %broadcast_in_dim3A_118, %broadcast_in_dim3A_140, %broadcast_in_dim3A_162, %broadcast_in_dim3A_184, %broadcast_in_dim3A_206, %broadcast_in_dim3A_228, %broadcast_in_dim3A_250, %broadcast_in_dim3A_272, %broadcast_in_dim3A_294, %broadcast_in_dim3A_316, %broadcast_in_dim3A_338, %broadcast_in_dim3A_360 in 0 : vector<128x1xf32>, vector<128x1xf32>, vector<128x1xf32>, vector<128x1xf32>, vector<128x1xf32>, vector<128x1xf32>, vector<128x1xf32>, vector<128x1xf32>, vector<128x1xf32>, vector<128x1xf32>, vector<128x1xf32>, vector<128x1xf32>, vector<128x1xf32>, vector<128x1xf32>, vector<128x1xf32>, vector<128x1xf32> -> vector<2048x1xf32>
    %convert_element_type3A = arith.fptosi %concatenate3A : vector<2048x1xf32> to vector<2048x1xi32>
    %get3A_361 = arith.constant 0 : index
    %get3A_362 = arith.constant 0 : index
    %get3A_363 = arith.constant 0 : index
    %get3A_364 = vector.load %arg3[%get3A_361, %get3A_362, %get3A_363] : memref<1x2048x1xi32, #tpu.memory_space<vmem>>, vector<1x2048x1xi32>
    %get3A_365 = vector.shape_cast %get3A_364 : vector<1x2048x1xi32> to vector<2048x1xi32>
    %jit3A_366 = arith.constant 1000 : i32
    %div3A = vector.broadcast %jit3A_366 : i32 to vector<2048x1xi32>
    %div3A_367 = arith.divsi %get3A_365, %div3A : vector<2048x1xi32>
    %sign3A = arith.constant 0 : i32
    %sign3A_368 = vector.broadcast %sign3A : i32 to vector<2048x1xi32>
    %sign3A_369 = arith.cmpi sgt, %get3A_365, %sign3A_368 : vector<2048x1xi32>
    %sign3A_370 = arith.extui %sign3A_369 : vector<2048x1xi1> to vector<2048x1xi32>
    %sign3A_371 = arith.constant 0 : i32
    %sign3A_372 = vector.broadcast %sign3A_371 : i32 to vector<2048x1xi32>
    %sign3A_373 = arith.cmpi slt, %get3A_365, %sign3A_372 : vector<2048x1xi32>
    %sign3A_374 = arith.extui %sign3A_373 : vector<2048x1xi1> to vector<2048x1xi32>
    %sign3A_375 = arith.subi %sign3A_370, %sign3A_374 : vector<2048x1xi32>
    %sign3A_376 = arith.constant 0 : i32
    %sign3A_377 = arith.cmpi sgt, %jit3A_366, %sign3A_376 : i32
    %sign3A_378 = arith.extui %sign3A_377 : i1 to i32
    %sign3A_379 = arith.constant 0 : i32
    %sign3A_380 = arith.cmpi slt, %jit3A_366, %sign3A_379 : i32
    %sign3A_381 = arith.extui %sign3A_380 : i1 to i32
    %sign3A_382 = arith.subi %sign3A_378, %sign3A_381 : i32
    %ne3A = vector.broadcast %sign3A_382 : i32 to vector<2048x1xi32>
    %ne3A_383 = arith.cmpi ne, %sign3A_375, %ne3A : vector<2048x1xi32>
    %rem3A = vector.broadcast %jit3A_366 : i32 to vector<2048x1xi32>
    %rem3A_384 = arith.remsi %get3A_365, %rem3A : vector<2048x1xi32>
    %ne3A_385 = arith.constant 0 : i32
    %ne3A_386 = vector.broadcast %ne3A_385 : i32 to vector<2048x1xi32>
    %ne3A_387 = arith.cmpi ne, %rem3A_384, %ne3A_386 : vector<2048x1xi32>
    %and3A_388 = arith.andi %ne3A_383, %ne3A_387 : vector<2048x1xi1>
    %sub3A = arith.constant 1 : i32
    %sub3A_389 = vector.broadcast %sub3A : i32 to vector<2048x1xi32>
    %sub3A_390 = arith.subi %div3A_367, %sub3A_389 : vector<2048x1xi32>
    %select_n3A_391 = arith.select %and3A_388, %sub3A_390, %div3A_367 : vector<2048x1xi1>, vector<2048x1xi32>
    %mul3A = arith.constant 1000 : i32
    %mul3A_392 = vector.broadcast %mul3A : i32 to vector<2048x1xi32>
    %mul3A_393 = arith.muli %select_n3A_391, %mul3A_392 : vector<2048x1xi32>
    %sub3A_394 = arith.subi %get3A_365, %mul3A_393 : vector<2048x1xi32>
    %get3A_395 = arith.constant 0 : index
    %get3A_396 = arith.constant 0 : index
    %get3A_397 = arith.constant 0 : index
    %get3A_398 = vector.load %arg4[%get3A_395, %get3A_396, %get3A_397] : memref<1x1x1000xf32, #tpu.memory_space<vmem>>, vector<1x1x1000xf32>
    %get3A_399 = vector.shape_cast %get3A_398 : vector<1x1x1000xf32> to vector<1x1000xf32>
    %get3A_400 = arith.constant 0 : index
    %get3A_401 = arith.constant 0 : index
    %get3A_402 = arith.constant 0 : index
    %get3A_403 = vector.load %arg5[%get3A_400, %get3A_401, %get3A_402] : memref<1x1x1000xf32, #tpu.memory_space<vmem>>, vector<1x1x1000xf32>
    %get3A_404 = vector.shape_cast %get3A_403 : vector<1x1x1000xf32> to vector<1x1000xf32>
    %mul3A_405 = arith.constant 5.000000e-01 : f32
    %mul3A_406 = vector.broadcast %mul3A_405 : f32 to vector<1x1000xf32>
    %mul3A_407 = arith.mulf %mul3A_406, %get3A_404 : vector<1x1000xf32>
    %sub3A_408 = arith.subf %get3A_399, %mul3A_407 : vector<1x1000xf32>
    %mul3A_409 = arith.constant 5.000000e-01 : f32
    %mul3A_410 = vector.broadcast %mul3A_409 : f32 to vector<1x1000xf32>
    %mul3A_411 = arith.mulf %mul3A_410, %get3A_404 : vector<1x1000xf32>
    %add3A_412 = arith.addf %get3A_399, %mul3A_411 : vector<1x1000xf32>
    %reshape3A = vector.shape_cast %sub3A_408 : vector<1x1000xf32> to vector<1x1x1000xf32>
    %swap3A = arith.constant 0 : index
    %swap3A_413 = arith.constant 0 : index
    %swap3A_414 = arith.constant 0 : index
    %swap3A_415 = vector.load %arg13[%swap3A, %swap3A_413, %swap3A_414] : memref<1x1x1000xf32, #tpu.memory_space<vmem>>, vector<1x1x1000xf32>
    tpu.vector_store %arg13[%swap3A, %swap3A_413, %swap3A_414], %reshape3A {strides = array<i32>} : memref<1x1x1000xf32, #tpu.memory_space<vmem>>, vector<1x1x1000xf32>,
    %reshape3A_416 = vector.shape_cast %add3A_412 : vector<1x1000xf32> to vector<1x1x1000xf32>
    %swap3A_417 = arith.constant 0 : index
    %swap3A_418 = arith.constant 0 : index
    %swap3A_419 = arith.constant 0 : index
    %swap3A_420 = vector.load %arg14[%swap3A_417, %swap3A_418, %swap3A_419] : memref<1x1x1000xf32, #tpu.memory_space<vmem>>, vector<1x1x1000xf32>
    tpu.vector_store %arg14[%swap3A_417, %swap3A_418, %swap3A_419], %reshape3A_416 {strides = array<i32>} : memref<1x1x1000xf32, #tpu.memory_space<vmem>>, vector<1x1x1000xf32>,
    %jit3A_421 = arith.constant 0.000000e+00 : f32
    %jit3A_422 = arith.constant 1.000000e+00 : f32
    %max3A = vector.broadcast %jit3A_421 : f32 to vector<1x1000xf32>
    %max3A_423 = arith.maximumf %max3A, %sub3A_408 : vector<1x1000xf32>
    %min3A = vector.broadcast %jit3A_422 : f32 to vector<1x1000xf32>
    %min3A_424 = arith.minimumf %min3A, %max3A_423 : vector<1x1000xf32>
    %jit3A_425 = arith.constant 0.000000e+00 : f32
    %jit3A_426 = arith.constant 1.000000e+00 : f32
    %max3A_427 = vector.broadcast %jit3A_425 : f32 to vector<1x1000xf32>
    %max3A_428 = arith.maximumf %max3A_427, %add3A_412 : vector<1x1000xf32>
    %min3A_429 = vector.broadcast %jit3A_426 : f32 to vector<1x1000xf32>
    %min3A_430 = arith.minimumf %min3A_429, %max3A_428 : vector<1x1000xf32>
    %iota3A_431 = tpu.iota {dimensions = array<i32: 1>} : vector<2048x1000xi32>
    %eq3A_432 = vector.broadcast %select_n3A_391 : vector<2048x1xi32> to vector<2048x1000xi32>
    %eq3A_433 = arith.cmpi eq, %eq3A_432, %iota3A_431 : vector<2048x1000xi32>
    %jit3A_434 = arith.constant 1.000000e+00 : f32
    %jit3A_435 = arith.constant 0.000000e+00 : f32
    %broadcast_in_dim3A_436 = vector.broadcast %jit3A_434 : f32 to vector<2048x1000xf32>
    %broadcast_in_dim3A_437 = vector.broadcast %jit3A_435 : f32 to vector<2048x1000xf32>
    %select_n3A_438 = arith.select %eq3A_433, %broadcast_in_dim3A_436, %broadcast_in_dim3A_437 : vector<2048x1000xi1>, vector<2048x1000xf32>
    %dot_general3A = arith.constant dense<0.000000e+00> : vector<2048x1xf32>
    %dot_general3A_439 = tpu.matmul %select_n3A_438, %min3A_424, %dot_general3A {dimension_numbers = #tpu.dot_dimension_numbers<[1], [1], [0], [0], [0, 0, 1, 0], [], []>, precision = #tpu.contract_precision<fp32>, transpose_lhs_hint = false} : vector<2048x1000xf32>, vector<1x1000xf32>, vector<2048x1xf32> -> vector<2048x1xf32>
    %dot_general3A_440 = arith.constant dense<0.000000e+00> : vector<2048x1xf32>
    %dot_general3A_441 = tpu.matmul %select_n3A_438, %min3A_430, %dot_general3A_440 {dimension_numbers = #tpu.dot_dimension_numbers<[1], [1], [0], [0], [0, 0, 1, 0], [], []>, precision = #tpu.contract_precision<fp32>, transpose_lhs_hint = false} : vector<2048x1000xf32>, vector<1x1000xf32>, vector<2048x1xf32> -> vector<2048x1xf32>
    %convert_element_type3A_442 = arith.sitofp %get3A_365 : vector<2048x1xi32> to vector<2048x1xf32>
    %convert_element_type3A_443 = arith.sitofp %sub3A_394 : vector<2048x1xi32> to vector<2048x1xf32>
    %convert_element_type3A_444 = arith.sitofp %select_n3A_391 : vector<2048x1xi32> to vector<2048x1xf32>
    %concatenate3A_445 = tpu.concatenate %logistic3A_19, %convert_element_type3A_442, %convert_element_type3A_443, %convert_element_type3A_444, %dot_general3A_439, %dot_general3A_441 in 1 : vector<2048x1xf32>, vector<2048x1xf32>, vector<2048x1xf32>, vector<2048x1xf32>, vector<2048x1xf32>, vector<2048x1xf32> -> vector<2048x6xf32>
    %iota3A_446 = tpu.iota {dimensions = array<i32: 1>} : vector<2048x1000xi32>
    %eq3A_447 = vector.broadcast %convert_element_type3A : vector<2048x1xi32> to vector<2048x1000xi32>
    %eq3A_448 = arith.cmpi eq, %eq3A_447, %iota3A_446 : vector<2048x1000xi32>
    %jit3A_449 = arith.constant 1.000000e+00 : f32
    %jit3A_450 = arith.constant 0.000000e+00 : f32
    %broadcast_in_dim3A_451 = vector.broadcast %jit3A_449 : f32 to vector<2048x1000xf32>
    %broadcast_in_dim3A_452 = vector.broadcast %jit3A_450 : f32 to vector<2048x1000xf32>
    %select_n3A_453 = arith.select %eq3A_448, %broadcast_in_dim3A_451, %broadcast_in_dim3A_452 : vector<2048x1000xi1>, vector<2048x1000xf32>
    %dot_general3A_454 = arith.constant dense<0.000000e+00> : vector<6x1000xf32>
    %dot_general3A_455 = tpu.matmul %concatenate3A_445, %select_n3A_453, %dot_general3A_454 {dimension_numbers = #tpu.dot_dimension_numbers<[0], [0], [1], [1], [0, 1, 1, 1], [], []>, precision = #tpu.contract_precision<fp32>, transpose_lhs_hint = false} : vector<2048x6xf32>, vector<2048x1000xf32>, vector<6x1000xf32> -> vector<6x1000xf32>
    %get3A_456 = arith.constant 0 : index
    %get3A_457 = arith.constant 0 : index
    %get3A_458 = arith.constant 0 : index
    %get3A_459 = vector.load %arg6[%get3A_456, %get3A_457, %get3A_458] : memref<1x1x1xf32, #tpu.memory_space<vmem>>, vector<1x1x1xf32>
    %get3A_460 = vector.extract %get3A_459[0, 0, 0] : f32 from vector<1x1x1xf32>
    %slice3A_461 = vector.extract_strided_slice %dot_general3A_455 {offsets = [0, 0], sizes = [1, 1000], strides = [1, 1]} : vector<6x1000xf32> to vector<1x1000xf32>
    %reshape3A_462 = vector.shape_cast %slice3A_461 : vector<1x1000xf32> to vector<1x1x1000xf32>
    %swap3A_463 = arith.constant 0 : index
    %swap3A_464 = arith.constant 0 : index
    %swap3A_465 = arith.constant 0 : index
    %swap3A_466 = vector.load %arg7[%swap3A_463, %swap3A_464, %swap3A_465] : memref<1x1x1000xf32, #tpu.memory_space<vmem>>, vector<1x1x1000xf32>
    tpu.vector_store %arg7[%swap3A_463, %swap3A_464, %swap3A_465], %reshape3A_462 {strides = array<i32>} : memref<1x1x1000xf32, #tpu.memory_space<vmem>>, vector<1x1x1000xf32>,
    %slice3A_467 = vector.extract_strided_slice %dot_general3A_455 {offsets = [1, 0], sizes = [1, 1000], strides = [1, 1]} : vector<6x1000xf32> to vector<1x1000xf32>
    %convert_element_type3A_468 = arith.fptosi %slice3A_467 : vector<1x1000xf32> to vector<1x1000xi32>
    %reshape3A_469 = vector.shape_cast %convert_element_type3A_468 : vector<1x1000xi32> to vector<1x1x1000xi32>
    %swap3A_470 = arith.constant 0 : index
    %swap3A_471 = arith.constant 0 : index
    %swap3A_472 = arith.constant 0 : index
    %swap3A_473 = vector.load %arg10[%swap3A_470, %swap3A_471, %swap3A_472] : memref<1x1x1000xi32, #tpu.memory_space<vmem>>, vector<1x1x1000xi32>
    tpu.vector_store %arg10[%swap3A_470, %swap3A_471, %swap3A_472], %reshape3A_469 {strides = array<i32>} : memref<1x1x1000xi32, #tpu.memory_space<vmem>>, vector<1x1x1000xi32>,
    %slice3A_474 = vector.extract_strided_slice %dot_general3A_455 {offsets = [2, 0], sizes = [1, 1000], strides = [1, 1]} : vector<6x1000xf32> to vector<1x1000xf32>
    %convert_element_type3A_475 = arith.fptosi %slice3A_474 : vector<1x1000xf32> to vector<1x1000xi32>
    %reshape3A_476 = vector.shape_cast %convert_element_type3A_475 : vector<1x1000xi32> to vector<1x1x1000xi32>
    %swap3A_477 = arith.constant 0 : index
    %swap3A_478 = arith.constant 0 : index
    %swap3A_479 = arith.constant 0 : index
    %swap3A_480 = vector.load %arg8[%swap3A_477, %swap3A_478, %swap3A_479] : memref<1x1x1000xi32, #tpu.memory_space<vmem>>, vector<1x1x1000xi32>
    tpu.vector_store %arg8[%swap3A_477, %swap3A_478, %swap3A_479], %reshape3A_476 {strides = array<i32>} : memref<1x1x1000xi32, #tpu.memory_space<vmem>>, vector<1x1x1000xi32>,
    %slice3A_481 = vector.extract_strided_slice %dot_general3A_455 {offsets = [3, 0], sizes = [1, 1000], strides = [1, 1]} : vector<6x1000xf32> to vector<1x1000xf32>
    %convert_element_type3A_482 = arith.fptosi %slice3A_481 : vector<1x1000xf32> to vector<1x1000xi32>
    %reshape3A_483 = vector.shape_cast %convert_element_type3A_482 : vector<1x1000xi32> to vector<1x1x1000xi32>
    %swap3A_484 = arith.constant 0 : index
    %swap3A_485 = arith.constant 0 : index
    %swap3A_486 = arith.constant 0 : index
    %swap3A_487 = vector.load %arg9[%swap3A_484, %swap3A_485, %swap3A_486] : memref<1x1x1000xi32, #tpu.memory_space<vmem>>, vector<1x1x1000xi32>
    tpu.vector_store %arg9[%swap3A_484, %swap3A_485, %swap3A_486], %reshape3A_483 {strides = array<i32>} : memref<1x1x1000xi32, #tpu.memory_space<vmem>>, vector<1x1x1000xi32>,
    %slice3A_488 = vector.extract_strided_slice %dot_general3A_455 {offsets = [4, 0], sizes = [1, 1000], strides = [1, 1]} : vector<6x1000xf32> to vector<1x1000xf32>
    %mul3A_489 = vector.broadcast %get3A_460 : f32 to vector<1x1000xf32>
    %mul3A_490 = arith.mulf %slice3A_488, %mul3A_489 : vector<1x1000xf32>
    %reshape3A_491 = vector.shape_cast %mul3A_490 : vector<1x1000xf32> to vector<1x1x1000xf32>
    %swap3A_492 = arith.constant 0 : index
    %swap3A_493 = arith.constant 0 : index
    %swap3A_494 = arith.constant 0 : index
    %swap3A_495 = vector.load %arg11[%swap3A_492, %swap3A_493, %swap3A_494] : memref<1x1x1000xf32, #tpu.memory_space<vmem>>, vector<1x1x1000xf32>
    tpu.vector_store %arg11[%swap3A_492, %swap3A_493, %swap3A_494], %reshape3A_491 {strides = array<i32>} : memref<1x1x1000xf32, #tpu.memory_space<vmem>>, vector<1x1x1000xf32>,
    %slice3A_496 = vector.extract_strided_slice %dot_general3A_455 {offsets = [5, 0], sizes = [1, 1000], strides = [1, 1]} : vector<6x1000xf32> to vector<1x1000xf32>
    %mul3A_497 = vector.broadcast %get3A_460 : f32 to vector<1x1000xf32>
    %mul3A_498 = arith.mulf %slice3A_496, %mul3A_497 : vector<1x1000xf32>
    %reshape3A_499 = vector.shape_cast %mul3A_498 : vector<1x1000xf32> to vector<1x1x1000xf32>
    %swap3A_500 = arith.constant 0 : index
    %swap3A_501 = arith.constant 0 : index
    %swap3A_502 = arith.constant 0 : index
    %swap3A_503 = vector.load %arg12[%swap3A_500, %swap3A_501, %swap3A_502] : memref<1x1x1000xf32, #tpu.memory_space<vmem>>, vector<1x1x1000xf32>
    tpu.vector_store %arg12[%swap3A_500, %swap3A_501, %swap3A_502], %reshape3A_499 {strides = array<i32>} : memref<1x1x1000xf32, #tpu.memory_space<vmem>>, vector<1x1x1000xf32>,
    return
  }
  func.func @transform_0(%arg0: i32) -> (i32, i32, i32) {
    %c0_i32 = arith.constant 0 : i32
    %c0_i32_0 = arith.constant 0 : i32
    %c0_i32_1 = arith.constant 0 : i32
    return %arg0, %c0_i32, %c0_i32_0 : i32, i32, i32
  }
  func.func @transform_1(%arg0: i32) -> (i32, i32, i32) {
    %c0_i32 = arith.constant 0 : i32
    %c0_i32_0 = arith.constant 0 : i32
    %c0_i32_1 = arith.constant 0 : i32
    return %arg0, %c0_i32, %c0_i32_0 : i32, i32, i32
  }
  func.func @transform_2(%arg0: i32) -> (i32, i32, i32) {
    %c0_i32 = arith.constant 0 : i32
    %c0_i32_0 = arith.constant 0 : i32
    %c0_i32_1 = arith.constant 0 : i32
    return %arg0, %c0_i32, %c0_i32_0 : i32, i32, i32
  }
  func.func @transform_3(%arg0: i32) -> (i32, i32, i32) {
    %c0_i32 = arith.constant 0 : i32
    %c0_i32_0 = arith.constant 0 : i32
    %c0_i32_1 = arith.constant 0 : i32
    return %arg0, %c0_i32, %c0_i32_0 : i32, i32, i32
  }
  func.func @transform_4(%arg0: i32) -> (i32, i32, i32) {
    %c0_i32 = arith.constant 0 : i32
    %c0_i32_0 = arith.constant 0 : i32
    %c0_i32_1 = arith.constant 0 : i32
    return %arg0, %c0_i32, %c0_i32_0 : i32, i32, i32
  }
  func.func @transform_5(%arg0: i32) -> (i32, i32, i32) {
    %c0_i32 = arith.constant 0 : i32
    %c0_i32_0 = arith.constant 0 : i32
    %c0_i32_1 = arith.constant 0 : i32
    return %arg0, %c0_i32, %c0_i32_0 : i32, i32, i32
  }
  func.func @transform_6(%arg0: i32) -> (i32, i32, i32) {
    %c0_i32 = arith.constant 0 : i32
    %c0_i32_0 = arith.constant 0 : i32
    %c0_i32_1 = arith.constant 0 : i32
    return %arg0, %c0_i32, %c0_i32_0 : i32, i32, i32
  }
  func.func @transform_7(%arg0: i32) -> (i32, i32, i32) {
    %c0_i32 = arith.constant 0 : i32
    %c0_i32_0 = arith.constant 0 : i32
    %c0_i32_1 = arith.constant 0 : i32
    return %arg0, %c0_i32, %c0_i32_0 : i32, i32, i32
  }
  func.func @transform_8(%arg0: i32) -> (i32, i32, i32) {
    %c0_i32 = arith.constant 0 : i32
    %c0_i32_0 = arith.constant 0 : i32
    %c0_i32_1 = arith.constant 0 : i32
    return %arg0, %c0_i32, %c0_i32_0 : i32, i32, i32
  }
  func.func @transform_9(%arg0: i32) -> (i32, i32, i32) {
    %c0_i32 = arith.constant 0 : i32
    %c0_i32_0 = arith.constant 0 : i32
    %c0_i32_1 = arith.constant 0 : i32
    return %arg0, %c0_i32, %c0_i32_0 : i32, i32, i32
  }
  func.func @transform_10(%arg0: i32) -> (i32, i32, i32) {
    %c0_i32 = arith.constant 0 : i32
    %c0_i32_0 = arith.constant 0 : i32
    %c0_i32_1 = arith.constant 0 : i32
    return %arg0, %c0_i32, %c0_i32_0 : i32, i32, i32
  }
  func.func @transform_11(%arg0: i32) -> (i32, i32, i32) {
    %c0_i32 = arith.constant 0 : i32
    %c0_i32_0 = arith.constant 0 : i32
    %c0_i32_1 = arith.constant 0 : i32
    return %arg0, %c0_i32, %c0_i32_0 : i32, i32, i32
  }
  func.func @transform_12(%arg0: i32) -> (i32, i32, i32) {
    %c0_i32 = arith.constant 0 : i32
    %c0_i32_0 = arith.constant 0 : i32
    %c0_i32_1 = arith.constant 0 : i32
    return %arg0, %c0_i32, %c0_i32_0 : i32, i32, i32
  }
  func.func @transform_13(%arg0: i32) -> (i32, i32, i32) {
    %c0_i32 = arith.constant 0 : i32
    %c0_i32_0 = arith.constant 0 : i32
    %c0_i32_1 = arith.constant 0 : i32
    return %arg0, %c0_i32, %c0_i32_0 : i32, i32, i32
  }
}

</mosaic_0001>

<sc_bundles>
// kernel: kernel.5.cloned.1.call-start
scs
__scs_entry_jumppad:
0x0: {  	(pc) =	sbr.rel $0x88, $3  }
0x1: {  	(tag) =	ssettag $0x0;
	lr =	simm.s32 $0x1  }
0x2: {  	[smem:$0x3F9D] =	sst lr;
	_ =	strace $0xD0000000  }
0x3: {  	_ = 	snop  }
0x4: {  	_ = 	snop  }
0x5: {  	_ = 	snop  }
0x6: {  	_ = 	snop  }
0x7: {  	_ = 	snop  }
__scs_overlays_trampoline_lowered:
0x8: {  	[smem:$0x3FAC] =	sst s0  }
0x9: {  	[smem:$0x3FAD] =	sst s1  }
0xa: {  	[smem:$0x3FAE] =	sst s2  }
0xb: {  	[smem:$0x3FAF] =	sst s3  }
0xc: {  	[smem:$0x3FB0] =	sst s4  }
0xd: {  	[smem:$0x3FB1] =	sst s5  }
0xe: {  	[smem:$0x3FB2] =	sst s6  }
0xf: {  	[smem:$0x3FB3] =	sst s7  }
0x10: {  	[smem:$0x3FB4] =	sst s8  }
0x11: {  	[smem:$0x3FB5] =	sst s9;
	s0 =	simm.s32 @!p0 $0x0  }
0x12: {  	s1 =	sld [smem:$0x3F9B];
	s0 =	simm.s32 @p0 $0x1  }
0x13: {  	[smem:$0x3FB6] =	sst s0;
	s0 =	simm.s32 @!p1 $0x0  }
0x14: {  	s2 =	sld [smem:$0x3F9A];
	s0 =	simm.s32 @p1 $0x1  }
0x15: {  	[smem:$0x3FB7] =	sst s0;
	s0 =	simm.s32 @!p2 $0x0  }
0x16: {  	s3 =	sld [smem:$0x3FDB];
	s0 =	simm.s32 @p2 $0x1  }
0x17: {  	s4 =	simm.s32 $0x1BF5;
	[smem:$0x3FB9] =	sst s0  }
0x18: {  	s0 =	sld [smem:$0x3F9C];
	_ =	swait.ge [sflag:s4], $0x0  }
0x19: {  	s7 =	sld [smem:$0x3F9D]  }
0x1a: {  	s8 =	sadd.s32 $0xFFFFE003, lr  }
0x1b: {  	s9 =	sadd.s32 $0xFFFFFEF7, lr;
	s5 =	simm.s32 $0xFFFFFFFF;
	p2 =	slt.u32 s8, $0xFFFFF086  }
0x1c: {  	p1 =	slt.u32 s9, $0xF7A;
	s5 =	simm.s32 @!p2 $0x0  }
0x1d: {  	s5 =	simm.s32 @p1 $0x1;
	p0 =	seq.s32 s7, s2  }
0x1e: {  	s7 =	smul.u32 @!p0 $0xF7A, s2;
	p2 =	seq.s32 @!p0 s5, $0x0  }
0x1f: {  	s9 =	smul.u32 $0xF7A, s1;
	s8 =	simm.s32 @!p0 $0x1BF5;
	p2 =	por !p2, p0  }
0x20: {  	[sflag:s8] =	ssyncset.s32 @!p0 $0xFFFFF086;
	s6 =	sadd.s32 @!p0 s3, s7;
	s7 =	simm.s32 @!p0 $0x108  }
0x21: {  	s3 =	sadd.s32 s3, s9;
	s6 =	sadd.s32 @!p0 $0x88, s6;
	s7 =	simm.s32 @p2 $0x1082  }
0x22: {  	[simem:s7], [sflag:s8] =	dma.local @!p0 [hbm:s6], $0xF7A  }
0x23: {  	s9 =	sor.u32 $0xD0000000, s2;
	s6 =	simm.s32 $0x108;
	_ =	swait.ge @!p0 [sflag:s8], $0x0  }
0x24: {  	s3 =	sadd.s32 $0x88, s3;
	s6 =	simm.s32 @!p1 $0x1082;
	[sflag:s4] =	ssyncset.s32 $0xFFFFF086  }
0x25: {  	[simem:s6], [sflag:s4] =	dma.local [hbm:s3], $0xF7A  }
0x26: {  	[smem:$0x3F9D] =	sst s1;
	(tag) =	ssettag s2;
	_ =	strace s9  }
0x27: {  	s1 =	sld [smem:$0x3FAD]  }
0x28: {  	s2 =	sld [smem:$0x3FAE]  }
0x29: {  	s4 =	sld [smem:$0x3FB0]  }
0x2a: {  	p0 =	seq.s32 s5, $0x0;
	s5 =	sld [smem:$0x3FB1]  }
0x2b: {  	s6 =	sld [smem:$0x3FB2]  }
0x2c: {  	s7 =	sld [smem:$0x3FB3]  }
0x2d: {  	s3 =	simm.s32 $0x108;
	s8 =	sld [smem:$0x3FB4]  }
0x2e: {  	s3 =	simm.s32 @!p0 $0x1082;
	s9 =	sld [smem:$0x3FB5]  }
0x2f: {  	lr =	sadd.s32 s0, s3;
	s0 =	sld [smem:$0x3FAC]  }
0x30: {  	s3 =	sld [smem:$0x3FAF]  }
0x31: {  	[smem:$0x3FB8] =	sst s10  }
0x32: {  	s10 =	sld [smem:$0x3FB6];
	_ =	sdelay $0x3  }
0x33: {  	p0 =	seq.s32 s10, $0x1;
	s10 =	sld [smem:$0x3FB8];
	_ =	sdelay $0x3  }
0x34: {  	[smem:$0x3FB8] =	sst s10  }
0x35: {  	s10 =	sld [smem:$0x3FB7];
	_ =	sdelay $0x3  }
0x36: {  	p1 =	seq.s32 s10, $0x1;
	s10 =	sld [smem:$0x3FB8];
	_ =	sdelay $0x3  }
0x37: {  	[smem:$0x3FB8] =	sst s10  }
0x38: {  	s10 =	sld [smem:$0x3FB9]  }
0x39: {  	_ = 	snop;
	(pc) =	sbr.ind lr, $3  }
0x3a: {  	_ = 	snop  }
0x3b: {  	_ = 	snop  }
0x3c: {  	p2 =	seq.s32 s10, $0x1;
	s10 =	sld [smem:$0x3FB8]  }
0x3d: {  	_ =	shalt  }
0x3e: {  	_ =	shalt  }
0x3f: {  	_ =	shalt  }
0x40: {  	_ =	shalt  }
0x41: {  	_ =	shalt  }
0x42: {  	_ =	shalt  }
0x43: {  	_ =	shalt  }
0x44: {  	_ =	shalt  }
0x45: {  	_ =	shalt  }
0x46: {  	_ =	shalt  }
0x47: {  	_ =	shalt  }
0x48: {  	_ =	shalt  }
0x49: {  	_ =	shalt  }
0x4a: {  	_ =	shalt  }
0x4b: {  	_ =	shalt  }
0x4c: {  	_ =	shalt  }
0x4d: {  	_ =	shalt  }
0x4e: {  	_ =	shalt  }
0x4f: {  	_ =	shalt  }
0x50: {  	_ =	shalt  }
0x51: {  	_ =	shalt  }
0x52: {  	_ =	shalt  }
0x53: {  	_ =	shalt  }
0x54: {  	_ =	shalt  }
0x55: {  	_ =	shalt  }
0x56: {  	_ =	shalt  }
0x57: {  	_ =	shalt  }
0x58: {  	_ =	shalt  }
0x59: {  	_ =	shalt  }
0x5a: {  	_ =	shalt  }
0x5b: {  	_ =	shalt  }
0x5c: {  	_ =	shalt  }
0x5d: {  	_ =	shalt  }
0x5e: {  	_ =	shalt  }
0x5f: {  	_ =	shalt  }
0x60: {  	_ =	shalt  }
0x61: {  	_ =	shalt  }
0x62: {  	_ =	shalt  }
0x63: {  	_ =	shalt  }
0x64: {  	_ =	shalt  }
0x65: {  	_ =	shalt  }
0x66: {  	_ =	shalt  }
0x67: {  	_ =	shalt  }
0x68: {  	_ =	shalt  }
0x69: {  	_ =	shalt  }
0x6a: {  	_ =	shalt  }
0x6b: {  	_ =	shalt  }
0x6c: {  	_ =	shalt  }
0x6d: {  	_ =	shalt  }
0x6e: {  	_ =	shalt  }
0x6f: {  	_ =	shalt  }
0x70: {  	_ =	shalt  }
0x71: {  	_ =	shalt  }
0x72: {  	_ =	shalt  }
0x73: {  	_ =	shalt  }
0x74: {  	_ =	shalt  }
0x75: {  	_ =	shalt  }
0x76: {  	_ =	shalt  }
0x77: {  	_ =	shalt  }
0x78: {  	_ =	shalt  }
0x79: {  	_ =	shalt  }
0x7a: {  	_ =	shalt  }
0x7b: {  	_ =	shalt  }
0x7c: {  	_ =	shalt  }
0x7d: {  	_ =	shalt  }
0x7e: {  	_ =	shalt  }
0x7f: {  	_ =	shalt  }
0x80: {  	_ =	shalt  }
0x81: {  	_ =	shalt  }
0x82: {  	_ =	shalt  }
0x83: {  	_ =	shalt  }
0x84: {  	_ =	shalt  }
0x85: {  	_ =	shalt  }
0x86: {  	_ =	shalt  }
0x87: {  	_ =	shalt  }
.Lfunc_end0:
.L_simem_size_0:
called_computation_lowered:
.L_overlay_start_0:
0x88: {  	s2 =	sld [smem:$0x3FD9]  }
0x89: {  	s3 =	sld [smem:$0x3FFE];
	_ =	sdelay $0x1  }
0x8a: {  	s1 =	srdreg.scid  }
0x8b: {  	s0 =	sand.u32 $0x1, s1  }
0x8c: {  	s14 =	sshll.u32 s0, $0xA;
	s2 =	sadd.s32 s3, s2  }
0x8d: {  	s2 =	sadd.s32 s2, s14  }
0x8e: {  	[smem:$0x3FC4] =	sst s2  }
0x8f: {  	_ = 	snop  }
0x90: {  	s2 =	sld [smem:$0x3FD0];
	_ =	sdelay $0x2  }
0x91: {  	s15 =	simm.s32 $0xA;
	s4 =	simm.s32 $0x10  }
0x92: {  	[smem:s4], [sflag:s15] =	dma.local [hbm:s2], $0x1  }
0x93: {  	_ =	swait.eq [sflag:s15], $0x1  }
0x94: {  	[sflag:s15] =	ssyncset.done $0x0  }
0x95: {  	s16 =	sld [smem:$0x12];
	[sflag:s15] =	ssyncadd.s32 $0xFFFFFFFF  }
0x96: {  	s17 =	sld [smem:$0x13];
	(tm) =	ssettm $0x1  }
0x97: {  	s18 =	sld [smem:$0x3FFB];
	_ =	sdelay $0x3  }
0x98: {  	_ =	strace s18  }
0x99: {  	s4 =	sld [smem:$0x3FFC];
	_ =	sdelay $0x3  }
0x9a: {  	_ =	strace s4  }
0x9b: {  	s4 =	sld [smem:$0x3FFD];
	_ =	sdelay $0x3  }
0x9c: {  	_ =	strace s4  }
0x9d: {  	_ =	strace $0x8FFFFFFF  }
0x9e: {  	s19 =	sld [smem:$0x3FDB];
	_ =	sdelay $0x1  }
0x9f: {  	s5 =	simm.s32 $_scs_section_size  }
0xa0: {  	s6 =	simm.s32 $_size__tile_overlayer_lowered;
	s7 =	simm.s32 $_tile_overlayer_lowered  }
0xa1: {  	s22 =	simm.s32 $0x1BFF;
	s21 =	sshll.u32 s7, $0x1;
	s4 =	sadd.s32 s5, s19  }
0xa2: {  	s8 =	simm.s32 $0x0;
	s20 =	sshll.u32 s6, $0x1;
	s6 =	sadd.s32 s21, s4  }
0xa3: {  	[timem:s8], [sflag:s22] =	dma.local [hbm:s6], s20  }
0xa4: {  	_ =	swait.ge [sflag:s22], s20  }
0xa5: {  	s5 =	ssub.s32 $0x0, s20;
	[sflag:s22] =	ssyncset.done $0x0  }
0xa6: {  	[sflag:s22] =	ssyncadd.s32 s5;
	_ =	sdelay $0x1  }
0xa7: {  	s23 =	simm.s32 $0x1B8B  }
0xa8: {  	_ =	swait.ge [sflag:s23], $0x1  }
0xa9: {  	[sflag:s23] =	ssyncset.done $0x0  }
0xaa: {  	s25 =	simm.s32 $0x1B8E;
	s24 =	sld [smem:$0x3FFE];
	[sflag:s23] =	ssyncadd.s32 $0xFFFFFFFF  }
0xab: {  	s26 =	simm.s32 $execute0_lowered;
	[smem:$0x3FD2] =	sst s25  }
0xac: {  	s6 =	sshll.u32 s26, $0x1;
	_ =	strace $0x80000046;
	[dreg:$0x1] =	wrdreg $0xFFFFFFFF  }
0xad: {  	s28 =	simm.s32 $_size_execute0_lowered;
	s4 =	sadd.s32 s4, s6;
	[dreg:$0x0] =	wrdreg $0x0  }
0xae: {  	s6 =	sshll.u32 s28, $0x1;
	[dreg:$0x2] =	wrdreg s4  }
0xaf: {  	[dreg:$0x3] =	wrdreg s6  }
0xb0: {  	[dreg:$0x4] =	wrdreg $0xC0  }
0xb1: {  	_ =	task [dreg:s8], $0x5FFFF  }
0xb2: {  	[dreg:$0x1] =	wrdreg $0xFFFFFFFF  }
0xb3: {  	[dreg:$0x0] =	wrdreg $0x60  }
0xb4: {  	[dreg:$0x2] =	wrdreg s24  }
0xb5: {  	[dreg:$0x3] =	wrdreg s17  }
0xb6: {  	[dreg:$0x4] =	wrdreg s16  }
0xb7: {  	[dreg:$0x5] =	wrdreg $0x9  }
0xb8: {  	_ =	task.clear_ibuf [dreg:s8], $0x6FFFF;
	_ =	strace $0x90000046  }
0xb9: {  	s29 =	simm.s32 $0x9;
	_ =	strace $0x80000048  }
0xba: {  	_ =	swait.ge [sflag:s29], $0x1  }
0xbb: {  	[sflag:s29] =	ssyncadd.s32 $0xFFFFFFFF  }
0xbc: {  	_ =	strace $0x90000048  }
0xbd: {  	_ =	sfence  }
0xbe: {  	s30 =	sld [smem:$0x0];
	_ =	sdelay $0x2  }
0xbf: {  	s31 =	sshll.u32 s1, $0xD;
	s1 =	sshrl.u32 s1, $0x2  }
0xc0: {  	s3 =	sand.u32 $0x4000, s31;
	s1 =	sadd.s32 s1, s30  }
0xc1: {  	s0 =	sor.u32 s3, s0;
	s1 =	sshll.u32 s1, $0x11  }
0xc2: {  	s0 =	sor.u32 s1, s0  }
0xc3: {  	s0 =	sadd.s32 $0x8F2B, s0  }
0xc4: {  	[sflag:s0] =	ssyncadd.remote.s32 $0x1  }
0xc5: {  	_ =	sfence.sel $0xFFFF  }
0xc6: {  	[dreg:$0x0] =	wrdreg $0xFFFFFFFF;
	(pc) =	sbr.abs _section_cstart, $3  }
0xc7: {  	[dreg:$0x1] =	wrdreg $0xFFFFFFFF  }
0xc8: {  	_ =	task.clear_ibuf [dreg:s8], $0x2FFFF;
	_ =	strace $0x9FFFFFFF  }
0xc9: {  	(tm) =	ssettm $0x7FFFFFFF  }
tec
execute0_lowered:
.L_overlay_start_1:
0x0: {  	(tag) =	ssettag $0x1  }
0x1: {  	s0 =	rddreg [dreg:$0x0]  }
0x2: {  	s12 =	rddreg [dreg:$0x1]  }
0x3: {  	s13 =	rddreg [dreg:$0x2]  }
0x4: {  	s3 =	srdreg.scid;
	s1 =	stileid.u32;
	s2 =	simm.s32 $0x0  }
0x5: {  	s15 =	simm.s32 $0x1;
	s16 =	simm.s32 $0x13900;
	s17 =	simm.s32 $0x17900  }
0x6: {  	s18 =	simm.s32 $0x18100;
	s19 =	simm.s32 $0x3;
	s20 =	simm.s32 $0x2  }
0x7: {  	s21 =	simm.s32 $0x0;
	s3 =	sand.u32 $0x1, s3;
	s4 =	sshll.u32 s1, $0x1  }
0x8: {  	[smem:$0x7FF] =	sst s2;
	s5 =	ssub.s32 $0x2, s3;
	s6 =	sor.u32 s3, s4  }
0x9: {  	s7 =	sshrl.u32 s5, $0x1;
	s3 =	smul.u32 $0x1E8480, s6;
	s10 =	sshllo.u32 s6, $0x1  }
0xa: {  	_ =	strace $0x80000047;
	s30 =	ssub.s32 s5, s7;
	s5 =	smul.u32 $0xF4240, s10  }
.Ltmp0:
0xb: {  	s4 =	sadd.s32 $0x1400, s0;
	s9 =	sshll.u32 s6, $0x9;
	(pc) =	sbr.rel .LBB2_1-.Ltmp0, $4  }
0xc: {  	s8 =	sadd.s32 s12, s9;
	s9 =	sadd.s32 s13, s9;
	s14 =	sshll.u32 s10, $0x8  }
0xd: {  	s31 =	sshrl.u32 s3, $0x3;
	s7 =	sadd.s32 $0x9C40, s3;
	s12 =	sadd.s32 s12, s14  }
0xe: {  	v0 =	vimm.s32 $0x0;
	v1 =	vimm.s32 $0x1;
	v2 =	vlaneseq.u32;
	s13 =	sadd.s32 s13, s14;
	s14 =	smax.u32 s30, $0x1;
	s11 =	sshrl.u32 s5, $0x3  }
0xf: {  	v4 =	vimm.f32 $-Inf;
	v5 =	vimm.s32 $0xF4240;
	v3 =	vor.u32 $0x80000000, v2;
	s6 =	sadd.s32 s4, s31;
	s10 =	sadd.s32 s4, s11;
	s11 =	sadd.s32 $0x9C40, s5  }
.LBB2_41:
0x10: {  	s0 =	simm.s32 $0x0  }
0x11: {  	[hbm4b:s12+s0] =	stream.linear.scatter [tilespmem:s17], [sflag:$0x3], $0x800, $0x38;
	[tilespmem:$0x18900] =	vst v63  }
0x12: {  	s21 =	sadd.s32 $0x1, s21;
	_ =	swait.ge [sflag:s19], $0x800  }
0x13: {  	p0 =	sne.s32 s21, s14;
	[sflag:s19] =	ssyncset.done $0x0  }
.Ltmp1:
0x14: {  	[sflag:s19] =	ssyncadd.s32 $0xFFFFF800;
	(pc) =	sbr.rel @!p0 .LBB2_42-.Ltmp1, $4  }
0x15: {  	[hbm4b:s13+s0] =	stream.linear.scatter [tilespmem:s18], [sflag:$0x3], $0x800, $0x38;
	[tilespmem:$0x18900] =	vst v63  }
0x16: {  	_ =	swait.ge [sflag:s19], $0x800  }
0x17: {  	[sflag:s19] =	ssyncset.done $0x0  }
0x18: {  	[sflag:s19] =	ssyncadd.s32 $0xFFFFF800  }
.LBB2_1:
0x19: {  	s0 =	simm.s32 $0x40;
	s22 =	simm.s32 $0x0  }
.LBB2_2:
0x1a: {  	p0 =	sne.s32 s0, $0xFFC0;
	[tilespmem:s22+$0x13900] =	vst v0;
	s22 =	smov.u32 s0;
	s0 =	sadd.s32 $0x40, s0  }
.Ltmp2:
0x1b: {  	(pc) =	sbr.rel @p0 .LBB2_2-.Ltmp2, $2  }
0x1c: {  	_ =	sdelay $0x2  }
0x1d: {  	s22 =	sshra.s32 s22, $0x2  }
.Ltmp3:
0x1e: {  	(pc) =	sbr.rel .LBB2_4-.Ltmp3, $3  }
0x1f: {  	_ =	sdelay $0x1  }
0x20: {  	[tilespmem:s22+$0x13900] =	vst v0;
	s22 =	simm.s32 $0x0  }
0x21: {  	[tilespmem:s22], [sflag:$0x1] =	stream.linear.gather [hbm4b:s6+s22], $0x9C40, $0x38;
	[tilespmem:$0x18900] =	vst v63  }
.LBB2_9:
0x22: {  	s22 =	sadd.s32 $0x1, s22  }
0x23: {  	p0 =	sne.s32 s22, $0x19  }
.Ltmp4:
0x24: {  	_ = 	snop;
	(pc) =	sbr.rel @!p0 .LBB2_10-.Ltmp4, $1  }
0x25: {  	_ =	sdelay $0x3  }
.LBB2_4:
0x26: {  	s0 =	sand.u32 $0x1, s22  }
0x27: {  	p0 =	seq.s32 s0, $0x1  }
.Ltmp5:
0x28: {  	_ = 	snop;
	(pc) =	sbr.rel @p0 .LBB2_7-.Ltmp5, $1  }
0x29: {  	_ =	sdelay $0x3  }
0x2a: {  	s0 =	sor.u32 $0x1, s22  }
0x2b: {  	p0 =	sgt.u32 s0, $0x18  }
0x2c: {  	s0 =	smul.u32 @!p0 $0x9C40, s0;
	_ =	sdelay $0x1  }
0x2d: {  	s0 =	sadd.s32 @!p0 s3, s0  }
0x2e: {  	s0 =	sshrl.u32 @!p0 s0, $0x3  }
0x2f: {  	s23 =	simm.s32 @!p0 $0x0;
	s24 =	simm.s32 @!p0 $0x9C80;
	s0 =	sadd.s32 @!p0 s4, s0  }
0x30: {  	[tilespmem:s24], [sflag:$0x2] =	stream.linear.gather @!p0 [hbm4b:s0+s23], $0x9C40, $0x38;
	[tilespmem:$0x18900] =	vst v63  }
0x31: {  	_ =	swait.ge [sflag:s15], $0x9C40  }
0x32: {  	[sflag:s15] =	ssyncset.done $0x0  }
0x33: {  	s0 =	simm.s32 $0x0;
	[sflag:s15] =	ssyncadd.s32 $0xFFFF63C0  }
.LBB2_6:
0x34: {  	s23 =	sshra.s32 s0, $0x2  }
0x35: {  	v6 =	vld [tilespmem:s23+$0x0];
	_ =	sdelay $0x4  }
0x36: {  	v7 =	vshra.s32 v6, $0x1F  }
0x37: {  	v7 =	vor.u32 $0x80000000, v7  }
0x38: {  	v6 =	vxor.u32 v6, v7  }
0x39: {  	v6 =	vshrl.u32 v6, $0x12;
	_ =	sdelay $0x4  }
0x3a: {  	[tilespmem:v6+s16+$0x0] =	vst.idx.add.s32.msk $0xffff, v1  }
0x3b: {  	v6 =	vld [tilespmem:s23+$0x10];
	_ =	sdelay $0x4  }
0x3c: {  	v7 =	vshra.s32 v6, $0x1F  }
0x3d: {  	v7 =	vor.u32 $0x80000000, v7  }
0x3e: {  	v6 =	vxor.u32 v6, v7  }
0x3f: {  	v6 =	vshrl.u32 v6, $0x12;
	_ =	sdelay $0x4  }
0x40: {  	[tilespmem:v6+s16+$0x0] =	vst.idx.add.s32.msk $0xffff, v1  }
0x41: {  	v6 =	vld [tilespmem:s23+$0x20];
	_ =	sdelay $0x4  }
0x42: {  	v7 =	vshra.s32 v6, $0x1F  }
0x43: {  	v7 =	vor.u32 $0x80000000, v7  }
0x44: {  	v6 =	vxor.u32 v6, v7  }
0x45: {  	v6 =	vshrl.u32 v6, $0x12;
	_ =	sdelay $0x4  }
0x46: {  	[tilespmem:v6+s16+$0x0] =	vst.idx.add.s32.msk $0xffff, v1  }
0x47: {  	v6 =	vld [tilespmem:s23+$0x30];
	_ =	sdelay $0x4  }
0x48: {  	v7 =	vshra.s32 v6, $0x1F  }
0x49: {  	v7 =	vor.u32 $0x80000000, v7  }
0x4a: {  	v6 =	vxor.u32 v6, v7  }
0x4b: {  	p0 =	seq.s32 s0, $0x27000;
	v6 =	vshrl.u32 v6, $0x12  }
.Ltmp6:
0x4c: {  	_ = 	snop;
	(pc) =	sbr.rel @!p0 .LBB2_6-.Ltmp6, $2  }
0x4d: {  	_ =	sdelay $0x2  }
0x4e: {  	s0 =	sadd.s32 $0x100, s0;
	[tilespmem:v6+s16+$0x0] =	vst.idx.add.s32.msk $0xffff, v1  }
.Ltmp7:
0x4f: {  	_ = 	snop;
	(pc) =	sbr.rel .LBB2_9-.Ltmp7, $1  }
0x50: {  	_ =	sdelay $0x3  }
.LBB2_7:
0x51: {  	s0 =	smul.u32 $0x9C40, s22;
	_ =	sdelay $0x1  }
0x52: {  	s0 =	sadd.s32 s0, s7  }
0x53: {  	s0 =	sshrl.u32 s0, $0x3  }
0x54: {  	s23 =	sadd.s32 s4, s0;
	s0 =	simm.s32 $0x0  }
0x55: {  	[tilespmem:s0], [sflag:$0x1] =	stream.linear.gather [hbm4b:s23+s0], $0x9C40, $0x38;
	[tilespmem:$0x18900] =	vst v63  }
0x56: {  	_ =	swait.ge [sflag:s20], $0x9C40  }
0x57: {  	[sflag:s20] =	ssyncset.done $0x0  }
0x58: {  	[sflag:s20] =	ssyncadd.s32 $0xFFFF63C0  }
.LBB2_8:
0x59: {  	s23 =	sshra.s32 s0, $0x2  }
0x5a: {  	v6 =	vld [tilespmem:s23+$0x9C80];
	_ =	sdelay $0x4  }
0x5b: {  	v7 =	vshra.s32 v6, $0x1F  }
0x5c: {  	v7 =	vor.u32 $0x80000000, v7  }
0x5d: {  	v6 =	vxor.u32 v6, v7  }
0x5e: {  	v6 =	vshrl.u32 v6, $0x12;
	_ =	sdelay $0x4  }
0x5f: {  	[tilespmem:v6+s16+$0x0] =	vst.idx.add.s32.msk $0xffff, v1  }
0x60: {  	v6 =	vld [tilespmem:s23+$0x9C90];
	_ =	sdelay $0x4  }
0x61: {  	v7 =	vshra.s32 v6, $0x1F  }
0x62: {  	v7 =	vor.u32 $0x80000000, v7  }
0x63: {  	v6 =	vxor.u32 v6, v7  }
0x64: {  	v6 =	vshrl.u32 v6, $0x12;
	_ =	sdelay $0x4  }
0x65: {  	[tilespmem:v6+s16+$0x0] =	vst.idx.add.s32.msk $0xffff, v1  }
0x66: {  	v6 =	vld [tilespmem:s23+$0x9CA0];
	_ =	sdelay $0x4  }
0x67: {  	v7 =	vshra.s32 v6, $0x1F  }
0x68: {  	v7 =	vor.u32 $0x80000000, v7  }
0x69: {  	v6 =	vxor.u32 v6, v7  }
0x6a: {  	v6 =	vshrl.u32 v6, $0x12;
	_ =	sdelay $0x4  }
0x6b: {  	[tilespmem:v6+s16+$0x0] =	vst.idx.add.s32.msk $0xffff, v1  }
0x6c: {  	v6 =	vld [tilespmem:s23+$0x9CB0];
	_ =	sdelay $0x4  }
0x6d: {  	v7 =	vshra.s32 v6, $0x1F  }
0x6e: {  	v7 =	vor.u32 $0x80000000, v7  }
0x6f: {  	v6 =	vxor.u32 v6, v7  }
0x70: {  	p0 =	sne.s32 s0, $0x27000;
	v6 =	vshrl.u32 v6, $0x12  }
.Ltmp8:
0x71: {  	_ = 	snop;
	(pc) =	sbr.rel @p0 .LBB2_8-.Ltmp8, $2  }
0x72: {  	_ =	sdelay $0x2  }
0x73: {  	s0 =	sadd.s32 $0x100, s0;
	[tilespmem:v6+s16+$0x0] =	vst.idx.add.s32.msk $0xffff, v1  }
.Ltmp9:
0x74: {  	_ = 	snop;
	(pc) =	sbr.rel .LBB2_9-.Ltmp9, $1  }
0x75: {  	_ =	sdelay $0x3  }
.LBB2_10:
0x76: {  	s0 =	simm.s32 $0x178F0  }
0x77: {  	v6 =	vld [tilespmem:s0+$0x0];
	_ =	sdelay $0x4  }
0x78: {  	(xrf0) =	vadd.scan.msk.s32 $0xffff, v6  }
0x79: {  	s1 =	simm.s32 $0x178E0  }
0x7a: {  	v7 =	vld [tilespmem:s1+$0x0];
	_ =	sdelay $0x3  }
0x7b: {  	v8, _, _ =	vpop (xrf0)  }
0x7c: {  	(xrf0) =	vadd.scan.msk.s32 $0xffff, v7;
	v9 =	vxor.u32 $0x80000000, v8  }
0x7d: {  	(xrf0) =	vmax.scan.msk.u32 $0xffff, v9  }
0x7e: {  	s2 =	simm.s32 $0x178D0  }
0x7f: {  	v9 =	vld [tilespmem:s2+$0x0];
	_ =	sdelay $0x2  }
0x80: {  	v10, _, _ =	vpop (xrf0)  }
0x81: {  	v11, _, _ =	vpop (xrf0)  }
0x82: {  	(xrf0) =	vadd.scan.msk.s32 $0xffff, v9;
	(v2sf) =	vpush v11, $0xF  }
0x83: {  	s22 =	simm.s32 $0x178C0  }
0x84: {  	v11 =	vld [tilespmem:s22+$0x0];
	_ =	sdelay $0x1  }
0x85: {  	v12 =	vxor.u32 $0x80000000, v10  }
0x86: {  	(xrf0) =	vmax.scan.msk.u32 $0xffff, v12  }
0x87: {  	v55, _, _ =	vpop (xrf0)  }
0x88: {  	v13 =	vxor.u32 $0x80000000, v55;
	(xrf0) =	vadd.scan.msk.s32 $0xffff, v11  }
0x89: {  	(xrf0) =	vmax.scan.msk.u32 $0xffff, v13;
	_ =	sdelay $0x2  }
0x8a: {  	v14, _, _ =	vpop (xrf0)  }
0x8b: {  	(v2sf) =	vpush v14, $0xF  }
0x8c: {  	s23 =	simm.s32 $0x178B0;
	v57, _, _ =	vpop (xrf0)  }
0x8d: {  	v56 =	vld [tilespmem:s23+$0x0];
	v15, _, _ =	vpop (xrf0)  }
0x8e: {  	s24 =	spop (v2sf);
	(v2sf) =	vpush v15, $0xF  }
0x8f: {  	s0 =	sadd.s32 $0x0, s24  }
0x90: {  	v6 =	vsub.s32 v6, v8;
	s0 =	sadd.s32 $0x80000000, s0  }
0x91: {  	s22 =	simm.s32 $0x3FF0;
	v6 =	vadd.s32 s0, v6  }
0x92: {  	v8 =	vor.u32 s22, v3;
	(xrf0) =	vadd.scan.msk.s32 $0xffff, v56;
	v58 =	vxor.u32 $0x80000000, v57;
	vm0 =	vgt.s32 v6, $0x3E7  }
0x93: {  	(xrf0) =	vmax.scan.msk.u32 $0xffff, v58;
	v6 =	vnsel vm0, $0x7FFFFFFF, v8  }
0x94: {  	s25 =	simm.s32 $0x178A0;
	(xrf0) =	vmax.scan.msk.u32 $0xffff, v6  }
0x95: {  	v59 =	vld [tilespmem:s25+$0x0];
	_ =	sdelay $0x2  }
0x96: {  	v8, _, _ =	vpop (xrf0)  }
0x97: {  	v6, _, _ =	vpop (xrf0)  }
0x98: {  	s26 =	spop (v2sf);
	(xrf0) =	vadd.scan.msk.s32 $0xffff, v59;
	(v2sf) =	vpush v6, $0xF;
	v6, _, _ =	vpop (xrf0)  }
0x99: {  	s1 =	simm.s32 $0x17890;
	s0 =	sadd.s32 s26, s0;
	(v2sf) =	vpush v6, $0xF  }
0x9a: {  	v16 =	vld [tilespmem:s1+$0x0];
	s0 =	sadd.s32 $0x80000000, s0;
	v6 =	vsub.s32 v7, v10  }
0x9b: {  	s2 =	simm.s32 $0x3FE0;
	v7 =	vxor.u32 $0x80000000, v8;
	v6 =	vadd.s32 s0, v6;
	s23 =	spop (v2sf)  }
0x9c: {  	(xrf0) =	vmax.scan.msk.u32 $0xffff, v7;
	vm13 =	vgt.s32 v6, $0x3E7;
	v6 =	vor.u32 s2, v3;
	s0 =	sadd.s32 s23, s0  }
0x9d: {  	v9 =	vsub.s32 v9, v55;
	v6 =	vnsel vm13, $0x7FFFFFFF, v6;
	s0 =	sadd.s32 $0x80000000, s0  }
0x9e: {  	s24 =	simm.s32 $0x3FD0;
	v7, _, _ =	vpop (xrf0);
	(xrf0) =	vmax.scan.msk.u32 $0xffff, v6;
	v6 =	vadd.s32 s0, v9  }
0x9f: {  	v10 =	vor.u32 s24, v3;
	v9 =	vxor.u32 $0x80000000, v7;
	(xrf0) =	vadd.scan.msk.s32 $0xffff, v16;
	vm14 =	vgt.s32 v6, $0x3E7  }
0xa0: {  	(xrf0) =	vmax.scan.msk.u32 $0xffff, v9;
	v6 =	vnsel vm14, $0x7FFFFFFF, v10  }
0xa1: {  	(xrf0) =	vmax.scan.msk.u32 $0xffff, v6  }
0xa2: {  	v9, _, _ =	vpop (xrf0)  }
0xa3: {  	(v2sf) =	vpush v9, $0xF  }
0xa4: {  	v60, _, _ =	vpop (xrf0)  }
0xa5: {  	s25 =	simm.s32 $0x17880;
	v10 =	vsub.s32 v56, v8;
	v8, _, _ =	vpop (xrf0)  }
0xa6: {  	v6 =	vld [tilespmem:s25+$0x0];
	(v2sf) =	vpush v60, $0xF;
	v61, _, _ =	vpop (xrf0)  }
0xa7: {  	s26 =	spop (v2sf);
	(v2sf) =	vpush v61, $0xF;
	v63, _, _ =	vpop (xrf0)  }
0xa8: {  	s1 =	spop (v2sf);
	(v2sf) =	vpush v63, $0xF;
	_ =	sdelay $0x1  }
0xa9: {  	s0 =	sadd.s32 s26, s0  }
0xaa: {  	s29 =	simm.s32 $0x3FB0;
	v11 =	vsub.s32 v11, v57;
	v9 =	vxor.u32 $0x80000000, v8;
	s30 =	sadd.s32 $0x80000000, s0;
	(xrf0) =	vadd.scan.msk.s32 $0xffff, v6  }
0xab: {  	s31 =	simm.s32 $0x17870;
	s28 =	simm.s32 $0xFFFFFFFF;
	s24 =	simm.s32 $0x3FC0;
	v11 =	vadd.s32 s30, v11;
	(xrf0) =	vmax.scan.msk.u32 $0xffff, v9  }
0xac: {  	s22 =	simm.s32 $0x3F80;
	v62 =	vor.u32 s24, v3;
	s23 =	simm.s32 $0x3F70;
	s25 =	simm.s32 $0x3F90;
	vm15 =	vgt.s32 v11, $0x3E7  }
0xad: {  	v7 =	vsub.s32 v59, v7;
	s26 =	simm.s32 $0x3FA0;
	v8 =	vsub.s32 v16, v8;
	s0 =	simm.s32 $0x3F60;
	v9 =	vld [tilespmem:s31+$0x0];
	v11 =	vnsel vm15, $0x7FFFFFFF, v62;
	s1 =	sxor.u32 $0x80000000, s1  }
.LBB2_11:
0xae: {  	s24 =	smov.u32 s28;
	p0 =	sne.s32 s0, $0x0;
	p1 =	sgt.s32 s28, s1  }
0xaf: {  	s2 =	smov.u32 s0;
	s0 =	sadd.s32 $0xFFFFFFF0, s0;
	s28 =	smov.u32 s1;
	(xrf0) =	vmax.scan.msk.u32 $0xffff, v11  }
0xb0: {  	s28 =	smov.u32 @p1 s24;
	v11, _, _ =	vpop (xrf0)  }
0xb1: {  	v12 =	vxor.u32 $0x80000000, v11;
	v11 =	vsub.s32 v6, v11;
	v6, _, _ =	vpop (xrf0);
	s1 =	spop (v2sf)  }
.Ltmp10:
0xb2: {  	(xrf0) =	vadd.scan.msk.s32 $0xffff, v9;
	(v2sf) =	vpush v6, $0xF;
	s1 =	sadd.s32 s1, s30;
	v6 =	vmov v9;
	(pc) =	sbr.rel @p0 .LBB2_11-.Ltmp10, $4  }
0xb3: {  	(xrf0) =	vmax.scan.msk.u32 $0xffff, v12;
	s30 =	sadd.s32 $0x80000000, s1  }
0xb4: {  	s31 =	sadd.s32 $0xFFFFFFF0, s31;
	v13 =	vor.u32 s29, v3;
	s29 =	smov.u32 s26;
	s26 =	smov.u32 s25;
	v14 =	vadd.s32 s30, v10;
	v10 =	vmovc v7;
	v7 =	vmovc v8;
	v8 =	vmov v11  }
0xb5: {  	s25 =	smov.u32 s22;
	s22 =	smov.u32 s23;
	v9 =	vld [tilespmem:s31+$0x0];
	vm0 =	vgt.s32 v14, $0x3E7;
	v12, _, _ =	vpop (xrf0);
	s1 =	spop (v2sf)  }
0xb6: {  	s23 =	smov.u32 s2;
	v11 =	vnsel vm0, $0x7FFFFFFF, v13;
	(v2sf) =	vpush v12, $0xF;
	s1 =	sxor.u32 $0x80000000, s1  }
0xb7: {  	_ =	sdelay $0x1  }
0xb8: {  	(xrf0) =	vmax.scan.msk.u32 $0xffff, v11  }
0xb9: {  	(xrf0) =	vadd.scan.msk.s32 $0xffff, v9  }
0xba: {  	s0 =	spop (v2sf)  }
0xbb: {  	s0 =	sadd.s32 s0, s30  }
0xbc: {  	v53, _, _ =	vpop (xrf0);
	s0 =	sadd.s32 $0x80000000, s0  }
0xbd: {  	v12, _, _ =	vpop (xrf0);
	v10 =	vadd.s32 s0, v10  }
0xbe: {  	v14 =	vor.u32 s29, v3;
	v13 =	vxor.u32 $0x80000000, v53;
	vm0 =	vgt.s32 v10, $0x3E7;
	v54, _, _ =	vpop (xrf0)  }
0xbf: {  	(xrf0) =	vmax.scan.msk.u32 $0xffff, v13;
	v55 =	vnsel vm0, $0x7FFFFFFF, v14;
	v56, _, _ =	vpop (xrf0)  }
0xc0: {  	(xrf0) =	vmax.scan.msk.u32 $0xffff, v55;
	v57 =	vxor.u32 $0x80000000, v56  }
0xc1: {  	(xrf0) =	vmax.scan.msk.u32 $0xffff, v57;
	_ =	sdelay $0x2  }
0xc2: {  	(v2sf) =	vpush v12, $0xF  }
0xc3: {  	(v2sf) =	vpush v54, $0xF;
	v58, _, _ =	vpop (xrf0)  }
0xc4: {  	(v2sf) =	vpush v58, $0xF;
	v59, _, _ =	vpop (xrf0)  }
0xc5: {  	(v2sf) =	vpush v59, $0xF;
	v60, _, _ =	vpop (xrf0)  }
0xc6: {  	(v2sf) =	vpush v60, $0xF;
	_ =	sdelay $0x7  }
0xc7: {  	s2 =	spop (v2sf)  }
0xc8: {  	s24 =	spop (v2sf)  }
0xc9: {  	s0 =	sadd.s32 s24, s0;
	s29 =	spop (v2sf)  }
0xca: {  	s0 =	sadd.s32 $0x80000000, s0;
	s30 =	spop (v2sf)  }
0xcb: {  	v7 =	vadd.s32 s0, v7;
	s0 =	sadd.s32 s30, s0;
	s24 =	spop (v2sf)  }
0xcc: {  	v61 =	vor.u32 s26, v3;
	vm12 =	vgt.s32 v7, $0x3E7;
	s0 =	sadd.s32 $0x80000000, s0;
	s31 =	spop (v2sf)  }
0xcd: {  	v7 =	vnsel vm12, $0x7FFFFFFF, v61;
	v8 =	vadd.s32 s0, v8;
	s0 =	sadd.s32 s31, s0;
	s30 =	spop (v2sf)  }
0xce: {  	v6 =	vsub.s32 v6, v53;
	(xrf0) =	vmax.scan.msk.u32 $0xffff, v7;
	v7 =	vor.u32 s25, v3;
	vm13 =	vgt.s32 v8, $0x3E7;
	s0 =	sadd.s32 $0x80000000, s0;
	s31 =	spop (v2sf)  }
0xcf: {  	v7 =	vnsel vm13, $0x7FFFFFFF, v7;
	v6 =	vadd.s32 s0, v6;
	s0 =	sadd.s32 s31, s0  }
0xd0: {  	v62 =	vor.u32 s22, v3;
	v63 =	vsub.s32 v9, v56;
	(xrf0) =	vmax.scan.msk.u32 $0xffff, v7;
	vm14 =	vgt.s32 v6, $0x3E7;
	s0 =	sadd.s32 $0x80000000, s0  }
0xd1: {  	v6 =	vnsel vm14, $0x7FFFFFFF, v62;
	v7 =	vadd.s32 s0, v63  }
0xd2: {  	(xrf0) =	vmax.scan.msk.u32 $0xffff, v6;
	v6 =	vor.u32 s23, v3;
	vm15 =	vgt.s32 v7, $0x3E7  }
0xd3: {  	v6 =	vnsel vm15, $0x7FFFFFFF, v6  }
0xd4: {  	v7, _, _ =	vpop (xrf0);
	(xrf0) =	vmax.scan.msk.u32 $0xffff, v6  }
0xd5: {  	(v2sf) =	vpush v7, $0xF  }
0xd6: {  	v6, _, _ =	vpop (xrf0)  }
0xd7: {  	(v2sf) =	vpush v6, $0xF  }
0xd8: {  	v6, _, _ =	vpop (xrf0)  }
0xd9: {  	(v2sf) =	vpush v6, $0xF  }
0xda: {  	v6, _, _ =	vpop (xrf0)  }
0xdb: {  	(v2sf) =	vpush v6, $0xF  }
0xdc: {  	p0 =	sgt.s32 s28, s1  }
0xdd: {  	s1 =	smov.u32 @p0 s28;
	s0 =	sxor.u32 $0x80000000, s2  }
0xde: {  	p0 =	sgt.s32 s1, s0  }
0xdf: {  	s0 =	smov.u32 @p0 s1;
	s1 =	sxor.u32 $0x80000000, s29  }
0xe0: {  	p0 =	sgt.s32 s0, s1  }
0xe1: {  	s1 =	smov.u32 @p0 s0;
	s0 =	sxor.u32 $0x80000000, s24  }
0xe2: {  	p0 =	sgt.s32 s1, s0  }
0xe3: {  	s0 =	smov.u32 @p0 s1;
	s1 =	sxor.u32 $0x80000000, s30  }
0xe4: {  	p0 =	sgt.s32 s0, s1;
	s28 =	spop (v2sf)  }
0xe5: {  	s1 =	smov.u32 @p0 s0;
	s0 =	sxor.u32 $0x80000000, s28  }
0xe6: {  	p0 =	sgt.s32 s1, s0;
	s29 =	spop (v2sf)  }
0xe7: {  	s0 =	smov.u32 @p0 s1;
	s1 =	sxor.u32 $0x80000000, s29  }
0xe8: {  	s30 =	spop (v2sf);
	p0 =	sgt.s32 s0, s1  }
0xe9: {  	s2 =	sxor.u32 $0x80000000, s30;
	s1 =	smov.u32 @p0 s0  }
0xea: {  	p0 =	sgt.s32 s1, s2;
	s31 =	spop (v2sf)  }
0xeb: {  	s2 =	smov.u32 @p0 s1;
	s0 =	sxor.u32 $0x80000000, s31  }
0xec: {  	p0 =	sgt.s32 s2, s0  }
0xed: {  	s22 =	simm.s32 $0x40;
	s23 =	simm.s32 $0x0;
	s0 =	smov.u32 @p0 s2  }
.LBB2_13:
0xee: {  	p0 =	sne.s32 s22, $0x1FC0;
	[tilespmem:s23+$0x17900] =	vst v4;
	s1 =	smov.u32 s22;
	s22 =	sadd.s32 $0x40, s22  }
.Ltmp11:
0xef: {  	[tilespmem:s23+$0x18100] =	vst v5;
	(pc) =	sbr.rel @p0 .LBB2_13-.Ltmp11, $2  }
0xf0: {  	_ =	sdelay $0x2  }
0xf1: {  	s23 =	sshra.s32 s1, $0x2  }
.Ltmp12:
0xf2: {  	(pc) =	sbr.rel .LBB2_15-.Ltmp12, $4  }
0xf3: {  	p0 =	sgt.s32 s0, $0x1  }
0xf4: {  	[tilespmem:s23+$0x17900] =	vst v4;
	s0 =	simm.s32 @!p0 $0x1  }
0xf5: {  	[tilespmem:s23+$0x18100] =	vst v5;
	s22 =	simm.s32 $0x0;
	s23 =	simm.s32 $0x0;
	s0 =	sadd.s32 $0xFFFFFFFF, s0  }
0xf6: {  	v7 =	vimm.s32 $0x0;
	[tilespmem:s22], [sflag:$0x1] =	stream.linear.gather [hbm4b:s6+s22], $0x9C40, $0x38;
	v6 =	vmov s0;
	[tilespmem:$0x18900] =	vst v63  }
.LBB2_20:
0xf7: {  	s23 =	sadd.s32 $0x1, s23  }
0xf8: {  	p0 =	sne.s32 s23, $0x19  }
.Ltmp13:
0xf9: {  	_ = 	snop;
	(pc) =	sbr.rel @!p0 .LBB2_21-.Ltmp13, $2  }
0xfa: {  	_ =	sdelay $0x2  }
0xfb: {  	s22 =	sadd.s32 $0x9C40, s22  }
.LBB2_15:
0xfc: {  	s0 =	sand.u32 $0x1, s23  }
0xfd: {  	p0 =	seq.s32 s0, $0x1  }
.Ltmp14:
0xfe: {  	_ = 	snop;
	(pc) =	sbr.rel @p0 .LBB2_18-.Ltmp14, $1  }
0xff: {  	_ =	sdelay $0x3  }
0x100: {  	s0 =	sor.u32 $0x1, s23  }
0x101: {  	p0 =	sgt.u32 s0, $0x18  }
0x102: {  	s0 =	smul.u32 @!p0 $0x9C40, s0;
	_ =	sdelay $0x1  }
0x103: {  	s0 =	sadd.s32 @!p0 s3, s0  }
0x104: {  	s0 =	sshrl.u32 @!p0 s0, $0x3  }
0x105: {  	s1 =	simm.s32 @!p0 $0x0;
	s2 =	simm.s32 @!p0 $0x9C80;
	s0 =	sadd.s32 @!p0 s4, s0  }
0x106: {  	[tilespmem:s2], [sflag:$0x2] =	stream.linear.gather @!p0 [hbm4b:s0+s1], $0x9C40, $0x38;
	[tilespmem:$0x18900] =	vst v63  }
0x107: {  	_ =	swait.ge [sflag:s15], $0x9C40  }
0x108: {  	[sflag:s15] =	ssyncset.done $0x0  }
0x109: {  	s24 =	simm.s32 $0x0;
	s25 =	simm.s32 $0x20;
	[sflag:s15] =	ssyncadd.s32 $0xFFFF63C0  }
.LBB2_17:
0x10a: {  	v8 =	vld [tilespmem:s25+$0xFFFFFFE0];
	_ =	sdelay $0x4  }
0x10b: {  	v9 =	vshra.s32 v8, $0x1F  }
0x10c: {  	v9 =	vor.u32 $0x80000000, v9  }
0x10d: {  	v9 =	vxor.u32 v8, v9  }
0x10e: {  	v9 =	vshrl.u32 v9, $0x12  }
0x10f: {  	vm0 =	vge.u32 v9, v6  }
0x110: {  	v9 =	vsel vm0, $0x1, v0  }
0x111: {  	(xrf0) =	vadd.scan.msk.s32 $0xffff, v9;
	_ =	sdelay $0x5  }
0x112: {  	v9, _, _ =	vpop (xrf0)  }
0x113: {  	v9 =	vadd.s32 v9, v7  }
0x114: {  	v9 =	vadd.s32 $0xFFFFFFFF, v9  }
0x115: {  	vm1 =	vlt.s32 v9, $0x800  }
0x116: {  	vm1 =	vmand vm0, vm1;
	_ =	sdelay $0x4  }
0x117: {  	s0 =	sadd.s32 s24, s22  }
0x118: {  	[tilespmem:v9+s17+$0x0] =	vst.idx.msk vm1, v8;
	v8 =	vor.u32 s0, v2  }
0x119: {  	[tilespmem:v9+s18+$0x0] =	vst.idx.msk vm1, v8  }
0x11a: {  	v8 =	vld [tilespmem:s25+$0xFFFFFFF0];
	_ =	sdelay $0x4  }
0x11b: {  	v55 =	vshra.s32 v8, $0x1F  }
0x11c: {  	v9 =	vor.u32 $0x80000000, v55  }
0x11d: {  	v9 =	vxor.u32 v8, v9  }
0x11e: {  	v9 =	vshrl.u32 v9, $0x12  }
0x11f: {  	vm10 =	vge.u32 v9, v6  }
0x120: {  	v9 =	vsel vm10, $0x1, v0  }
0x121: {  	(xrf0) =	vadd.scan.msk.s32 $0xffff, v9;
	_ =	sdelay $0x3  }
0x122: {  	v56 =	vmpcnt.ones.xlane vm0;
	_ =	sdelay $0x1  }
0x123: {  	v7 =	vadd.s32 v7, v56;
	v57, _, _ =	vpop (xrf0)  }
0x124: {  	v9 =	vadd.s32 v57, v7  }
0x125: {  	v9 =	vadd.s32 $0xFFFFFFFF, v9  }
0x126: {  	vm11 =	vlt.s32 v9, $0x800  }
0x127: {  	vm0 =	vmand vm10, vm11;
	_ =	sdelay $0x4  }
0x128: {  	s1 =	sadd.s32 $0x10, s0  }
0x129: {  	[tilespmem:v9+s17+$0x0] =	vst.idx.msk vm0, v8;
	v8 =	vor.u32 s1, v2  }
0x12a: {  	[tilespmem:v9+s18+$0x0] =	vst.idx.msk vm0, v8  }
0x12b: {  	v8 =	vld [tilespmem:s25+$0x0];
	_ =	sdelay $0x4  }
0x12c: {  	v58 =	vshra.s32 v8, $0x1F  }
0x12d: {  	v9 =	vor.u32 $0x80000000, v58  }
0x12e: {  	v9 =	vxor.u32 v8, v9  }
0x12f: {  	v9 =	vshrl.u32 v9, $0x12  }
0x130: {  	vm12 =	vge.u32 v9, v6  }
0x131: {  	v9 =	vsel vm12, $0x1, v0  }
0x132: {  	(xrf0) =	vadd.scan.msk.s32 $0xffff, v9;
	_ =	sdelay $0x3  }
0x133: {  	v59 =	vmpcnt.ones.xlane vm10;
	_ =	sdelay $0x1  }
0x134: {  	v7 =	vadd.s32 v7, v59;
	v60, _, _ =	vpop (xrf0)  }
0x135: {  	v9 =	vadd.s32 v60, v7  }
0x136: {  	v9 =	vadd.s32 $0xFFFFFFFF, v9  }
0x137: {  	vm13 =	vlt.s32 v9, $0x800  }
0x138: {  	vm1 =	vmand vm12, vm13;
	_ =	sdelay $0x4  }
0x139: {  	s31 =	sadd.s32 $0x20, s0  }
0x13a: {  	[tilespmem:v9+s17+$0x0] =	vst.idx.msk vm1, v8;
	v8 =	vor.u32 s31, v2  }
0x13b: {  	[tilespmem:v9+s18+$0x0] =	vst.idx.msk vm1, v8  }
0x13c: {  	v8 =	vld [tilespmem:s25+$0x10];
	_ =	sdelay $0x4  }
0x13d: {  	v61 =	vshra.s32 v8, $0x1F  }
0x13e: {  	v9 =	vor.u32 $0x80000000, v61  }
0x13f: {  	v9 =	vxor.u32 v8, v9  }
0x140: {  	v9 =	vshrl.u32 v9, $0x12  }
0x141: {  	vm14 =	vge.u32 v9, v6  }
0x142: {  	v9 =	vsel vm14, $0x1, v0  }
0x143: {  	(xrf0) =	vadd.scan.msk.s32 $0xffff, v9;
	_ =	sdelay $0x3  }
0x144: {  	v62 =	vmpcnt.ones.xlane vm12;
	_ =	sdelay $0x1  }
0x145: {  	v7 =	vadd.s32 v7, v62;
	v63, _, _ =	vpop (xrf0)  }
0x146: {  	v9 =	vadd.s32 v63, v7  }
0x147: {  	v9 =	vadd.s32 $0xFFFFFFFF, v9  }
0x148: {  	vm15 =	vlt.s32 v9, $0x800  }
0x149: {  	vm0 =	vmand vm14, vm15;
	_ =	sdelay $0x1  }
0x14a: {  	p0 =	seq.s32 s24, $0x9C00  }
.Ltmp15:
0x14b: {  	_ = 	snop;
	(pc) =	sbr.rel @!p0 .LBB2_17-.Ltmp15, $4  }
0x14c: {  	_ = 	snop  }
0x14d: {  	s0 =	sadd.s32 $0x30, s0;
	v10 =	vmpcnt.ones.xlane vm14  }
0x14e: {  	[tilespmem:v9+s17+$0x0] =	vst.idx.msk vm0, v8;
	v8 =	vor.u32 s0, v2  }
0x14f: {  	s24 =	sadd.s32 $0x40, s24;
	s25 =	sadd.s32 $0x40, s25;
	v7 =	vadd.s32 v7, v10;
	[tilespmem:v9+s18+$0x0] =	vst.idx.msk vm0, v8  }
.Ltmp16:
0x150: {  	_ = 	snop;
	(pc) =	sbr.rel .LBB2_20-.Ltmp16, $1  }
0x151: {  	_ =	sdelay $0x3  }
.LBB2_18:
0x152: {  	s0 =	smul.u32 $0x9C40, s23;
	_ =	sdelay $0x1  }
0x153: {  	s0 =	sadd.s32 s0, s7  }
0x154: {  	s0 =	sshrl.u32 s0, $0x3  }
0x155: {  	s24 =	simm.s32 $0x0;
	s0 =	sadd.s32 s4, s0  }
0x156: {  	[tilespmem:s24], [sflag:$0x1] =	stream.linear.gather [hbm4b:s0+s24], $0x9C40, $0x38;
	[tilespmem:$0x18900] =	vst v63  }
0x157: {  	_ =	swait.ge [sflag:s20], $0x9C40  }
0x158: {  	[sflag:s20] =	ssyncset.done $0x0  }
0x159: {  	s25 =	simm.s32 $0x9CA0;
	[sflag:s20] =	ssyncadd.s32 $0xFFFF63C0  }
.LBB2_19:
0x15a: {  	v8 =	vld [tilespmem:s25+$0xFFFFFFE0];
	_ =	sdelay $0x4  }
0x15b: {  	v9 =	vshra.s32 v8, $0x1F  }
0x15c: {  	v9 =	vor.u32 $0x80000000, v9  }
0x15d: {  	v9 =	vxor.u32 v8, v9  }
0x15e: {  	v9 =	vshrl.u32 v9, $0x12  }
0x15f: {  	vm0 =	vge.u32 v9, v6  }
0x160: {  	v9 =	vsel vm0, $0x1, v0  }
0x161: {  	(xrf0) =	vadd.scan.msk.s32 $0xffff, v9;
	_ =	sdelay $0x5  }
0x162: {  	v9, _, _ =	vpop (xrf0)  }
0x163: {  	v9 =	vadd.s32 v9, v7  }
0x164: {  	v9 =	vadd.s32 $0xFFFFFFFF, v9  }
0x165: {  	vm1 =	vlt.s32 v9, $0x800  }
0x166: {  	vm1 =	vmand vm0, vm1;
	_ =	sdelay $0x4  }
0x167: {  	s0 =	sadd.s32 s24, s22  }
0x168: {  	[tilespmem:v9+s17+$0x0] =	vst.idx.msk vm1, v8;
	v8 =	vor.u32 s0, v2  }
0x169: {  	[tilespmem:v9+s18+$0x0] =	vst.idx.msk vm1, v8  }
0x16a: {  	v8 =	vld [tilespmem:s25+$0xFFFFFFF0];
	_ =	sdelay $0x4  }
0x16b: {  	v55 =	vshra.s32 v8, $0x1F  }
0x16c: {  	v9 =	vor.u32 $0x80000000, v55  }
0x16d: {  	v9 =	vxor.u32 v8, v9  }
0x16e: {  	v9 =	vshrl.u32 v9, $0x12  }
0x16f: {  	vm10 =	vge.u32 v9, v6  }
0x170: {  	v9 =	vsel vm10, $0x1, v0  }
0x171: {  	(xrf0) =	vadd.scan.msk.s32 $0xffff, v9;
	_ =	sdelay $0x3  }
0x172: {  	v56 =	vmpcnt.ones.xlane vm0;
	_ =	sdelay $0x1  }
0x173: {  	v7 =	vadd.s32 v7, v56;
	v57, _, _ =	vpop (xrf0)  }
0x174: {  	v9 =	vadd.s32 v57, v7  }
0x175: {  	v9 =	vadd.s32 $0xFFFFFFFF, v9  }
0x176: {  	vm11 =	vlt.s32 v9, $0x800  }
0x177: {  	vm0 =	vmand vm10, vm11;
	_ =	sdelay $0x4  }
0x178: {  	s1 =	sadd.s32 $0x10, s0  }
0x179: {  	[tilespmem:v9+s17+$0x0] =	vst.idx.msk vm0, v8;
	v8 =	vor.u32 s1, v2  }
0x17a: {  	[tilespmem:v9+s18+$0x0] =	vst.idx.msk vm0, v8  }
0x17b: {  	v8 =	vld [tilespmem:s25+$0x0];
	_ =	sdelay $0x4  }
0x17c: {  	v58 =	vshra.s32 v8, $0x1F  }
0x17d: {  	v9 =	vor.u32 $0x80000000, v58  }
0x17e: {  	v9 =	vxor.u32 v8, v9  }
0x17f: {  	v9 =	vshrl.u32 v9, $0x12  }
0x180: {  	vm12 =	vge.u32 v9, v6  }
0x181: {  	v9 =	vsel vm12, $0x1, v0  }
0x182: {  	(xrf0) =	vadd.scan.msk.s32 $0xffff, v9;
	_ =	sdelay $0x3  }
0x183: {  	v59 =	vmpcnt.ones.xlane vm10;
	_ =	sdelay $0x1  }
0x184: {  	v7 =	vadd.s32 v7, v59;
	v60, _, _ =	vpop (xrf0)  }
0x185: {  	v9 =	vadd.s32 v60, v7  }
0x186: {  	v9 =	vadd.s32 $0xFFFFFFFF, v9  }
0x187: {  	vm13 =	vlt.s32 v9, $0x800  }
0x188: {  	vm1 =	vmand vm12, vm13;
	_ =	sdelay $0x4  }
0x189: {  	s31 =	sadd.s32 $0x20, s0  }
0x18a: {  	[tilespmem:v9+s17+$0x0] =	vst.idx.msk vm1, v8;
	v8 =	vor.u32 s31, v2  }
0x18b: {  	[tilespmem:v9+s18+$0x0] =	vst.idx.msk vm1, v8  }
0x18c: {  	v8 =	vld [tilespmem:s25+$0x10];
	_ =	sdelay $0x4  }
0x18d: {  	v61 =	vshra.s32 v8, $0x1F  }
0x18e: {  	v9 =	vor.u32 $0x80000000, v61  }
0x18f: {  	v9 =	vxor.u32 v8, v9  }
0x190: {  	v9 =	vshrl.u32 v9, $0x12  }
0x191: {  	vm14 =	vge.u32 v9, v6  }
0x192: {  	v9 =	vsel vm14, $0x1, v0  }
0x193: {  	(xrf0) =	vadd.scan.msk.s32 $0xffff, v9;
	_ =	sdelay $0x3  }
0x194: {  	v62 =	vmpcnt.ones.xlane vm12;
	_ =	sdelay $0x1  }
0x195: {  	v7 =	vadd.s32 v7, v62;
	v63, _, _ =	vpop (xrf0)  }
0x196: {  	v9 =	vadd.s32 v63, v7  }
0x197: {  	v9 =	vadd.s32 $0xFFFFFFFF, v9  }
0x198: {  	vm15 =	vlt.s32 v9, $0x800  }
0x199: {  	vm0 =	vmand vm14, vm15;
	_ =	sdelay $0x1  }
0x19a: {  	p0 =	sne.s32 s24, $0x9C00  }
.Ltmp17:
0x19b: {  	_ = 	snop;
	(pc) =	sbr.rel @p0 .LBB2_19-.Ltmp17, $4  }
0x19c: {  	_ = 	snop  }
0x19d: {  	s0 =	sadd.s32 $0x30, s0;
	v10 =	vmpcnt.ones.xlane vm14  }
0x19e: {  	[tilespmem:v9+s17+$0x0] =	vst.idx.msk vm0, v8;
	v8 =	vor.u32 s0, v2  }
0x19f: {  	s24 =	sadd.s32 $0x40, s24;
	s25 =	sadd.s32 $0x40, s25;
	v7 =	vadd.s32 v7, v10;
	[tilespmem:v9+s18+$0x0] =	vst.idx.msk vm0, v8  }
.Ltmp18:
0x1a0: {  	_ = 	snop;
	(pc) =	sbr.rel .LBB2_20-.Ltmp18, $1  }
0x1a1: {  	_ =	sdelay $0x3  }
.LBB2_21:
0x1a2: {  	s0 =	simm.s32 $0x0  }
0x1a3: {  	[hbm4b:s8+s0] =	stream.linear.scatter [tilespmem:s17], [sflag:$0x3], $0x800, $0x38;
	[tilespmem:$0x18900] =	vst v63  }
0x1a4: {  	_ =	swait.ge [sflag:s19], $0x800  }
0x1a5: {  	[sflag:s19] =	ssyncset.done $0x0  }
0x1a6: {  	[sflag:s19] =	ssyncadd.s32 $0xFFFFF800  }
0x1a7: {  	[hbm4b:s9+s0] =	stream.linear.scatter [tilespmem:s18], [sflag:$0x3], $0x800, $0x38;
	[tilespmem:$0x18900] =	vst v63  }
0x1a8: {  	_ =	swait.ge [sflag:s19], $0x800  }
0x1a9: {  	[sflag:s19] =	ssyncset.done $0x0  }
0x1aa: {  	s22 =	simm.s32 $0x0;
	s0 =	simm.s32 $0x40;
	[sflag:s19] =	ssyncadd.s32 $0xFFFFF800  }
.LBB2_22:
0x1ab: {  	p0 =	sne.s32 s0, $0xFFC0;
	[tilespmem:s22+$0x13900] =	vst v0;
	s1 =	smov.u32 s0;
	s0 =	sadd.s32 $0x40, s0  }
.Ltmp19:
0x1ac: {  	(pc) =	sbr.rel @p0 .LBB2_22-.Ltmp19, $2  }
0x1ad: {  	_ =	sdelay $0x2  }
0x1ae: {  	s22 =	sshra.s32 s1, $0x2  }
.Ltmp20:
0x1af: {  	(pc) =	sbr.rel .LBB2_24-.Ltmp20, $3  }
0x1b0: {  	_ =	sdelay $0x1  }
0x1b1: {  	[tilespmem:s22+$0x13900] =	vst v0;
	s22 =	simm.s32 $0x0  }
0x1b2: {  	[tilespmem:s22], [sflag:$0x1] =	stream.linear.gather [hbm4b:s10+s22], $0x9C40, $0x38;
	[tilespmem:$0x18900] =	vst v63  }
.LBB2_29:
0x1b3: {  	s22 =	sadd.s32 $0x1, s22  }
0x1b4: {  	p0 =	sne.s32 s22, $0x19  }
.Ltmp21:
0x1b5: {  	_ = 	snop;
	(pc) =	sbr.rel @!p0 .LBB2_30-.Ltmp21, $1  }
0x1b6: {  	_ =	sdelay $0x3  }
.LBB2_24:
0x1b7: {  	s0 =	sand.u32 $0x1, s22  }
0x1b8: {  	p0 =	seq.s32 s0, $0x1  }
.Ltmp22:
0x1b9: {  	_ = 	snop;
	(pc) =	sbr.rel @p0 .LBB2_27-.Ltmp22, $1  }
0x1ba: {  	_ =	sdelay $0x3  }
0x1bb: {  	s0 =	sor.u32 $0x1, s22  }
0x1bc: {  	p0 =	sgt.u32 s0, $0x18  }
0x1bd: {  	s0 =	smul.u32 @!p0 $0x9C40, s0;
	_ =	sdelay $0x1  }
0x1be: {  	s0 =	sadd.s32 @!p0 s5, s0  }
0x1bf: {  	s0 =	sshrl.u32 @!p0 s0, $0x3  }
0x1c0: {  	s1 =	simm.s32 @!p0 $0x0;
	s2 =	simm.s32 @!p0 $0x9C80;
	s0 =	sadd.s32 @!p0 s4, s0  }
0x1c1: {  	[tilespmem:s2], [sflag:$0x2] =	stream.linear.gather @!p0 [hbm4b:s0+s1], $0x9C40, $0x38;
	[tilespmem:$0x18900] =	vst v63  }
0x1c2: {  	_ =	swait.ge [sflag:s15], $0x9C40  }
0x1c3: {  	[sflag:s15] =	ssyncset.done $0x0  }
0x1c4: {  	s0 =	simm.s32 $0x0;
	[sflag:s15] =	ssyncadd.s32 $0xFFFF63C0  }
.LBB2_26:
0x1c5: {  	s1 =	sshra.s32 s0, $0x2  }
0x1c6: {  	v6 =	vld [tilespmem:s1+$0x0];
	_ =	sdelay $0x4  }
0x1c7: {  	v7 =	vshra.s32 v6, $0x1F  }
0x1c8: {  	v7 =	vor.u32 $0x80000000, v7  }
0x1c9: {  	v6 =	vxor.u32 v6, v7  }
0x1ca: {  	v6 =	vshrl.u32 v6, $0x12;
	_ =	sdelay $0x4  }
0x1cb: {  	[tilespmem:v6+s16+$0x0] =	vst.idx.add.s32.msk $0xffff, v1  }
0x1cc: {  	v6 =	vld [tilespmem:s1+$0x10];
	_ =	sdelay $0x4  }
0x1cd: {  	v7 =	vshra.s32 v6, $0x1F  }
0x1ce: {  	v7 =	vor.u32 $0x80000000, v7  }
0x1cf: {  	v6 =	vxor.u32 v6, v7  }
0x1d0: {  	v6 =	vshrl.u32 v6, $0x12;
	_ =	sdelay $0x4  }
0x1d1: {  	[tilespmem:v6+s16+$0x0] =	vst.idx.add.s32.msk $0xffff, v1  }
0x1d2: {  	v6 =	vld [tilespmem:s1+$0x20];
	_ =	sdelay $0x4  }
0x1d3: {  	v7 =	vshra.s32 v6, $0x1F  }
0x1d4: {  	v7 =	vor.u32 $0x80000000, v7  }
0x1d5: {  	v6 =	vxor.u32 v6, v7  }
0x1d6: {  	v6 =	vshrl.u32 v6, $0x12;
	_ =	sdelay $0x4  }
0x1d7: {  	[tilespmem:v6+s16+$0x0] =	vst.idx.add.s32.msk $0xffff, v1  }
0x1d8: {  	v6 =	vld [tilespmem:s1+$0x30];
	_ =	sdelay $0x4  }
0x1d9: {  	v7 =	vshra.s32 v6, $0x1F  }
0x1da: {  	v7 =	vor.u32 $0x80000000, v7  }
0x1db: {  	v6 =	vxor.u32 v6, v7  }
0x1dc: {  	p0 =	seq.s32 s0, $0x27000;
	v6 =	vshrl.u32 v6, $0x12  }
.Ltmp23:
0x1dd: {  	_ = 	snop;
	(pc) =	sbr.rel @!p0 .LBB2_26-.Ltmp23, $2  }
0x1de: {  	_ =	sdelay $0x2  }
0x1df: {  	s0 =	sadd.s32 $0x100, s0;
	[tilespmem:v6+s16+$0x0] =	vst.idx.add.s32.msk $0xffff, v1  }
.Ltmp24:
0x1e0: {  	_ = 	snop;
	(pc) =	sbr.rel .LBB2_29-.Ltmp24, $1  }
0x1e1: {  	_ =	sdelay $0x3  }
.LBB2_27:
0x1e2: {  	s0 =	smul.u32 $0x9C40, s22;
	_ =	sdelay $0x1  }
0x1e3: {  	s0 =	sadd.s32 s0, s11  }
0x1e4: {  	s0 =	sshrl.u32 s0, $0x3  }
0x1e5: {  	s1 =	sadd.s32 s4, s0;
	s0 =	simm.s32 $0x0  }
0x1e6: {  	[tilespmem:s0], [sflag:$0x1] =	stream.linear.gather [hbm4b:s1+s0], $0x9C40, $0x38;
	[tilespmem:$0x18900] =	vst v63  }
0x1e7: {  	_ =	swait.ge [sflag:s20], $0x9C40  }
0x1e8: {  	[sflag:s20] =	ssyncset.done $0x0  }
0x1e9: {  	[sflag:s20] =	ssyncadd.s32 $0xFFFF63C0  }
.LBB2_28:
0x1ea: {  	s1 =	sshra.s32 s0, $0x2  }
0x1eb: {  	v6 =	vld [tilespmem:s1+$0x9C80];
	_ =	sdelay $0x4  }
0x1ec: {  	v7 =	vshra.s32 v6, $0x1F  }
0x1ed: {  	v7 =	vor.u32 $0x80000000, v7  }
0x1ee: {  	v6 =	vxor.u32 v6, v7  }
0x1ef: {  	v6 =	vshrl.u32 v6, $0x12;
	_ =	sdelay $0x4  }
0x1f0: {  	[tilespmem:v6+s16+$0x0] =	vst.idx.add.s32.msk $0xffff, v1  }
0x1f1: {  	v6 =	vld [tilespmem:s1+$0x9C90];
	_ =	sdelay $0x4  }
0x1f2: {  	v7 =	vshra.s32 v6, $0x1F  }
0x1f3: {  	v7 =	vor.u32 $0x80000000, v7  }
0x1f4: {  	v6 =	vxor.u32 v6, v7  }
0x1f5: {  	v6 =	vshrl.u32 v6, $0x12;
	_ =	sdelay $0x4  }
0x1f6: {  	[tilespmem:v6+s16+$0x0] =	vst.idx.add.s32.msk $0xffff, v1  }
0x1f7: {  	v6 =	vld [tilespmem:s1+$0x9CA0];
	_ =	sdelay $0x4  }
0x1f8: {  	v7 =	vshra.s32 v6, $0x1F  }
0x1f9: {  	v7 =	vor.u32 $0x80000000, v7  }
0x1fa: {  	v6 =	vxor.u32 v6, v7  }
0x1fb: {  	v6 =	vshrl.u32 v6, $0x12;
	_ =	sdelay $0x4  }
0x1fc: {  	[tilespmem:v6+s16+$0x0] =	vst.idx.add.s32.msk $0xffff, v1  }
0x1fd: {  	v6 =	vld [tilespmem:s1+$0x9CB0];
	_ =	sdelay $0x4  }
0x1fe: {  	v7 =	vshra.s32 v6, $0x1F  }
0x1ff: {  	v7 =	vor.u32 $0x80000000, v7  }
0x200: {  	v6 =	vxor.u32 v6, v7  }
0x201: {  	p0 =	sne.s32 s0, $0x27000;
	v6 =	vshrl.u32 v6, $0x12  }
.Ltmp25:
0x202: {  	_ = 	snop;
	(pc) =	sbr.rel @p0 .LBB2_28-.Ltmp25, $2  }
0x203: {  	_ =	sdelay $0x2  }
0x204: {  	s0 =	sadd.s32 $0x100, s0;
	[tilespmem:v6+s16+$0x0] =	vst.idx.add.s32.msk $0xffff, v1  }
.Ltmp26:
0x205: {  	_ = 	snop;
	(pc) =	sbr.rel .LBB2_29-.Ltmp26, $1  }
0x206: {  	_ =	sdelay $0x3  }
.LBB2_30:
0x207: {  	s0 =	simm.s32 $0x178F0  }
0x208: {  	v6 =	vld [tilespmem:s0+$0x0];
	_ =	sdelay $0x4  }
0x209: {  	(xrf0) =	vadd.scan.msk.s32 $0xffff, v6  }
0x20a: {  	s25 =	simm.s32 $0x178E0  }
0x20b: {  	v7 =	vld [tilespmem:s25+$0x0];
	_ =	sdelay $0x3  }
0x20c: {  	v8, _, _ =	vpop (xrf0)  }
0x20d: {  	(xrf0) =	vadd.scan.msk.s32 $0xffff, v7;
	v9 =	vxor.u32 $0x80000000, v8  }
0x20e: {  	(xrf0) =	vmax.scan.msk.u32 $0xffff, v9  }
0x20f: {  	s26 =	simm.s32 $0x178D0  }
0x210: {  	v9 =	vld [tilespmem:s26+$0x0];
	_ =	sdelay $0x2  }
0x211: {  	v10, _, _ =	vpop (xrf0)  }
0x212: {  	v11, _, _ =	vpop (xrf0)  }
0x213: {  	(xrf0) =	vadd.scan.msk.s32 $0xffff, v9;
	(v2sf) =	vpush v11, $0xF  }
0x214: {  	s1 =	simm.s32 $0x178C0  }
0x215: {  	v11 =	vld [tilespmem:s1+$0x0];
	_ =	sdelay $0x1  }
0x216: {  	v12 =	vxor.u32 $0x80000000, v10  }
0x217: {  	(xrf0) =	vmax.scan.msk.u32 $0xffff, v12  }
0x218: {  	v55, _, _ =	vpop (xrf0)  }
0x219: {  	v13 =	vxor.u32 $0x80000000, v55;
	(xrf0) =	vadd.scan.msk.s32 $0xffff, v11  }
0x21a: {  	(xrf0) =	vmax.scan.msk.u32 $0xffff, v13;
	_ =	sdelay $0x2  }
0x21b: {  	v14, _, _ =	vpop (xrf0)  }
0x21c: {  	(v2sf) =	vpush v14, $0xF  }
0x21d: {  	s2 =	simm.s32 $0x178B0;
	v57, _, _ =	vpop (xrf0)  }
0x21e: {  	v56 =	vld [tilespmem:s2+$0x0];
	v15, _, _ =	vpop (xrf0)  }
0x21f: {  	s22 =	spop (v2sf);
	(v2sf) =	vpush v15, $0xF  }
0x220: {  	s0 =	sadd.s32 $0x0, s22  }
0x221: {  	v6 =	vsub.s32 v6, v8;
	s0 =	sadd.s32 $0x80000000, s0  }
0x222: {  	s1 =	simm.s32 $0x3FF0;
	v6 =	vadd.s32 s0, v6  }
0x223: {  	v8 =	vor.u32 s1, v3;
	(xrf0) =	vadd.scan.msk.s32 $0xffff, v56;
	v58 =	vxor.u32 $0x80000000, v57;
	vm0 =	vgt.s32 v6, $0x3E7  }
0x224: {  	(xrf0) =	vmax.scan.msk.u32 $0xffff, v58;
	v6 =	vnsel vm0, $0x7FFFFFFF, v8  }
0x225: {  	s23 =	simm.s32 $0x178A0;
	(xrf0) =	vmax.scan.msk.u32 $0xffff, v6  }
0x226: {  	v59 =	vld [tilespmem:s23+$0x0];
	_ =	sdelay $0x2  }
0x227: {  	v8, _, _ =	vpop (xrf0)  }
0x228: {  	v6, _, _ =	vpop (xrf0)  }
0x229: {  	s24 =	spop (v2sf);
	(xrf0) =	vadd.scan.msk.s32 $0xffff, v59;
	(v2sf) =	vpush v6, $0xF;
	v6, _, _ =	vpop (xrf0)  }
0x22a: {  	s25 =	simm.s32 $0x17890;
	s0 =	sadd.s32 s24, s0;
	(v2sf) =	vpush v6, $0xF  }
0x22b: {  	v16 =	vld [tilespmem:s25+$0x0];
	s0 =	sadd.s32 $0x80000000, s0;
	v6 =	vsub.s32 v7, v10  }
0x22c: {  	s26 =	simm.s32 $0x3FE0;
	v7 =	vxor.u32 $0x80000000, v8;
	v6 =	vadd.s32 s0, v6;
	s2 =	spop (v2sf)  }
0x22d: {  	(xrf0) =	vmax.scan.msk.u32 $0xffff, v7;
	vm13 =	vgt.s32 v6, $0x3E7;
	v6 =	vor.u32 s26, v3;
	s0 =	sadd.s32 s2, s0  }
0x22e: {  	v9 =	vsub.s32 v9, v55;
	v6 =	vnsel vm13, $0x7FFFFFFF, v6;
	s0 =	sadd.s32 $0x80000000, s0  }
0x22f: {  	s2 =	simm.s32 $0x3FD0;
	v7, _, _ =	vpop (xrf0);
	(xrf0) =	vmax.scan.msk.u32 $0xffff, v6;
	v6 =	vadd.s32 s0, v9  }
0x230: {  	v10 =	vor.u32 s2, v3;
	v9 =	vxor.u32 $0x80000000, v7;
	(xrf0) =	vadd.scan.msk.s32 $0xffff, v16;
	vm14 =	vgt.s32 v6, $0x3E7  }
0x231: {  	(xrf0) =	vmax.scan.msk.u32 $0xffff, v9;
	v6 =	vnsel vm14, $0x7FFFFFFF, v10  }
0x232: {  	(xrf0) =	vmax.scan.msk.u32 $0xffff, v6  }
0x233: {  	v9, _, _ =	vpop (xrf0)  }
0x234: {  	(v2sf) =	vpush v9, $0xF  }
0x235: {  	v60, _, _ =	vpop (xrf0)  }
0x236: {  	s22 =	simm.s32 $0x17880;
	v10 =	vsub.s32 v56, v8;
	v8, _, _ =	vpop (xrf0)  }
0x237: {  	v6 =	vld [tilespmem:s22+$0x0];
	(v2sf) =	vpush v60, $0xF;
	v61, _, _ =	vpop (xrf0)  }
0x238: {  	s23 =	spop (v2sf);
	(v2sf) =	vpush v61, $0xF;
	v63, _, _ =	vpop (xrf0)  }
0x239: {  	s2 =	spop (v2sf);
	(v2sf) =	vpush v63, $0xF;
	_ =	sdelay $0x1  }
0x23a: {  	s0 =	sadd.s32 s23, s0  }
0x23b: {  	s29 =	simm.s32 $0x3FB0;
	v11 =	vsub.s32 v11, v57;
	v9 =	vxor.u32 $0x80000000, v8;
	s30 =	sadd.s32 $0x80000000, s0;
	(xrf0) =	vadd.scan.msk.s32 $0xffff, v6  }
0x23c: {  	s31 =	simm.s32 $0x17870;
	s25 =	simm.s32 $0x3F90;
	s24 =	simm.s32 $0x3FC0;
	v11 =	vadd.s32 s30, v11;
	(xrf0) =	vmax.scan.msk.u32 $0xffff, v9  }
0x23d: {  	v62 =	vor.u32 s24, v3;
	s24 =	simm.s32 $0xFFFFFFFF;
	s26 =	simm.s32 $0x3FA0;
	s22 =	simm.s32 $0x3F80;
	vm15 =	vgt.s32 v11, $0x3E7  }
0x23e: {  	v7 =	vsub.s32 v59, v7;
	s23 =	simm.s32 $0x3F70;
	v8 =	vsub.s32 v16, v8;
	s0 =	simm.s32 $0x3F60;
	v9 =	vld [tilespmem:s31+$0x0];
	v11 =	vnsel vm15, $0x7FFFFFFF, v62;
	s28 =	sxor.u32 $0x80000000, s2  }
.LBB2_31:
0x23f: {  	s1 =	smov.u32 s24;
	p0 =	sne.s32 s0, $0x0;
	p1 =	sgt.s32 s24, s28  }
0x240: {  	s2 =	smov.u32 s0;
	s0 =	sadd.s32 $0xFFFFFFF0, s0;
	s24 =	smov.u32 s28;
	(xrf0) =	vmax.scan.msk.u32 $0xffff, v11  }
0x241: {  	s24 =	smov.u32 @p1 s1;
	v11, _, _ =	vpop (xrf0)  }
0x242: {  	v12 =	vxor.u32 $0x80000000, v11;
	v11 =	vsub.s32 v6, v11;
	v6, _, _ =	vpop (xrf0);
	s1 =	spop (v2sf)  }
.Ltmp27:
0x243: {  	(xrf0) =	vadd.scan.msk.s32 $0xffff, v9;
	(v2sf) =	vpush v6, $0xF;
	s1 =	sadd.s32 s1, s30;
	v6 =	vmov v9;
	(pc) =	sbr.rel @p0 .LBB2_31-.Ltmp27, $4  }
0x244: {  	(xrf0) =	vmax.scan.msk.u32 $0xffff, v12;
	s30 =	sadd.s32 $0x80000000, s1  }
0x245: {  	s31 =	sadd.s32 $0xFFFFFFF0, s31;
	v13 =	vor.u32 s29, v3;
	s29 =	smov.u32 s26;
	s26 =	smov.u32 s25;
	v14 =	vadd.s32 s30, v10;
	v10 =	vmovc v7;
	v7 =	vmovc v8;
	v8 =	vmov v11  }
0x246: {  	s25 =	smov.u32 s22;
	s22 =	smov.u32 s23;
	v9 =	vld [tilespmem:s31+$0x0];
	vm0 =	vgt.s32 v14, $0x3E7;
	v12, _, _ =	vpop (xrf0);
	s1 =	spop (v2sf)  }
0x247: {  	s23 =	smov.u32 s2;
	v11 =	vnsel vm0, $0x7FFFFFFF, v13;
	(v2sf) =	vpush v12, $0xF;
	s28 =	sxor.u32 $0x80000000, s1  }
0x248: {  	_ =	sdelay $0x1  }
0x249: {  	(xrf0) =	vmax.scan.msk.u32 $0xffff, v11  }
0x24a: {  	(xrf0) =	vadd.scan.msk.s32 $0xffff, v9  }
0x24b: {  	s0 =	spop (v2sf)  }
0x24c: {  	s0 =	sadd.s32 s0, s30  }
0x24d: {  	v53, _, _ =	vpop (xrf0);
	s0 =	sadd.s32 $0x80000000, s0  }
0x24e: {  	v12, _, _ =	vpop (xrf0);
	v10 =	vadd.s32 s0, v10  }
0x24f: {  	v14 =	vor.u32 s29, v3;
	v13 =	vxor.u32 $0x80000000, v53;
	vm0 =	vgt.s32 v10, $0x3E7;
	v54, _, _ =	vpop (xrf0)  }
0x250: {  	(xrf0) =	vmax.scan.msk.u32 $0xffff, v13;
	v55 =	vnsel vm0, $0x7FFFFFFF, v14;
	v56, _, _ =	vpop (xrf0)  }
0x251: {  	(xrf0) =	vmax.scan.msk.u32 $0xffff, v55;
	v57 =	vxor.u32 $0x80000000, v56  }
0x252: {  	(xrf0) =	vmax.scan.msk.u32 $0xffff, v57;
	_ =	sdelay $0x2  }
0x253: {  	(v2sf) =	vpush v12, $0xF  }
0x254: {  	(v2sf) =	vpush v54, $0xF;
	v58, _, _ =	vpop (xrf0)  }
0x255: {  	(v2sf) =	vpush v58, $0xF;
	v59, _, _ =	vpop (xrf0)  }
0x256: {  	(v2sf) =	vpush v59, $0xF;
	v60, _, _ =	vpop (xrf0)  }
0x257: {  	(v2sf) =	vpush v60, $0xF;
	_ =	sdelay $0x7  }
0x258: {  	s1 =	spop (v2sf)  }
0x259: {  	s2 =	spop (v2sf)  }
0x25a: {  	s0 =	sadd.s32 s2, s0;
	s29 =	spop (v2sf)  }
0x25b: {  	s0 =	sadd.s32 $0x80000000, s0;
	s30 =	spop (v2sf)  }
0x25c: {  	v7 =	vadd.s32 s0, v7;
	s0 =	sadd.s32 s30, s0;
	s2 =	spop (v2sf)  }
0x25d: {  	v61 =	vor.u32 s26, v3;
	vm12 =	vgt.s32 v7, $0x3E7;
	s0 =	sadd.s32 $0x80000000, s0;
	s31 =	spop (v2sf)  }
0x25e: {  	v7 =	vnsel vm12, $0x7FFFFFFF, v61;
	v8 =	vadd.s32 s0, v8;
	s0 =	sadd.s32 s31, s0;
	s30 =	spop (v2sf)  }
0x25f: {  	v6 =	vsub.s32 v6, v53;
	(xrf0) =	vmax.scan.msk.u32 $0xffff, v7;
	v7 =	vor.u32 s25, v3;
	vm13 =	vgt.s32 v8, $0x3E7;
	s0 =	sadd.s32 $0x80000000, s0;
	s31 =	spop (v2sf)  }
0x260: {  	v7 =	vnsel vm13, $0x7FFFFFFF, v7;
	v6 =	vadd.s32 s0, v6;
	s0 =	sadd.s32 s31, s0  }
0x261: {  	v62 =	vor.u32 s22, v3;
	v63 =	vsub.s32 v9, v56;
	(xrf0) =	vmax.scan.msk.u32 $0xffff, v7;
	vm14 =	vgt.s32 v6, $0x3E7;
	s0 =	sadd.s32 $0x80000000, s0  }
0x262: {  	v6 =	vnsel vm14, $0x7FFFFFFF, v62;
	v7 =	vadd.s32 s0, v63  }
0x263: {  	(xrf0) =	vmax.scan.msk.u32 $0xffff, v6;
	v6 =	vor.u32 s23, v3;
	vm15 =	vgt.s32 v7, $0x3E7  }
0x264: {  	v6 =	vnsel vm15, $0x7FFFFFFF, v6  }
0x265: {  	v7, _, _ =	vpop (xrf0);
	(xrf0) =	vmax.scan.msk.u32 $0xffff, v6  }
0x266: {  	(v2sf) =	vpush v7, $0xF  }
0x267: {  	v6, _, _ =	vpop (xrf0)  }
0x268: {  	(v2sf) =	vpush v6, $0xF  }
0x269: {  	v6, _, _ =	vpop (xrf0)  }
0x26a: {  	(v2sf) =	vpush v6, $0xF  }
0x26b: {  	v6, _, _ =	vpop (xrf0)  }
0x26c: {  	(v2sf) =	vpush v6, $0xF  }
0x26d: {  	p0 =	sgt.s32 s24, s28  }
0x26e: {  	s28 =	smov.u32 @p0 s24;
	s0 =	sxor.u32 $0x80000000, s1  }
0x26f: {  	p0 =	sgt.s32 s28, s0  }
0x270: {  	s1 =	sxor.u32 $0x80000000, s29;
	s0 =	smov.u32 @p0 s28  }
0x271: {  	p0 =	sgt.s32 s0, s1  }
0x272: {  	s1 =	smov.u32 @p0 s0;
	s0 =	sxor.u32 $0x80000000, s2  }
0x273: {  	p0 =	sgt.s32 s1, s0  }
0x274: {  	s0 =	smov.u32 @p0 s1;
	s1 =	sxor.u32 $0x80000000, s30  }
0x275: {  	p0 =	sgt.s32 s0, s1;
	s28 =	spop (v2sf)  }
0x276: {  	s1 =	smov.u32 @p0 s0;
	s0 =	sxor.u32 $0x80000000, s28  }
0x277: {  	p0 =	sgt.s32 s1, s0;
	s29 =	spop (v2sf)  }
0x278: {  	s0 =	smov.u32 @p0 s1;
	s1 =	sxor.u32 $0x80000000, s29  }
0x279: {  	s30 =	spop (v2sf);
	p0 =	sgt.s32 s0, s1  }
0x27a: {  	s2 =	sxor.u32 $0x80000000, s30;
	s1 =	smov.u32 @p0 s0  }
0x27b: {  	p0 =	sgt.s32 s1, s2;
	s31 =	spop (v2sf)  }
0x27c: {  	s2 =	smov.u32 @p0 s1;
	s0 =	sxor.u32 $0x80000000, s31  }
0x27d: {  	p0 =	sgt.s32 s2, s0  }
0x27e: {  	s22 =	simm.s32 $0x40;
	s23 =	simm.s32 $0x0;
	s0 =	smov.u32 @p0 s2  }
.LBB2_33:
0x27f: {  	p0 =	sne.s32 s22, $0x1FC0;
	[tilespmem:s23+$0x17900] =	vst v4;
	s1 =	smov.u32 s22;
	s22 =	sadd.s32 $0x40, s22  }
.Ltmp28:
0x280: {  	[tilespmem:s23+$0x18100] =	vst v5;
	(pc) =	sbr.rel @p0 .LBB2_33-.Ltmp28, $2  }
0x281: {  	_ =	sdelay $0x2  }
0x282: {  	s23 =	sshra.s32 s1, $0x2  }
.Ltmp29:
0x283: {  	(pc) =	sbr.rel .LBB2_35-.Ltmp29, $4  }
0x284: {  	p0 =	sgt.s32 s0, $0x1  }
0x285: {  	[tilespmem:s23+$0x17900] =	vst v4;
	s0 =	simm.s32 @!p0 $0x1  }
0x286: {  	[tilespmem:s23+$0x18100] =	vst v5;
	s22 =	simm.s32 $0x0;
	s23 =	simm.s32 $0x0;
	s0 =	sadd.s32 $0xFFFFFFFF, s0  }
0x287: {  	v7 =	vimm.s32 $0x0;
	[tilespmem:s22], [sflag:$0x1] =	stream.linear.gather [hbm4b:s10+s22], $0x9C40, $0x38;
	v6 =	vmov s0;
	[tilespmem:$0x18900] =	vst v63  }
.LBB2_40:
0x288: {  	s23 =	sadd.s32 $0x1, s23  }
0x289: {  	p0 =	sne.s32 s23, $0x19  }
.Ltmp30:
0x28a: {  	_ = 	snop;
	(pc) =	sbr.rel @!p0 .LBB2_41-.Ltmp30, $2  }
0x28b: {  	_ =	sdelay $0x2  }
0x28c: {  	s22 =	sadd.s32 $0x9C40, s22  }
.LBB2_35:
0x28d: {  	s0 =	sand.u32 $0x1, s23  }
0x28e: {  	p0 =	seq.s32 s0, $0x1  }
.Ltmp31:
0x28f: {  	_ = 	snop;
	(pc) =	sbr.rel @p0 .LBB2_38-.Ltmp31, $1  }
0x290: {  	_ =	sdelay $0x3  }
0x291: {  	s0 =	sor.u32 $0x1, s23  }
0x292: {  	p0 =	sgt.u32 s0, $0x18  }
0x293: {  	s0 =	smul.u32 @!p0 $0x9C40, s0;
	_ =	sdelay $0x1  }
0x294: {  	s0 =	sadd.s32 @!p0 s5, s0  }
0x295: {  	s0 =	sshrl.u32 @!p0 s0, $0x3  }
0x296: {  	s1 =	simm.s32 @!p0 $0x0;
	s2 =	simm.s32 @!p0 $0x9C80;
	s0 =	sadd.s32 @!p0 s4, s0  }
0x297: {  	[tilespmem:s2], [sflag:$0x2] =	stream.linear.gather @!p0 [hbm4b:s0+s1], $0x9C40, $0x38;
	[tilespmem:$0x18900] =	vst v63  }
0x298: {  	_ =	swait.ge [sflag:s15], $0x9C40  }
0x299: {  	[sflag:s15] =	ssyncset.done $0x0  }
0x29a: {  	s24 =	simm.s32 $0x0;
	s25 =	simm.s32 $0x20;
	[sflag:s15] =	ssyncadd.s32 $0xFFFF63C0  }
.LBB2_37:
0x29b: {  	v8 =	vld [tilespmem:s25+$0xFFFFFFE0];
	_ =	sdelay $0x4  }
0x29c: {  	v9 =	vshra.s32 v8, $0x1F  }
0x29d: {  	v9 =	vor.u32 $0x80000000, v9  }
0x29e: {  	v9 =	vxor.u32 v8, v9  }
0x29f: {  	v9 =	vshrl.u32 v9, $0x12  }
0x2a0: {  	vm0 =	vge.u32 v9, v6  }
0x2a1: {  	v9 =	vsel vm0, $0x1, v0  }
0x2a2: {  	(xrf0) =	vadd.scan.msk.s32 $0xffff, v9;
	_ =	sdelay $0x5  }
0x2a3: {  	v9, _, _ =	vpop (xrf0)  }
0x2a4: {  	v9 =	vadd.s32 v9, v7  }
0x2a5: {  	v9 =	vadd.s32 $0xFFFFFFFF, v9  }
0x2a6: {  	vm1 =	vlt.s32 v9, $0x800  }
0x2a7: {  	vm1 =	vmand vm0, vm1;
	_ =	sdelay $0x4  }
0x2a8: {  	s0 =	sadd.s32 s24, s22  }
0x2a9: {  	[tilespmem:v9+s17+$0x0] =	vst.idx.msk vm1, v8;
	v8 =	vor.u32 s0, v2  }
0x2aa: {  	[tilespmem:v9+s18+$0x0] =	vst.idx.msk vm1, v8  }
0x2ab: {  	v8 =	vld [tilespmem:s25+$0xFFFFFFF0];
	_ =	sdelay $0x4  }
0x2ac: {  	v55 =	vshra.s32 v8, $0x1F  }
0x2ad: {  	v9 =	vor.u32 $0x80000000, v55  }
0x2ae: {  	v9 =	vxor.u32 v8, v9  }
0x2af: {  	v9 =	vshrl.u32 v9, $0x12  }
0x2b0: {  	vm10 =	vge.u32 v9, v6  }
0x2b1: {  	v9 =	vsel vm10, $0x1, v0  }
0x2b2: {  	(xrf0) =	vadd.scan.msk.s32 $0xffff, v9;
	_ =	sdelay $0x3  }
0x2b3: {  	v56 =	vmpcnt.ones.xlane vm0;
	_ =	sdelay $0x1  }
0x2b4: {  	v7 =	vadd.s32 v7, v56;
	v57, _, _ =	vpop (xrf0)  }
0x2b5: {  	v9 =	vadd.s32 v57, v7  }
0x2b6: {  	v9 =	vadd.s32 $0xFFFFFFFF, v9  }
0x2b7: {  	vm11 =	vlt.s32 v9, $0x800  }
0x2b8: {  	vm0 =	vmand vm10, vm11;
	_ =	sdelay $0x4  }
0x2b9: {  	s1 =	sadd.s32 $0x10, s0  }
0x2ba: {  	[tilespmem:v9+s17+$0x0] =	vst.idx.msk vm0, v8;
	v8 =	vor.u32 s1, v2  }
0x2bb: {  	[tilespmem:v9+s18+$0x0] =	vst.idx.msk vm0, v8  }
0x2bc: {  	v8 =	vld [tilespmem:s25+$0x0];
	_ =	sdelay $0x4  }
0x2bd: {  	v58 =	vshra.s32 v8, $0x1F  }
0x2be: {  	v9 =	vor.u32 $0x80000000, v58  }
0x2bf: {  	v9 =	vxor.u32 v8, v9  }
0x2c0: {  	v9 =	vshrl.u32 v9, $0x12  }
0x2c1: {  	vm12 =	vge.u32 v9, v6  }
0x2c2: {  	v9 =	vsel vm12, $0x1, v0  }
0x2c3: {  	(xrf0) =	vadd.scan.msk.s32 $0xffff, v9;
	_ =	sdelay $0x3  }
0x2c4: {  	v59 =	vmpcnt.ones.xlane vm10;
	_ =	sdelay $0x1  }
0x2c5: {  	v7 =	vadd.s32 v7, v59;
	v60, _, _ =	vpop (xrf0)  }
0x2c6: {  	v9 =	vadd.s32 v60, v7  }
0x2c7: {  	v9 =	vadd.s32 $0xFFFFFFFF, v9  }
0x2c8: {  	vm13 =	vlt.s32 v9, $0x800  }
0x2c9: {  	vm1 =	vmand vm12, vm13;
	_ =	sdelay $0x4  }
0x2ca: {  	s31 =	sadd.s32 $0x20, s0  }
0x2cb: {  	[tilespmem:v9+s17+$0x0] =	vst.idx.msk vm1, v8;
	v8 =	vor.u32 s31, v2  }
0x2cc: {  	[tilespmem:v9+s18+$0x0] =	vst.idx.msk vm1, v8  }
0x2cd: {  	v8 =	vld [tilespmem:s25+$0x10];
	_ =	sdelay $0x4  }
0x2ce: {  	v61 =	vshra.s32 v8, $0x1F  }
0x2cf: {  	v9 =	vor.u32 $0x80000000, v61  }
0x2d0: {  	v9 =	vxor.u32 v8, v9  }
0x2d1: {  	v9 =	vshrl.u32 v9, $0x12  }
0x2d2: {  	vm14 =	vge.u32 v9, v6  }
0x2d3: {  	v9 =	vsel vm14, $0x1, v0  }
0x2d4: {  	(xrf0) =	vadd.scan.msk.s32 $0xffff, v9;
	_ =	sdelay $0x3  }
0x2d5: {  	v62 =	vmpcnt.ones.xlane vm12;
	_ =	sdelay $0x1  }
0x2d6: {  	v7 =	vadd.s32 v7, v62;
	v63, _, _ =	vpop (xrf0)  }
0x2d7: {  	v9 =	vadd.s32 v63, v7  }
0x2d8: {  	v9 =	vadd.s32 $0xFFFFFFFF, v9  }
0x2d9: {  	vm15 =	vlt.s32 v9, $0x800  }
0x2da: {  	vm0 =	vmand vm14, vm15;
	_ =	sdelay $0x1  }
0x2db: {  	p0 =	seq.s32 s24, $0x9C00  }
.Ltmp32:
0x2dc: {  	_ = 	snop;
	(pc) =	sbr.rel @!p0 .LBB2_37-.Ltmp32, $4  }
0x2dd: {  	_ = 	snop  }
0x2de: {  	s0 =	sadd.s32 $0x30, s0;
	v10 =	vmpcnt.ones.xlane vm14  }
0x2df: {  	[tilespmem:v9+s17+$0x0] =	vst.idx.msk vm0, v8;
	v8 =	vor.u32 s0, v2  }
0x2e0: {  	s24 =	sadd.s32 $0x40, s24;
	s25 =	sadd.s32 $0x40, s25;
	v7 =	vadd.s32 v7, v10;
	[tilespmem:v9+s18+$0x0] =	vst.idx.msk vm0, v8  }
.Ltmp33:
0x2e1: {  	_ = 	snop;
	(pc) =	sbr.rel .LBB2_40-.Ltmp33, $1  }
0x2e2: {  	_ =	sdelay $0x3  }
.LBB2_38:
0x2e3: {  	s0 =	smul.u32 $0x9C40, s23;
	_ =	sdelay $0x1  }
0x2e4: {  	s0 =	sadd.s32 s0, s11  }
0x2e5: {  	s0 =	sshrl.u32 s0, $0x3  }
0x2e6: {  	s24 =	simm.s32 $0x0;
	s0 =	sadd.s32 s4, s0  }
0x2e7: {  	[tilespmem:s24], [sflag:$0x1] =	stream.linear.gather [hbm4b:s0+s24], $0x9C40, $0x38;
	[tilespmem:$0x18900] =	vst v63  }
0x2e8: {  	_ =	swait.ge [sflag:s20], $0x9C40  }
0x2e9: {  	[sflag:s20] =	ssyncset.done $0x0  }
0x2ea: {  	s25 =	simm.s32 $0x9CA0;
	[sflag:s20] =	ssyncadd.s32 $0xFFFF63C0  }
.LBB2_39:
0x2eb: {  	v8 =	vld [tilespmem:s25+$0xFFFFFFE0];
	_ =	sdelay $0x4  }
0x2ec: {  	v9 =	vshra.s32 v8, $0x1F  }
0x2ed: {  	v9 =	vor.u32 $0x80000000, v9  }
0x2ee: {  	v9 =	vxor.u32 v8, v9  }
0x2ef: {  	v9 =	vshrl.u32 v9, $0x12  }
0x2f0: {  	vm0 =	vge.u32 v9, v6  }
0x2f1: {  	v9 =	vsel vm0, $0x1, v0  }
0x2f2: {  	(xrf0) =	vadd.scan.msk.s32 $0xffff, v9;
	_ =	sdelay $0x5  }
0x2f3: {  	v9, _, _ =	vpop (xrf0)  }
0x2f4: {  	v9 =	vadd.s32 v9, v7  }
0x2f5: {  	v9 =	vadd.s32 $0xFFFFFFFF, v9  }
0x2f6: {  	vm1 =	vlt.s32 v9, $0x800  }
0x2f7: {  	vm1 =	vmand vm0, vm1;
	_ =	sdelay $0x4  }
0x2f8: {  	s0 =	sadd.s32 s24, s22  }
0x2f9: {  	[tilespmem:v9+s17+$0x0] =	vst.idx.msk vm1, v8;
	v8 =	vor.u32 s0, v2  }
0x2fa: {  	[tilespmem:v9+s18+$0x0] =	vst.idx.msk vm1, v8  }
0x2fb: {  	v8 =	vld [tilespmem:s25+$0xFFFFFFF0];
	_ =	sdelay $0x4  }
0x2fc: {  	v55 =	vshra.s32 v8, $0x1F  }
0x2fd: {  	v9 =	vor.u32 $0x80000000, v55  }
0x2fe: {  	v9 =	vxor.u32 v8, v9  }
0x2ff: {  	v9 =	vshrl.u32 v9, $0x12  }
0x300: {  	vm10 =	vge.u32 v9, v6  }
0x301: {  	v9 =	vsel vm10, $0x1, v0  }
0x302: {  	(xrf0) =	vadd.scan.msk.s32 $0xffff, v9;
	_ =	sdelay $0x3  }
0x303: {  	v56 =	vmpcnt.ones.xlane vm0;
	_ =	sdelay $0x1  }
0x304: {  	v7 =	vadd.s32 v7, v56;
	v57, _, _ =	vpop (xrf0)  }
0x305: {  	v9 =	vadd.s32 v57, v7  }
0x306: {  	v9 =	vadd.s32 $0xFFFFFFFF, v9  }
0x307: {  	vm11 =	vlt.s32 v9, $0x800  }
0x308: {  	vm0 =	vmand vm10, vm11;
	_ =	sdelay $0x4  }
0x309: {  	s1 =	sadd.s32 $0x10, s0  }
0x30a: {  	[tilespmem:v9+s17+$0x0] =	vst.idx.msk vm0, v8;
	v8 =	vor.u32 s1, v2  }
0x30b: {  	[tilespmem:v9+s18+$0x0] =	vst.idx.msk vm0, v8  }
0x30c: {  	v8 =	vld [tilespmem:s25+$0x0];
	_ =	sdelay $0x4  }
0x30d: {  	v58 =	vshra.s32 v8, $0x1F  }
0x30e: {  	v9 =	vor.u32 $0x80000000, v58  }
0x30f: {  	v9 =	vxor.u32 v8, v9  }
0x310: {  	v9 =	vshrl.u32 v9, $0x12  }
0x311: {  	vm12 =	vge.u32 v9, v6  }
0x312: {  	v9 =	vsel vm12, $0x1, v0  }
0x313: {  	(xrf0) =	vadd.scan.msk.s32 $0xffff, v9;
	_ =	sdelay $0x3  }
0x314: {  	v59 =	vmpcnt.ones.xlane vm10;
	_ =	sdelay $0x1  }
0x315: {  	v7 =	vadd.s32 v7, v59;
	v60, _, _ =	vpop (xrf0)  }
0x316: {  	v9 =	vadd.s32 v60, v7  }
0x317: {  	v9 =	vadd.s32 $0xFFFFFFFF, v9  }
0x318: {  	vm13 =	vlt.s32 v9, $0x800  }
0x319: {  	vm1 =	vmand vm12, vm13;
	_ =	sdelay $0x4  }
0x31a: {  	s31 =	sadd.s32 $0x20, s0  }
0x31b: {  	[tilespmem:v9+s17+$0x0] =	vst.idx.msk vm1, v8;
	v8 =	vor.u32 s31, v2  }
0x31c: {  	[tilespmem:v9+s18+$0x0] =	vst.idx.msk vm1, v8  }
0x31d: {  	v8 =	vld [tilespmem:s25+$0x10];
	_ =	sdelay $0x4  }
0x31e: {  	v61 =	vshra.s32 v8, $0x1F  }
0x31f: {  	v9 =	vor.u32 $0x80000000, v61  }
0x320: {  	v9 =	vxor.u32 v8, v9  }
0x321: {  	v9 =	vshrl.u32 v9, $0x12  }
0x322: {  	vm14 =	vge.u32 v9, v6  }
0x323: {  	v9 =	vsel vm14, $0x1, v0  }
0x324: {  	(xrf0) =	vadd.scan.msk.s32 $0xffff, v9;
	_ =	sdelay $0x3  }
0x325: {  	v62 =	vmpcnt.ones.xlane vm12;
	_ =	sdelay $0x1  }
0x326: {  	v7 =	vadd.s32 v7, v62;
	v63, _, _ =	vpop (xrf0)  }
0x327: {  	v9 =	vadd.s32 v63, v7  }
0x328: {  	v9 =	vadd.s32 $0xFFFFFFFF, v9  }
0x329: {  	vm15 =	vlt.s32 v9, $0x800  }
0x32a: {  	vm0 =	vmand vm14, vm15;
	_ =	sdelay $0x1  }
0x32b: {  	p0 =	sne.s32 s24, $0x9C00  }
.Ltmp34:
0x32c: {  	_ = 	snop;
	(pc) =	sbr.rel @p0 .LBB2_39-.Ltmp34, $4  }
0x32d: {  	_ = 	snop  }
0x32e: {  	s0 =	sadd.s32 $0x30, s0;
	v10 =	vmpcnt.ones.xlane vm14  }
0x32f: {  	[tilespmem:v9+s17+$0x0] =	vst.idx.msk vm0, v8;
	v8 =	vor.u32 s0, v2  }
0x330: {  	s24 =	sadd.s32 $0x40, s24;
	s25 =	sadd.s32 $0x40, s25;
	v7 =	vadd.s32 v7, v10;
	[tilespmem:v9+s18+$0x0] =	vst.idx.msk vm0, v8  }
.Ltmp35:
0x331: {  	_ = 	snop;
	(pc) =	sbr.rel .LBB2_40-.Ltmp35, $1  }
0x332: {  	_ =	sdelay $0x3  }
.LBB2_42:
0x333: {  	_ =	sfence.sel $0x180000  }
0x334: {  	[bflag:$0x0] =	sbarrier.arrive $0xFFFF  }
0x335: {  	_ =	strace $0x90000047  }
0x336: {  	s0 =	stileid.u32;
	[bflag:$0x2] =	sbarrier.arrive $0xFFFF  }
0x337: {  	p0 =	sne.s32 s0, $0x0;
	s0 =	rddreg [dreg:$0x3]  }
0x338: {  	s0 =	sadd.s32 @!p0 $0x100000, s0  }
0x339: {  	[sflag:s0] =	ssyncadd.tile.s32 @!p0 $0x1;
	_ =	shalt  }
.Lfunc_end2:
_tile_overlayer_lowered:
.L_overlay_start_2:
0x33a: {  	(tag) =	ssettag $0x2  }
0x33b: {  	s0 =	rddreg [dreg:$0x0];
	s2 =	stileid.u32  }
0x33c: {  	s1 =	rddreg [dreg:$0x1];
	p0 =	sne.s32 s2, $0x0  }
0x33d: {  	s3 =	rddreg [dreg:$0x2];
	[bflag:$0x3] =	sbarrier.arrive $0xFFFF;
	s2 =	simm.s32 @!p0 $0x1C03  }
0x33e: {  	[timem:s3], [sflag:s2] =	dma.local @!p0 [hbm:s0], s1  }
0x33f: {  	s0 =	simm.s32 @!p0 $0x3  }
0x340: {  	_ =	swait.ge @!p0 [sflag:s0], s1  }
0x341: {  	s1 =	ssub.s32 @!p0 $0x0, s1;
	[sflag:s0] =	ssyncset.done @!p0 $0x0  }
0x342: {  	[sflag:s0] =	ssyncadd.s32 @!p0 s1  }
0x343: {  	[bflag:$0x3] =	sbarrier.arrive $0xFFFF  }
0x344: {  	_ =	shalt  }

</sc_bundles>
